<compile_context>
chip_gen: v7x
topology: tpu7x:2x2x1
jax: 0.10.2.dev20260603
libtpu: 0.0.44.dev20260713+nightly
codegen_flags: <defaults>
</compile_context>

<pallas_src>
import jax
import jax.numpy as jnp
from jax import lax
from jax.experimental import pallas as pl
from jax.experimental.pallas import tpu as pltpu
from jax.experimental.pallas import tpu_sc as plsc

_ALPHA = 0.1
_BETA = 0.9
_NUMK = 4

_NC = 2
_NS = 16
_NW = _NC * _NS
_CH = 125
_WIN = 5120
_ACC_R = 5248


def _remap_windows(didx_v, dloc_v, nchunks):

    def remap_row(j, carry):
        for w in range(2):
            base = w * _WIN
            for o in (0, 16, 32, 48, 64, 80, 96, _CH - 16):
                v = didx_v.at[j][pl.ds(o, 16)]
                loc = v - base
                ok = (loc >= 0) & (loc < _WIN)
                dloc_v.at[w].at[j][pl.ds(o, 16)] = jnp.where(ok, loc, _WIN)
        return carry

    lax.fori_loop(0, nchunks, remap_row, 0)


def _remap_one_window(didx_v, dw_v, nchunks, base):

    def remap_row(j, carry):
        for o in (0, 16, 32, 48, 64, 80, 96, _CH - 16):
            v = didx_v.at[j][pl.ds(o, 16)]
            loc = v - base
            ok = (loc >= 0) & (loc < _WIN)
            dw_v.at[j][pl.ds(o, 16)] = jnp.where(ok, loc, _WIN)
        return carry

    lax.fori_loop(0, nchunks, remap_row, 0)


def _deg_body(dst3_hbm, zerosd_hbm, onesd_hbm, degp_hbm,
              didx_v, dloc_v, ones_v, acc_sh, *ssems):
    nchunks = dst3_hbm.shape[1]
    rows_per_s = _ACC_R // _NS
    c = lax.axis_index("c")
    s = lax.axis_index("s")
    wid = s * _NC + c
    row0 = s * rows_per_s
    pltpu.sync_copy(dst3_hbm.at[wid], didx_v)
    pltpu.sync_copy(onesd_hbm, ones_v)
    _remap_windows(didx_v, dloc_v, nchunks)

    nbuf = len(ssems)
    for w in range(2):
        dw = dloc_v.at[w]
        pltpu.sync_copy(
            zerosd_hbm.at[pl.ds(row0, rows_per_s)],
            acc_sh.at[pl.ds(row0, rows_per_s)],
        )
        plsc.subcore_barrier()

        def quad(p, carry):
            j = p * nbuf
            for b in range(nbuf):
                @pl.when(j + b >= nbuf)
                def _():
                    pltpu.make_async_copy(
                        ones_v, acc_sh.at[dw.at[j + b - nbuf]], ssems[b]
                    ).wait()
                pltpu.async_copy(ones_v, acc_sh.at[dw.at[j + b]], ssems[b],
                                 add=True)
            return carry

        lax.fori_loop(0, nchunks // nbuf, quad, 0)
        for b in range(nbuf):
            pltpu.make_async_copy(
                ones_v, acc_sh.at[dw.at[nchunks - nbuf + b]], ssems[b]
            ).wait()
        plsc.subcore_barrier()
        pltpu.sync_copy(
            acc_sh.at[pl.ds(row0, rows_per_s)],
            degp_hbm.at[c].at[w].at[pl.ds(row0, rows_per_s)],
        )


def _round_body(g_hbm, src3_hbm, dst3_hbm, zerosd_hbm, accp_hbm,
                sidx_v, didx_v, dw_v, rows_v, acc_sh, *sems):
    nchunks = src3_hbm.shape[1]
    nbuf = rows_v.shape[0]
    rows_per_s = _ACC_R // _NS
    c = lax.axis_index("c")
    s = lax.axis_index("s")
    wid = s * _NC + c
    row0 = s * rows_per_s
    pltpu.sync_copy(src3_hbm.at[wid], sidx_v)
    pltpu.sync_copy(dst3_hbm.at[wid], didx_v)

    def window(w, wcarry):
        _remap_one_window(didx_v, dw_v, nchunks, w * _WIN)
        dw = dw_v
        pltpu.sync_copy(
            zerosd_hbm.at[pl.ds(row0, rows_per_s)],
            acc_sh.at[pl.ds(row0, rows_per_s)],
        )
        plsc.subcore_barrier()

        for b in range(nbuf):
            pltpu.async_copy(g_hbm.at[sidx_v.at[b]], rows_v.at[b], sems[b])

        def step(p, carry):
            j = p * nbuf
            for b in range(nbuf):
                @pl.when(j + b < nchunks)
                def _():
                    pltpu.make_async_copy(
                        g_hbm.at[sidx_v.at[j + b]], rows_v.at[b], sems[b]
                    ).wait()
                    pltpu.sync_copy(rows_v.at[b], acc_sh.at[dw.at[j + b]],
                                    add=True)

                    @pl.when(j + b + nbuf < nchunks)
                    def _():
                        pltpu.async_copy(
                            g_hbm.at[sidx_v.at[j + b + nbuf]], rows_v.at[b],
                            sems[b]
                        )
            return carry

        lax.fori_loop(0, -(-nchunks // nbuf), step, 0)
        plsc.subcore_barrier()
        pltpu.sync_copy(
            acc_sh.at[pl.ds(row0, rows_per_s)],
            accp_hbm.at[c].at[w].at[pl.ds(row0, rows_per_s)],
        )
        return wcarry

    lax.fori_loop(0, 2, window, 0)


def _sc_deg(dst3, zerosd, onesd):
    D = zerosd.shape[1]
    nchunks = dst3.shape[1]
    mesh = plsc.VectorSubcoreMesh(core_axis_name="c", subcore_axis_name="s")
    return pl.kernel(
        _deg_body,
        out_type=jax.ShapeDtypeStruct((_NC, 2, _ACC_R, D), jnp.float32),
        mesh=mesh,
        scratch_types=[
            pltpu.VMEM((nchunks, _CH), jnp.int32),
            pltpu.VMEM((2, nchunks, _CH), jnp.int32),
            pltpu.VMEM((_CH, D), jnp.float32),
            pltpu.VMEM_SHARED((_ACC_R, D), jnp.float32),
            pltpu.SemaphoreType.DMA,
            pltpu.SemaphoreType.DMA,
            pltpu.SemaphoreType.DMA,
            pltpu.SemaphoreType.DMA,
        ],
    )(dst3, zerosd, onesd)


def _sc_round(g, src3, dst3, zerosd):
    N, D = g.shape
    nchunks = src3.shape[1]
    mesh = plsc.VectorSubcoreMesh(core_axis_name="c", subcore_axis_name="s")
    return pl.kernel(
        _round_body,
        out_type=jax.ShapeDtypeStruct((_NC, 2, _ACC_R, D), jnp.float32),
        mesh=mesh,
        scratch_types=[
            pltpu.VMEM((nchunks, _CH), jnp.int32),
            pltpu.VMEM((nchunks, _CH), jnp.int32),
            pltpu.VMEM((nchunks, _CH), jnp.int32),
            pltpu.VMEM((3, _CH, D), jnp.float32),
            pltpu.VMEM_SHARED((_ACC_R, D), jnp.float32),
        ] + [pltpu.SemaphoreType.DMA] * 3,
    )(g, src3, dst3, zerosd)


def _tc_dinv_g(degp, x):
    N, D = x.shape
    blk = 1024
    bpw = _WIN // blk

    def body(degp_ref, x_ref, dinv_ref, g_ref):
        deg = degp_ref[0, 0, :, :8] + degp_ref[1, 0, :, :8]
        dinv = jnp.where(deg > 0.0, lax.rsqrt(jnp.maximum(deg, 1.0)), 0.0)
        dinv_ref[...] = dinv
        g_ref[...] = x_ref[...] * dinv[:, :1]

    return pl.pallas_call(
        body,
        grid=(N // blk,),
        in_specs=[
            pl.BlockSpec((2, 1, blk, D), lambda i: (0, i // bpw, i % bpw, 0)),
            pl.BlockSpec((blk, D), lambda i: (i, 0)),
        ],
        out_specs=[
            pl.BlockSpec((blk, 8), lambda i: (i, 0)),
            pl.BlockSpec((blk, D), lambda i: (i, 0)),
        ],
        out_shape=[
            jax.ShapeDtypeStruct((N, 8), jnp.float32),
            jax.ShapeDtypeStruct((N, D), jnp.float32),
        ],
    )(degp, x)


def _tc_combine(accp, x, dinv8, scale):
    N, D = x.shape
    blk = 1024
    bpw = _WIN // blk

    def body(scale_ref, accp_ref, x_ref, dinv_ref, g_ref, h_ref):
        acc = accp_ref[0, 0] + accp_ref[1, 0]
        dv = dinv_ref[:, :1]
        hs = (_BETA * dv) * acc + _ALPHA * x_ref[...]
        g_ref[...] = hs * dv
        h_ref[...] = hs * scale_ref[0]

    return pl.pallas_call(
        body,
        grid=(N // blk,),
        in_specs=[
            pl.BlockSpec(memory_space=pltpu.SMEM),
            pl.BlockSpec((2, 1, blk, D), lambda i: (0, i // bpw, i % bpw, 0)),
            pl.BlockSpec((blk, D), lambda i: (i, 0)),
            pl.BlockSpec((blk, 8), lambda i: (i, 0)),
        ],
        out_specs=[
            pl.BlockSpec((blk, D), lambda i: (i, 0)),
            pl.BlockSpec((blk, D), lambda i: (i, 0)),
        ],
        out_shape=[
            jax.ShapeDtypeStruct((N, D), jnp.float32),
            jax.ShapeDtypeStruct((N, D), jnp.float32),
        ],
    )(scale, accp, x, dinv8)


@jax.jit
def kernel(x, edge_index):
    N, D = x.shape
    E = edge_index.shape[1]
    npad = -(-N // 1280) * 1280
    xp = jnp.pad(x, ((0, npad - N), (0, 0)))
    nchunks = E // _NW // _CH
    src3 = edge_index[0].reshape(_NW, nchunks, _CH)
    dst3 = edge_index[1].reshape(_NW, nchunks, _CH)
    onesd = jnp.ones((_CH, D), jnp.float32)
    zerosd = jnp.zeros((npad, D), jnp.float32)

    gamma = _BETA ** _NUMK + _ALPHA * sum(_BETA ** i for i in range(_NUMK))

    degp = _sc_deg(dst3, zerosd, onesd)
    dinv8, g = _tc_dinv_g(degp, xp)

    def round_step(k, carry):
        g, _ = carry
        accp = _sc_round(g, src3, dst3, zerosd)
        scale = jnp.where(k == _NUMK - 1, 1.0 / gamma, 1.0).reshape(1)
        return tuple(_tc_combine(accp, xp, dinv8, scale))

    _, out = lax.fori_loop(0, _NUMK, round_step, (g, g))
    return out[:N]

# --- scband reference (transcript-rebuilt; emitter-appended) ---
"""Pipeline reference for scband-mgdcf-66967130079601 (READ-ONLY COPY).

The authoritative reference and input builder live on the scoring server;
editing this copy changes nothing except your own understanding.
"""

import jax, jax.numpy as jnp
import numpy as np

K = 4
ALPHA = 0.1
BETA = 0.9

def compute_gamma(alpha, beta, k):
    return float(np.power(beta, k) + alpha * np.sum([np.power(beta, i) for i in range(k)]))


def setup_inputs(seed: int = 0) -> dict:
    key = jax.random.key(seed)
    k1, k2 = jax.random.split(key)
    N, E, D = 10000, 320000, 128
    x = jax.random.normal(k1, (N, D), dtype=jnp.float32)
    edge_index = jax.random.randint(k2, (2, E), 0, N, dtype=jnp.int32)
    return {"x": x, "edge_index": edge_index}


def reference(x, edge_index):
    # MGDCF forward (eval mode: all dropouts are identity since rates=0.0).
    N = x.shape[0]
    src = edge_index[0]
    dst = edge_index[1]
    # norm_adj: symmetric normalization w = deg(src)^-0.5 * deg(dst)^-0.5
    deg = jnp.zeros((N,), jnp.float32).at[dst].add(1.0)
    dinv = jnp.where(deg > 0, jnp.power(jnp.maximum(deg, 1.0), -0.5), 0.0)
    norm = dinv[src] * dinv[dst]
    # 'dt' defaults to zeros -> temporal weight exp(-dt) = 1
    dt = jnp.zeros_like(norm)
    w = norm * jnp.exp(-dt)
    gamma = compute_gamma(ALPHA, BETA, K)
    h0 = x
    h = h0
    for _ in range(K):
        # TemporalLightGCNLayer: weighted gather from src, scatter-add to dst
        msg = h[src] * w[:, None]
        h = jnp.zeros_like(h).at[dst].add(msg)
        h = h * BETA + h0 * ALPHA
    h = h / gamma
    return h

if __name__ == "__main__":
    import jax
    _d = setup_inputs()
    print(jax.jit(kernel)(*tuple(_d.values())))

</pallas_src>

<mosaic_0001>
#map = affine_map<(d0, d1) -> (0, 0, 0)>
#map1 = affine_map<(d0, d1) -> (0, 0)>
#map2 = affine_map<(d0, d1) -> (0, 0, 0, 0)>
module attributes {stable_mosaic.version = 14 : i64} {
  func.func @_deg_body(%arg0: i32, %arg1: i32, %arg2: memref<32x80x125xi32, #tpu.memory_space<hbm>>, %arg3: memref<10240x128xf32, #tpu.memory_space<hbm>>, %arg4: memref<125x128xf32, #tpu.memory_space<hbm>>, %arg5: memref<2x2x5248x128xf32, #tpu.memory_space<hbm>>, %arg6: memref<80x125xi32, #tpu.memory_space<vmem>>, %arg7: memref<2x80x125xi32, #tpu.memory_space<vmem>>, %arg8: memref<125x128xf32, #tpu.memory_space<vmem>>, %arg9: memref<5248x128xf32, #tpu.memory_space<vmem_shared>>, %arg10: memref<!tpu.dma_semaphore, #tpu.memory_space<semaphore_mem>>, %arg11: memref<!tpu.dma_semaphore, #tpu.memory_space<semaphore_mem>>, %arg12: memref<!tpu.dma_semaphore, #tpu.memory_space<semaphore_mem>>, %arg13: memref<!tpu.dma_semaphore, #tpu.memory_space<semaphore_mem>>) attributes {dimension_semantics = [#tpu.dimension_semantics<core_parallel>, #tpu.dimension_semantics<subcore_parallel>], iteration_bounds = array<i64: 2, 16>, scalar_prefetch = 0 : i64, scratch_operands = 8 : i64, tpu.core_type = #tpu.core_type<sc_vector_subcore>, window_params = [{transform_indices = #map}, {transform_indices = #map1}, {transform_indices = #map1}, {transform_indices = #map2}]} {
    %mul3A = arith.constant 2 : i32
    %mul3A_0 = arith.muli %arg1, %mul3A : i32
    %add3A = arith.addi %mul3A_0, %arg0 : i32
    %mul3A_1 = arith.constant 328 : i32
    %mul3A_2 = arith.muli %arg1, %mul3A_1 : i32
    "tpu.region"() ({
      %run_scoped3A_121 = tpu.sem_alloc : memref<!tpu.dma_semaphore, #tpu.memory_space<semaphore_mem>>
      %dma_start3A = arith.constant 0 : i32
      %dma_start3A_122 = arith.constant 0 : i32
      %dma_start3A_123 = tpu.memref_slice %arg2[%add3A, %dma_start3A, %dma_start3A_122] : memref<32x80x125xi32, #tpu.memory_space<hbm>> -> memref<1x80x125xi32, #tpu.memory_space<hbm>>
      %dma_start3A_124 = tpu.memref_squeeze %dma_start3A_123 : memref<1x80x125xi32, #tpu.memory_space<hbm>> -> memref<80x125xi32, #tpu.memory_space<hbm>>
      %dma_start3A_125 = arith.constant 0 : i32
      %dma_start3A_126 = arith.constant 0 : i32
      %dma_start3A_127 = tpu.memref_slice %arg2[%add3A, %dma_start3A_125, %dma_start3A_126] : memref<32x80x125xi32, #tpu.memory_space<hbm>> -> memref<1x80x125xi32, #tpu.memory_space<hbm>>
      %dma_start3A_128 = tpu.memref_squeeze %dma_start3A_127 : memref<1x80x125xi32, #tpu.memory_space<hbm>> -> memref<80x125xi32, #tpu.memory_space<hbm>>
      tpu.enqueue_dma source(%dma_start3A_128 : memref<80x125xi32, #tpu.memory_space<hbm>>) target(%arg6 : memref<80x125xi32, #tpu.memory_space<vmem>>) target_semaphore(%run_scoped3A_121 : memref<!tpu.dma_semaphore, #tpu.memory_space<semaphore_mem>>)
      %dma_wait3A_129 = arith.constant 0 : i32
      %dma_wait3A_130 = arith.constant 0 : i32
      %dma_wait3A_131 = tpu.memref_slice %arg2[%add3A, %dma_wait3A_129, %dma_wait3A_130] : memref<32x80x125xi32, #tpu.memory_space<hbm>> -> memref<1x80x125xi32, #tpu.memory_space<hbm>>
      %dma_wait3A_132 = tpu.memref_squeeze %dma_wait3A_131 : memref<1x80x125xi32, #tpu.memory_space<hbm>> -> memref<80x125xi32, #tpu.memory_space<hbm>>
      %dma_wait3A_133 = arith.constant 0 : i32
      %dma_wait3A_134 = arith.constant 0 : i32
      %dma_wait3A_135 = tpu.memref_slice %arg2[%add3A, %dma_wait3A_133, %dma_wait3A_134] : memref<32x80x125xi32, #tpu.memory_space<hbm>> -> memref<1x80x125xi32, #tpu.memory_space<hbm>>
      %dma_wait3A_136 = tpu.memref_squeeze %dma_wait3A_135 : memref<1x80x125xi32, #tpu.memory_space<hbm>> -> memref<80x125xi32, #tpu.memory_space<hbm>>
      tpu.wait_dma2 semaphore(%run_scoped3A_121 : memref<!tpu.dma_semaphore, #tpu.memory_space<semaphore_mem>>) src(%dma_wait3A_136 : memref<80x125xi32, #tpu.memory_space<hbm>>) dst(%arg6 : memref<80x125xi32, #tpu.memory_space<vmem>>)
      tpu.yield
    }) : () -> ()
    "tpu.region"() ({
      %run_scoped3A_121 = tpu.sem_alloc : memref<!tpu.dma_semaphore, #tpu.memory_space<semaphore_mem>>
      tpu.enqueue_dma source(%arg4 : memref<125x128xf32, #tpu.memory_space<hbm>>) target(%arg8 : memref<125x128xf32, #tpu.memory_space<vmem>>) target_semaphore(%run_scoped3A_121 : memref<!tpu.dma_semaphore, #tpu.memory_space<semaphore_mem>>)
      tpu.wait_dma2 semaphore(%run_scoped3A_121 : memref<!tpu.dma_semaphore, #tpu.memory_space<semaphore_mem>>) src(%arg4 : memref<125x128xf32, #tpu.memory_space<hbm>>) dst(%arg8 : memref<125x128xf32, #tpu.memory_space<vmem>>)
      tpu.yield
    }) : () -> ()
    %scan3A = arith.constant 0 : i32
    %scan3A_3 = arith.constant 0 : i32
    %scan3A_4 = arith.constant 80 : i32
    %scan3A_5 = arith.addi %scan3A_3, %scan3A_4 : i32
    %scan3A_6 = arith.constant 1 : i32
    scf.for %scan3A_121 = %scan3A_3 to %scan3A_5 step %scan3A_6  : i32 {
      %get3A = arith.constant 0 : i32
      %get3A_122 = tpu.memref_slice %arg6[%scan3A_121, %get3A] : memref<80x125xi32, #tpu.memory_space<vmem>> -> memref<1x125xi32, #tpu.memory_space<vmem>>
      %get3A_123 = tpu.memref_squeeze %get3A_122 : memref<1x125xi32, #tpu.memory_space<vmem>> -> memref<125xi32, #tpu.memory_space<vmem>>
      %get3A_124 = arith.constant 0 : index
      %get3A_125 = tpu.vector_load %get3A_123[%get3A_124] {strides = array<i32>} : memref<125xi32, #tpu.memory_space<vmem>>, vector<16xi32>,
      %get3A_126 = vector.shape_cast %get3A_125 : vector<16xi32> to vector<16xi32>
      %sub3A = arith.constant 0 : i32
      %sub3A_127 = vector.broadcast %sub3A : i32 to vector<16xi32>
      %sub3A_128 = arith.subi %get3A_126, %sub3A_127 : vector<16xi32>
      %ge3A = arith.constant 0 : i32
      %ge3A_129 = vector.broadcast %ge3A : i32 to vector<16xi32>
      %ge3A_130 = arith.cmpi sge, %sub3A_128, %ge3A_129 : vector<16xi32>
      %lt3A = arith.constant 5120 : i32
      %lt3A_131 = vector.broadcast %lt3A : i32 to vector<16xi32>
      %lt3A_132 = arith.cmpi slt, %sub3A_128, %lt3A_131 : vector<16xi32>
      %and3A = arith.andi %ge3A_130, %lt3A_132 : vector<16xi1>
      %jit3A = arith.constant 5120 : i32
      %broadcast_in_dim3A = vector.broadcast %jit3A : i32 to vector<16xi32>
      %select_n3A = arith.select %and3A, %sub3A_128, %broadcast_in_dim3A : vector<16xi1>, vector<16xi32>
      %swap3A = arith.constant 0 : i32
      %swap3A_133 = arith.constant 0 : i32
      %swap3A_134 = arith.constant 0 : i32
      %swap3A_135 = tpu.memref_slice %arg7[%swap3A, %swap3A_133, %swap3A_134] : memref<2x80x125xi32, #tpu.memory_space<vmem>> -> memref<1x80x125xi32, #tpu.memory_space<vmem>>
      %swap3A_136 = tpu.memref_squeeze %swap3A_135 : memref<1x80x125xi32, #tpu.memory_space<vmem>> -> memref<80x125xi32, #tpu.memory_space<vmem>>
      %swap3A_137 = arith.constant 0 : i32
      %swap3A_138 = tpu.memref_slice %swap3A_136[%scan3A_121, %swap3A_137] : memref<80x125xi32, #tpu.memory_space<vmem>> -> memref<1x125xi32, #tpu.memory_space<vmem>>
      %swap3A_139 = tpu.memref_squeeze %swap3A_138 : memref<1x125xi32, #tpu.memory_space<vmem>> -> memref<125xi32, #tpu.memory_space<vmem>>
      %swap3A_140 = arith.constant 0 : index
      %swap3A_141 = tpu.vector_load %swap3A_139[%swap3A_140] {strides = array<i32>} : memref<125xi32, #tpu.memory_space<vmem>>, vector<16xi32>,
      %swap3A_142 = vector.shape_cast %swap3A_141 : vector<16xi32> to vector<16xi32>
      %swap3A_143 = vector.shape_cast %select_n3A : vector<16xi32> to vector<16xi32>
      tpu.vector_store %swap3A_139[%swap3A_140], %swap3A_143 {strides = array<i32>} : memref<125xi32, #tpu.memory_space<vmem>>, vector<16xi32>,
      %get3A_144 = arith.constant 0 : i32
      %get3A_145 = tpu.memref_slice %arg6[%scan3A_121, %get3A_144] : memref<80x125xi32, #tpu.memory_space<vmem>> -> memref<1x125xi32, #tpu.memory_space<vmem>>
      %get3A_146 = tpu.memref_squeeze %get3A_145 : memref<1x125xi32, #tpu.memory_space<vmem>> -> memref<125xi32, #tpu.memory_space<vmem>>
      %get3A_147 = arith.constant 16 : index
      %get3A_148 = tpu.vector_load %get3A_146[%get3A_147] {strides = array<i32>} : memref<125xi32, #tpu.memory_space<vmem>>, vector<16xi32>,
      %get3A_149 = vector.shape_cast %get3A_148 : vector<16xi32> to vector<16xi32>
      %sub3A_150 = arith.constant 0 : i32
      %sub3A_151 = vector.broadcast %sub3A_150 : i32 to vector<16xi32>
      %sub3A_152 = arith.subi %get3A_149, %sub3A_151 : vector<16xi32>
      %ge3A_153 = arith.constant 0 : i32
      %ge3A_154 = vector.broadcast %ge3A_153 : i32 to vector<16xi32>
      %ge3A_155 = arith.cmpi sge, %sub3A_152, %ge3A_154 : vector<16xi32>
      %lt3A_156 = arith.constant 5120 : i32
      %lt3A_157 = vector.broadcast %lt3A_156 : i32 to vector<16xi32>
      %lt3A_158 = arith.cmpi slt, %sub3A_152, %lt3A_157 : vector<16xi32>
      %and3A_159 = arith.andi %ge3A_155, %lt3A_158 : vector<16xi1>
      %jit3A_160 = arith.constant 5120 : i32
      %broadcast_in_dim3A_161 = vector.broadcast %jit3A_160 : i32 to vector<16xi32>
      %select_n3A_162 = arith.select %and3A_159, %sub3A_152, %broadcast_in_dim3A_161 : vector<16xi1>, vector<16xi32>
      %swap3A_163 = arith.constant 0 : i32
      %swap3A_164 = arith.constant 0 : i32
      %swap3A_165 = arith.constant 0 : i32
      %swap3A_166 = tpu.memref_slice %arg7[%swap3A_163, %swap3A_164, %swap3A_165] : memref<2x80x125xi32, #tpu.memory_space<vmem>> -> memref<1x80x125xi32, #tpu.memory_space<vmem>>
      %swap3A_167 = tpu.memref_squeeze %swap3A_166 : memref<1x80x125xi32, #tpu.memory_space<vmem>> -> memref<80x125xi32, #tpu.memory_space<vmem>>
      %swap3A_168 = arith.constant 0 : i32
      %swap3A_169 = tpu.memref_slice %swap3A_167[%scan3A_121, %swap3A_168] : memref<80x125xi32, #tpu.memory_space<vmem>> -> memref<1x125xi32, #tpu.memory_space<vmem>>
      %swap3A_170 = tpu.memref_squeeze %swap3A_169 : memref<1x125xi32, #tpu.memory_space<vmem>> -> memref<125xi32, #tpu.memory_space<vmem>>
      %swap3A_171 = arith.constant 16 : index
      %swap3A_172 = tpu.vector_load %swap3A_170[%swap3A_171] {strides = array<i32>} : memref<125xi32, #tpu.memory_space<vmem>>, vector<16xi32>,
      %swap3A_173 = vector.shape_cast %swap3A_172 : vector<16xi32> to vector<16xi32>
      %swap3A_174 = vector.shape_cast %select_n3A_162 : vector<16xi32> to vector<16xi32>
      tpu.vector_store %swap3A_170[%swap3A_171], %swap3A_174 {strides = array<i32>} : memref<125xi32, #tpu.memory_space<vmem>>, vector<16xi32>,
      %get3A_175 = arith.constant 0 : i32
      %get3A_176 = tpu.memref_slice %arg6[%scan3A_121, %get3A_175] : memref<80x125xi32, #tpu.memory_space<vmem>> -> memref<1x125xi32, #tpu.memory_space<vmem>>
      %get3A_177 = tpu.memref_squeeze %get3A_176 : memref<1x125xi32, #tpu.memory_space<vmem>> -> memref<125xi32, #tpu.memory_space<vmem>>
      %get3A_178 = arith.constant 32 : index
      %get3A_179 = tpu.vector_load %get3A_177[%get3A_178] {strides = array<i32>} : memref<125xi32, #tpu.memory_space<vmem>>, vector<16xi32>,
      %get3A_180 = vector.shape_cast %get3A_179 : vector<16xi32> to vector<16xi32>
      %sub3A_181 = arith.constant 0 : i32
      %sub3A_182 = vector.broadcast %sub3A_181 : i32 to vector<16xi32>
      %sub3A_183 = arith.subi %get3A_180, %sub3A_182 : vector<16xi32>
      %ge3A_184 = arith.constant 0 : i32
      %ge3A_185 = vector.broadcast %ge3A_184 : i32 to vector<16xi32>
      %ge3A_186 = arith.cmpi sge, %sub3A_183, %ge3A_185 : vector<16xi32>
      %lt3A_187 = arith.constant 5120 : i32
      %lt3A_188 = vector.broadcast %lt3A_187 : i32 to vector<16xi32>
      %lt3A_189 = arith.cmpi slt, %sub3A_183, %lt3A_188 : vector<16xi32>
      %and3A_190 = arith.andi %ge3A_186, %lt3A_189 : vector<16xi1>
      %jit3A_191 = arith.constant 5120 : i32
      %broadcast_in_dim3A_192 = vector.broadcast %jit3A_191 : i32 to vector<16xi32>
      %select_n3A_193 = arith.select %and3A_190, %sub3A_183, %broadcast_in_dim3A_192 : vector<16xi1>, vector<16xi32>
      %swap3A_194 = arith.constant 0 : i32
      %swap3A_195 = arith.constant 0 : i32
      %swap3A_196 = arith.constant 0 : i32
      %swap3A_197 = tpu.memref_slice %arg7[%swap3A_194, %swap3A_195, %swap3A_196] : memref<2x80x125xi32, #tpu.memory_space<vmem>> -> memref<1x80x125xi32, #tpu.memory_space<vmem>>
      %swap3A_198 = tpu.memref_squeeze %swap3A_197 : memref<1x80x125xi32, #tpu.memory_space<vmem>> -> memref<80x125xi32, #tpu.memory_space<vmem>>
      %swap3A_199 = arith.constant 0 : i32
      %swap3A_200 = tpu.memref_slice %swap3A_198[%scan3A_121, %swap3A_199] : memref<80x125xi32, #tpu.memory_space<vmem>> -> memref<1x125xi32, #tpu.memory_space<vmem>>
      %swap3A_201 = tpu.memref_squeeze %swap3A_200 : memref<1x125xi32, #tpu.memory_space<vmem>> -> memref<125xi32, #tpu.memory_space<vmem>>
      %swap3A_202 = arith.constant 32 : index
      %swap3A_203 = tpu.vector_load %swap3A_201[%swap3A_202] {strides = array<i32>} : memref<125xi32, #tpu.memory_space<vmem>>, vector<16xi32>,
      %swap3A_204 = vector.shape_cast %swap3A_203 : vector<16xi32> to vector<16xi32>
      %swap3A_205 = vector.shape_cast %select_n3A_193 : vector<16xi32> to vector<16xi32>
      tpu.vector_store %swap3A_201[%swap3A_202], %swap3A_205 {strides = array<i32>} : memref<125xi32, #tpu.memory_space<vmem>>, vector<16xi32>,
      %get3A_206 = arith.constant 0 : i32
      %get3A_207 = tpu.memref_slice %arg6[%scan3A_121, %get3A_206] : memref<80x125xi32, #tpu.memory_space<vmem>> -> memref<1x125xi32, #tpu.memory_space<vmem>>
      %get3A_208 = tpu.memref_squeeze %get3A_207 : memref<1x125xi32, #tpu.memory_space<vmem>> -> memref<125xi32, #tpu.memory_space<vmem>>
      %get3A_209 = arith.constant 48 : index
      %get3A_210 = tpu.vector_load %get3A_208[%get3A_209] {strides = array<i32>} : memref<125xi32, #tpu.memory_space<vmem>>, vector<16xi32>,
      %get3A_211 = vector.shape_cast %get3A_210 : vector<16xi32> to vector<16xi32>
      %sub3A_212 = arith.constant 0 : i32
      %sub3A_213 = vector.broadcast %sub3A_212 : i32 to vector<16xi32>
      %sub3A_214 = arith.subi %get3A_211, %sub3A_213 : vector<16xi32>
      %ge3A_215 = arith.constant 0 : i32
      %ge3A_216 = vector.broadcast %ge3A_215 : i32 to vector<16xi32>
      %ge3A_217 = arith.cmpi sge, %sub3A_214, %ge3A_216 : vector<16xi32>
      %lt3A_218 = arith.constant 5120 : i32
      %lt3A_219 = vector.broadcast %lt3A_218 : i32 to vector<16xi32>
      %lt3A_220 = arith.cmpi slt, %sub3A_214, %lt3A_219 : vector<16xi32>
      %and3A_221 = arith.andi %ge3A_217, %lt3A_220 : vector<16xi1>
      %jit3A_222 = arith.constant 5120 : i32
      %broadcast_in_dim3A_223 = vector.broadcast %jit3A_222 : i32 to vector<16xi32>
      %select_n3A_224 = arith.select %and3A_221, %sub3A_214, %broadcast_in_dim3A_223 : vector<16xi1>, vector<16xi32>
      %swap3A_225 = arith.constant 0 : i32
      %swap3A_226 = arith.constant 0 : i32
      %swap3A_227 = arith.constant 0 : i32
      %swap3A_228 = tpu.memref_slice %arg7[%swap3A_225, %swap3A_226, %swap3A_227] : memref<2x80x125xi32, #tpu.memory_space<vmem>> -> memref<1x80x125xi32, #tpu.memory_space<vmem>>
      %swap3A_229 = tpu.memref_squeeze %swap3A_228 : memref<1x80x125xi32, #tpu.memory_space<vmem>> -> memref<80x125xi32, #tpu.memory_space<vmem>>
      %swap3A_230 = arith.constant 0 : i32
      %swap3A_231 = tpu.memref_slice %swap3A_229[%scan3A_121, %swap3A_230] : memref<80x125xi32, #tpu.memory_space<vmem>> -> memref<1x125xi32, #tpu.memory_space<vmem>>
      %swap3A_232 = tpu.memref_squeeze %swap3A_231 : memref<1x125xi32, #tpu.memory_space<vmem>> -> memref<125xi32, #tpu.memory_space<vmem>>
      %swap3A_233 = arith.constant 48 : index
      %swap3A_234 = tpu.vector_load %swap3A_232[%swap3A_233] {strides = array<i32>} : memref<125xi32, #tpu.memory_space<vmem>>, vector<16xi32>,
      %swap3A_235 = vector.shape_cast %swap3A_234 : vector<16xi32> to vector<16xi32>
      %swap3A_236 = vector.shape_cast %select_n3A_224 : vector<16xi32> to vector<16xi32>
      tpu.vector_store %swap3A_232[%swap3A_233], %swap3A_236 {strides = array<i32>} : memref<125xi32, #tpu.memory_space<vmem>>, vector<16xi32>,
      %get3A_237 = arith.constant 0 : i32
      %get3A_238 = tpu.memref_slice %arg6[%scan3A_121, %get3A_237] : memref<80x125xi32, #tpu.memory_space<vmem>> -> memref<1x125xi32, #tpu.memory_space<vmem>>
      %get3A_239 = tpu.memref_squeeze %get3A_238 : memref<1x125xi32, #tpu.memory_space<vmem>> -> memref<125xi32, #tpu.memory_space<vmem>>
      %get3A_240 = arith.constant 64 : index
      %get3A_241 = tpu.vector_load %get3A_239[%get3A_240] {strides = array<i32>} : memref<125xi32, #tpu.memory_space<vmem>>, vector<16xi32>,
      %get3A_242 = vector.shape_cast %get3A_241 : vector<16xi32> to vector<16xi32>
      %sub3A_243 = arith.constant 0 : i32
      %sub3A_244 = vector.broadcast %sub3A_243 : i32 to vector<16xi32>
      %sub3A_245 = arith.subi %get3A_242, %sub3A_244 : vector<16xi32>
      %ge3A_246 = arith.constant 0 : i32
      %ge3A_247 = vector.broadcast %ge3A_246 : i32 to vector<16xi32>
      %ge3A_248 = arith.cmpi sge, %sub3A_245, %ge3A_247 : vector<16xi32>
      %lt3A_249 = arith.constant 5120 : i32
      %lt3A_250 = vector.broadcast %lt3A_249 : i32 to vector<16xi32>
      %lt3A_251 = arith.cmpi slt, %sub3A_245, %lt3A_250 : vector<16xi32>
      %and3A_252 = arith.andi %ge3A_248, %lt3A_251 : vector<16xi1>
      %jit3A_253 = arith.constant 5120 : i32
      %broadcast_in_dim3A_254 = vector.broadcast %jit3A_253 : i32 to vector<16xi32>
      %select_n3A_255 = arith.select %and3A_252, %sub3A_245, %broadcast_in_dim3A_254 : vector<16xi1>, vector<16xi32>
      %swap3A_256 = arith.constant 0 : i32
      %swap3A_257 = arith.constant 0 : i32
      %swap3A_258 = arith.constant 0 : i32
      %swap3A_259 = tpu.memref_slice %arg7[%swap3A_256, %swap3A_257, %swap3A_258] : memref<2x80x125xi32, #tpu.memory_space<vmem>> -> memref<1x80x125xi32, #tpu.memory_space<vmem>>
      %swap3A_260 = tpu.memref_squeeze %swap3A_259 : memref<1x80x125xi32, #tpu.memory_space<vmem>> -> memref<80x125xi32, #tpu.memory_space<vmem>>
      %swap3A_261 = arith.constant 0 : i32
      %swap3A_262 = tpu.memref_slice %swap3A_260[%scan3A_121, %swap3A_261] : memref<80x125xi32, #tpu.memory_space<vmem>> -> memref<1x125xi32, #tpu.memory_space<vmem>>
      %swap3A_263 = tpu.memref_squeeze %swap3A_262 : memref<1x125xi32, #tpu.memory_space<vmem>> -> memref<125xi32, #tpu.memory_space<vmem>>
      %swap3A_264 = arith.constant 64 : index
      %swap3A_265 = tpu.vector_load %swap3A_263[%swap3A_264] {strides = array<i32>} : memref<125xi32, #tpu.memory_space<vmem>>, vector<16xi32>,
      %swap3A_266 = vector.shape_cast %swap3A_265 : vector<16xi32> to vector<16xi32>
      %swap3A_267 = vector.shape_cast %select_n3A_255 : vector<16xi32> to vector<16xi32>
      tpu.vector_store %swap3A_263[%swap3A_264], %swap3A_267 {strides = array<i32>} : memref<125xi32, #tpu.memory_space<vmem>>, vector<16xi32>,
      %get3A_268 = arith.constant 0 : i32
      %get3A_269 = tpu.memref_slice %arg6[%scan3A_121, %get3A_268] : memref<80x125xi32, #tpu.memory_space<vmem>> -> memref<1x125xi32, #tpu.memory_space<vmem>>
      %get3A_270 = tpu.memref_squeeze %get3A_269 : memref<1x125xi32, #tpu.memory_space<vmem>> -> memref<125xi32, #tpu.memory_space<vmem>>
      %get3A_271 = arith.constant 80 : index
      %get3A_272 = tpu.vector_load %get3A_270[%get3A_271] {strides = array<i32>} : memref<125xi32, #tpu.memory_space<vmem>>, vector<16xi32>,
      %get3A_273 = vector.shape_cast %get3A_272 : vector<16xi32> to vector<16xi32>
      %sub3A_274 = arith.constant 0 : i32
      %sub3A_275 = vector.broadcast %sub3A_274 : i32 to vector<16xi32>
      %sub3A_276 = arith.subi %get3A_273, %sub3A_275 : vector<16xi32>
      %ge3A_277 = arith.constant 0 : i32
      %ge3A_278 = vector.broadcast %ge3A_277 : i32 to vector<16xi32>
      %ge3A_279 = arith.cmpi sge, %sub3A_276, %ge3A_278 : vector<16xi32>
      %lt3A_280 = arith.constant 5120 : i32
      %lt3A_281 = vector.broadcast %lt3A_280 : i32 to vector<16xi32>
      %lt3A_282 = arith.cmpi slt, %sub3A_276, %lt3A_281 : vector<16xi32>
      %and3A_283 = arith.andi %ge3A_279, %lt3A_282 : vector<16xi1>
      %jit3A_284 = arith.constant 5120 : i32
      %broadcast_in_dim3A_285 = vector.broadcast %jit3A_284 : i32 to vector<16xi32>
      %select_n3A_286 = arith.select %and3A_283, %sub3A_276, %broadcast_in_dim3A_285 : vector<16xi1>, vector<16xi32>
      %swap3A_287 = arith.constant 0 : i32
      %swap3A_288 = arith.constant 0 : i32
      %swap3A_289 = arith.constant 0 : i32
      %swap3A_290 = tpu.memref_slice %arg7[%swap3A_287, %swap3A_288, %swap3A_289] : memref<2x80x125xi32, #tpu.memory_space<vmem>> -> memref<1x80x125xi32, #tpu.memory_space<vmem>>
      %swap3A_291 = tpu.memref_squeeze %swap3A_290 : memref<1x80x125xi32, #tpu.memory_space<vmem>> -> memref<80x125xi32, #tpu.memory_space<vmem>>
      %swap3A_292 = arith.constant 0 : i32
      %swap3A_293 = tpu.memref_slice %swap3A_291[%scan3A_121, %swap3A_292] : memref<80x125xi32, #tpu.memory_space<vmem>> -> memref<1x125xi32, #tpu.memory_space<vmem>>
      %swap3A_294 = tpu.memref_squeeze %swap3A_293 : memref<1x125xi32, #tpu.memory_space<vmem>> -> memref<125xi32, #tpu.memory_space<vmem>>
      %swap3A_295 = arith.constant 80 : index
      %swap3A_296 = tpu.vector_load %swap3A_294[%swap3A_295] {strides = array<i32>} : memref<125xi32, #tpu.memory_space<vmem>>, vector<16xi32>,
      %swap3A_297 = vector.shape_cast %swap3A_296 : vector<16xi32> to vector<16xi32>
      %swap3A_298 = vector.shape_cast %select_n3A_286 : vector<16xi32> to vector<16xi32>
      tpu.vector_store %swap3A_294[%swap3A_295], %swap3A_298 {strides = array<i32>} : memref<125xi32, #tpu.memory_space<vmem>>, vector<16xi32>,
      %get3A_299 = arith.constant 0 : i32
      %get3A_300 = tpu.memref_slice %arg6[%scan3A_121, %get3A_299] : memref<80x125xi32, #tpu.memory_space<vmem>> -> memref<1x125xi32, #tpu.memory_space<vmem>>
      %get3A_301 = tpu.memref_squeeze %get3A_300 : memref<1x125xi32, #tpu.memory_space<vmem>> -> memref<125xi32, #tpu.memory_space<vmem>>
      %get3A_302 = arith.constant 96 : index
      %get3A_303 = tpu.vector_load %get3A_301[%get3A_302] {strides = array<i32>} : memref<125xi32, #tpu.memory_space<vmem>>, vector<16xi32>,
      %get3A_304 = vector.shape_cast %get3A_303 : vector<16xi32> to vector<16xi32>
      %sub3A_305 = arith.constant 0 : i32
      %sub3A_306 = vector.broadcast %sub3A_305 : i32 to vector<16xi32>
      %sub3A_307 = arith.subi %get3A_304, %sub3A_306 : vector<16xi32>
      %ge3A_308 = arith.constant 0 : i32
      %ge3A_309 = vector.broadcast %ge3A_308 : i32 to vector<16xi32>
      %ge3A_310 = arith.cmpi sge, %sub3A_307, %ge3A_309 : vector<16xi32>
      %lt3A_311 = arith.constant 5120 : i32
      %lt3A_312 = vector.broadcast %lt3A_311 : i32 to vector<16xi32>
      %lt3A_313 = arith.cmpi slt, %sub3A_307, %lt3A_312 : vector<16xi32>
      %and3A_314 = arith.andi %ge3A_310, %lt3A_313 : vector<16xi1>
      %jit3A_315 = arith.constant 5120 : i32
      %broadcast_in_dim3A_316 = vector.broadcast %jit3A_315 : i32 to vector<16xi32>
      %select_n3A_317 = arith.select %and3A_314, %sub3A_307, %broadcast_in_dim3A_316 : vector<16xi1>, vector<16xi32>
      %swap3A_318 = arith.constant 0 : i32
      %swap3A_319 = arith.constant 0 : i32
      %swap3A_320 = arith.constant 0 : i32
      %swap3A_321 = tpu.memref_slice %arg7[%swap3A_318, %swap3A_319, %swap3A_320] : memref<2x80x125xi32, #tpu.memory_space<vmem>> -> memref<1x80x125xi32, #tpu.memory_space<vmem>>
      %swap3A_322 = tpu.memref_squeeze %swap3A_321 : memref<1x80x125xi32, #tpu.memory_space<vmem>> -> memref<80x125xi32, #tpu.memory_space<vmem>>
      %swap3A_323 = arith.constant 0 : i32
      %swap3A_324 = tpu.memref_slice %swap3A_322[%scan3A_121, %swap3A_323] : memref<80x125xi32, #tpu.memory_space<vmem>> -> memref<1x125xi32, #tpu.memory_space<vmem>>
      %swap3A_325 = tpu.memref_squeeze %swap3A_324 : memref<1x125xi32, #tpu.memory_space<vmem>> -> memref<125xi32, #tpu.memory_space<vmem>>
      %swap3A_326 = arith.constant 96 : index
      %swap3A_327 = tpu.vector_load %swap3A_325[%swap3A_326] {strides = array<i32>} : memref<125xi32, #tpu.memory_space<vmem>>, vector<16xi32>,
      %swap3A_328 = vector.shape_cast %swap3A_327 : vector<16xi32> to vector<16xi32>
      %swap3A_329 = vector.shape_cast %select_n3A_317 : vector<16xi32> to vector<16xi32>
      tpu.vector_store %swap3A_325[%swap3A_326], %swap3A_329 {strides = array<i32>} : memref<125xi32, #tpu.memory_space<vmem>>, vector<16xi32>,
      %get3A_330 = arith.constant 0 : i32
      %get3A_331 = tpu.memref_slice %arg6[%scan3A_121, %get3A_330] : memref<80x125xi32, #tpu.memory_space<vmem>> -> memref<1x125xi32, #tpu.memory_space<vmem>>
      %get3A_332 = tpu.memref_squeeze %get3A_331 : memref<1x125xi32, #tpu.memory_space<vmem>> -> memref<125xi32, #tpu.memory_space<vmem>>
      %get3A_333 = arith.constant 109 : index
      %get3A_334 = tpu.vector_load %get3A_332[%get3A_333] {strides = array<i32>} : memref<125xi32, #tpu.memory_space<vmem>>, vector<16xi32>,
      %get3A_335 = vector.shape_cast %get3A_334 : vector<16xi32> to vector<16xi32>
      %sub3A_336 = arith.constant 0 : i32
      %sub3A_337 = vector.broadcast %sub3A_336 : i32 to vector<16xi32>
      %sub3A_338 = arith.subi %get3A_335, %sub3A_337 : vector<16xi32>
      %ge3A_339 = arith.constant 0 : i32
      %ge3A_340 = vector.broadcast %ge3A_339 : i32 to vector<16xi32>
      %ge3A_341 = arith.cmpi sge, %sub3A_338, %ge3A_340 : vector<16xi32>
      %lt3A_342 = arith.constant 5120 : i32
      %lt3A_343 = vector.broadcast %lt3A_342 : i32 to vector<16xi32>
      %lt3A_344 = arith.cmpi slt, %sub3A_338, %lt3A_343 : vector<16xi32>
      %and3A_345 = arith.andi %ge3A_341, %lt3A_344 : vector<16xi1>
      %jit3A_346 = arith.constant 5120 : i32
      %broadcast_in_dim3A_347 = vector.broadcast %jit3A_346 : i32 to vector<16xi32>
      %select_n3A_348 = arith.select %and3A_345, %sub3A_338, %broadcast_in_dim3A_347 : vector<16xi1>, vector<16xi32>
      %swap3A_349 = arith.constant 0 : i32
      %swap3A_350 = arith.constant 0 : i32
      %swap3A_351 = arith.constant 0 : i32
      %swap3A_352 = tpu.memref_slice %arg7[%swap3A_349, %swap3A_350, %swap3A_351] : memref<2x80x125xi32, #tpu.memory_space<vmem>> -> memref<1x80x125xi32, #tpu.memory_space<vmem>>
      %swap3A_353 = tpu.memref_squeeze %swap3A_352 : memref<1x80x125xi32, #tpu.memory_space<vmem>> -> memref<80x125xi32, #tpu.memory_space<vmem>>
      %swap3A_354 = arith.constant 0 : i32
      %swap3A_355 = tpu.memref_slice %swap3A_353[%scan3A_121, %swap3A_354] : memref<80x125xi32, #tpu.memory_space<vmem>> -> memref<1x125xi32, #tpu.memory_space<vmem>>
      %swap3A_356 = tpu.memref_squeeze %swap3A_355 : memref<1x125xi32, #tpu.memory_space<vmem>> -> memref<125xi32, #tpu.memory_space<vmem>>
      %swap3A_357 = arith.constant 109 : index
      %swap3A_358 = tpu.vector_load %swap3A_356[%swap3A_357] {strides = array<i32>} : memref<125xi32, #tpu.memory_space<vmem>>, vector<16xi32>,
      %swap3A_359 = vector.shape_cast %swap3A_358 : vector<16xi32> to vector<16xi32>
      %swap3A_360 = vector.shape_cast %select_n3A_348 : vector<16xi32> to vector<16xi32>
      tpu.vector_store %swap3A_356[%swap3A_357], %swap3A_360 {strides = array<i32>} : memref<125xi32, #tpu.memory_space<vmem>>, vector<16xi32>,
      %get3A_361 = arith.constant 0 : i32
      %get3A_362 = tpu.memref_slice %arg6[%scan3A_121, %get3A_361] : memref<80x125xi32, #tpu.memory_space<vmem>> -> memref<1x125xi32, #tpu.memory_space<vmem>>
      %get3A_363 = tpu.memref_squeeze %get3A_362 : memref<1x125xi32, #tpu.memory_space<vmem>> -> memref<125xi32, #tpu.memory_space<vmem>>
      %get3A_364 = arith.constant 0 : index
      %get3A_365 = tpu.vector_load %get3A_363[%get3A_364] {strides = array<i32>} : memref<125xi32, #tpu.memory_space<vmem>>, vector<16xi32>,
      %get3A_366 = vector.shape_cast %get3A_365 : vector<16xi32> to vector<16xi32>
      %sub3A_367 = arith.constant 5120 : i32
      %sub3A_368 = vector.broadcast %sub3A_367 : i32 to vector<16xi32>
      %sub3A_369 = arith.subi %get3A_366, %sub3A_368 : vector<16xi32>
      %ge3A_370 = arith.constant 0 : i32
      %ge3A_371 = vector.broadcast %ge3A_370 : i32 to vector<16xi32>
      %ge3A_372 = arith.cmpi sge, %sub3A_369, %ge3A_371 : vector<16xi32>
      %lt3A_373 = arith.constant 5120 : i32
      %lt3A_374 = vector.broadcast %lt3A_373 : i32 to vector<16xi32>
      %lt3A_375 = arith.cmpi slt, %sub3A_369, %lt3A_374 : vector<16xi32>
      %and3A_376 = arith.andi %ge3A_372, %lt3A_375 : vector<16xi1>
      %jit3A_377 = arith.constant 5120 : i32
      %broadcast_in_dim3A_378 = vector.broadcast %jit3A_377 : i32 to vector<16xi32>
      %select_n3A_379 = arith.select %and3A_376, %sub3A_369, %broadcast_in_dim3A_378 : vector<16xi1>, vector<16xi32>
      %swap3A_380 = arith.constant 1 : i32
      %swap3A_381 = arith.constant 0 : i32
      %swap3A_382 = arith.constant 0 : i32
      %swap3A_383 = tpu.memref_slice %arg7[%swap3A_380, %swap3A_381, %swap3A_382] : memref<2x80x125xi32, #tpu.memory_space<vmem>> -> memref<1x80x125xi32, #tpu.memory_space<vmem>>
      %swap3A_384 = tpu.memref_squeeze %swap3A_383 : memref<1x80x125xi32, #tpu.memory_space<vmem>> -> memref<80x125xi32, #tpu.memory_space<vmem>>
      %swap3A_385 = arith.constant 0 : i32
      %swap3A_386 = tpu.memref_slice %swap3A_384[%scan3A_121, %swap3A_385] : memref<80x125xi32, #tpu.memory_space<vmem>> -> memref<1x125xi32, #tpu.memory_space<vmem>>
      %swap3A_387 = tpu.memref_squeeze %swap3A_386 : memref<1x125xi32, #tpu.memory_space<vmem>> -> memref<125xi32, #tpu.memory_space<vmem>>
      %swap3A_388 = arith.constant 0 : index
      %swap3A_389 = tpu.vector_load %swap3A_387[%swap3A_388] {strides = array<i32>} : memref<125xi32, #tpu.memory_space<vmem>>, vector<16xi32>,
      %swap3A_390 = vector.shape_cast %swap3A_389 : vector<16xi32> to vector<16xi32>
      %swap3A_391 = vector.shape_cast %select_n3A_379 : vector<16xi32> to vector<16xi32>
      tpu.vector_store %swap3A_387[%swap3A_388], %swap3A_391 {strides = array<i32>} : memref<125xi32, #tpu.memory_space<vmem>>, vector<16xi32>,
      %get3A_392 = arith.constant 0 : i32
      %get3A_393 = tpu.memref_slice %arg6[%scan3A_121, %get3A_392] : memref<80x125xi32, #tpu.memory_space<vmem>> -> memref<1x125xi32, #tpu.memory_space<vmem>>
      %get3A_394 = tpu.memref_squeeze %get3A_393 : memref<1x125xi32, #tpu.memory_space<vmem>> -> memref<125xi32, #tpu.memory_space<vmem>>
      %get3A_395 = arith.constant 16 : index
      %get3A_396 = tpu.vector_load %get3A_394[%get3A_395] {strides = array<i32>} : memref<125xi32, #tpu.memory_space<vmem>>, vector<16xi32>,
      %get3A_397 = vector.shape_cast %get3A_396 : vector<16xi32> to vector<16xi32>
      %sub3A_398 = arith.constant 5120 : i32
      %sub3A_399 = vector.broadcast %sub3A_398 : i32 to vector<16xi32>
      %sub3A_400 = arith.subi %get3A_397, %sub3A_399 : vector<16xi32>
      %ge3A_401 = arith.constant 0 : i32
      %ge3A_402 = vector.broadcast %ge3A_401 : i32 to vector<16xi32>
      %ge3A_403 = arith.cmpi sge, %sub3A_400, %ge3A_402 : vector<16xi32>
      %lt3A_404 = arith.constant 5120 : i32
      %lt3A_405 = vector.broadcast %lt3A_404 : i32 to vector<16xi32>
      %lt3A_406 = arith.cmpi slt, %sub3A_400, %lt3A_405 : vector<16xi32>
      %and3A_407 = arith.andi %ge3A_403, %lt3A_406 : vector<16xi1>
      %jit3A_408 = arith.constant 5120 : i32
      %broadcast_in_dim3A_409 = vector.broadcast %jit3A_408 : i32 to vector<16xi32>
      %select_n3A_410 = arith.select %and3A_407, %sub3A_400, %broadcast_in_dim3A_409 : vector<16xi1>, vector<16xi32>
      %swap3A_411 = arith.constant 1 : i32
      %swap3A_412 = arith.constant 0 : i32
      %swap3A_413 = arith.constant 0 : i32
      %swap3A_414 = tpu.memref_slice %arg7[%swap3A_411, %swap3A_412, %swap3A_413] : memref<2x80x125xi32, #tpu.memory_space<vmem>> -> memref<1x80x125xi32, #tpu.memory_space<vmem>>
      %swap3A_415 = tpu.memref_squeeze %swap3A_414 : memref<1x80x125xi32, #tpu.memory_space<vmem>> -> memref<80x125xi32, #tpu.memory_space<vmem>>
      %swap3A_416 = arith.constant 0 : i32
      %swap3A_417 = tpu.memref_slice %swap3A_415[%scan3A_121, %swap3A_416] : memref<80x125xi32, #tpu.memory_space<vmem>> -> memref<1x125xi32, #tpu.memory_space<vmem>>
      %swap3A_418 = tpu.memref_squeeze %swap3A_417 : memref<1x125xi32, #tpu.memory_space<vmem>> -> memref<125xi32, #tpu.memory_space<vmem>>
      %swap3A_419 = arith.constant 16 : index
      %swap3A_420 = tpu.vector_load %swap3A_418[%swap3A_419] {strides = array<i32>} : memref<125xi32, #tpu.memory_space<vmem>>, vector<16xi32>,
      %swap3A_421 = vector.shape_cast %swap3A_420 : vector<16xi32> to vector<16xi32>
      %swap3A_422 = vector.shape_cast %select_n3A_410 : vector<16xi32> to vector<16xi32>
      tpu.vector_store %swap3A_418[%swap3A_419], %swap3A_422 {strides = array<i32>} : memref<125xi32, #tpu.memory_space<vmem>>, vector<16xi32>,
      %get3A_423 = arith.constant 0 : i32
      %get3A_424 = tpu.memref_slice %arg6[%scan3A_121, %get3A_423] : memref<80x125xi32, #tpu.memory_space<vmem>> -> memref<1x125xi32, #tpu.memory_space<vmem>>
      %get3A_425 = tpu.memref_squeeze %get3A_424 : memref<1x125xi32, #tpu.memory_space<vmem>> -> memref<125xi32, #tpu.memory_space<vmem>>
      %get3A_426 = arith.constant 32 : index
      %get3A_427 = tpu.vector_load %get3A_425[%get3A_426] {strides = array<i32>} : memref<125xi32, #tpu.memory_space<vmem>>, vector<16xi32>,
      %get3A_428 = vector.shape_cast %get3A_427 : vector<16xi32> to vector<16xi32>
      %sub3A_429 = arith.constant 5120 : i32
      %sub3A_430 = vector.broadcast %sub3A_429 : i32 to vector<16xi32>
      %sub3A_431 = arith.subi %get3A_428, %sub3A_430 : vector<16xi32>
      %ge3A_432 = arith.constant 0 : i32
      %ge3A_433 = vector.broadcast %ge3A_432 : i32 to vector<16xi32>
      %ge3A_434 = arith.cmpi sge, %sub3A_431, %ge3A_433 : vector<16xi32>
      %lt3A_435 = arith.constant 5120 : i32
      %lt3A_436 = vector.broadcast %lt3A_435 : i32 to vector<16xi32>
      %lt3A_437 = arith.cmpi slt, %sub3A_431, %lt3A_436 : vector<16xi32>
      %and3A_438 = arith.andi %ge3A_434, %lt3A_437 : vector<16xi1>
      %jit3A_439 = arith.constant 5120 : i32
      %broadcast_in_dim3A_440 = vector.broadcast %jit3A_439 : i32 to vector<16xi32>
      %select_n3A_441 = arith.select %and3A_438, %sub3A_431, %broadcast_in_dim3A_440 : vector<16xi1>, vector<16xi32>
      %swap3A_442 = arith.constant 1 : i32
      %swap3A_443 = arith.constant 0 : i32
      %swap3A_444 = arith.constant 0 : i32
      %swap3A_445 = tpu.memref_slice %arg7[%swap3A_442, %swap3A_443, %swap3A_444] : memref<2x80x125xi32, #tpu.memory_space<vmem>> -> memref<1x80x125xi32, #tpu.memory_space<vmem>>
      %swap3A_446 = tpu.memref_squeeze %swap3A_445 : memref<1x80x125xi32, #tpu.memory_space<vmem>> -> memref<80x125xi32, #tpu.memory_space<vmem>>
      %swap3A_447 = arith.constant 0 : i32
      %swap3A_448 = tpu.memref_slice %swap3A_446[%scan3A_121, %swap3A_447] : memref<80x125xi32, #tpu.memory_space<vmem>> -> memref<1x125xi32, #tpu.memory_space<vmem>>
      %swap3A_449 = tpu.memref_squeeze %swap3A_448 : memref<1x125xi32, #tpu.memory_space<vmem>> -> memref<125xi32, #tpu.memory_space<vmem>>
      %swap3A_450 = arith.constant 32 : index
      %swap3A_451 = tpu.vector_load %swap3A_449[%swap3A_450] {strides = array<i32>} : memref<125xi32, #tpu.memory_space<vmem>>, vector<16xi32>,
      %swap3A_452 = vector.shape_cast %swap3A_451 : vector<16xi32> to vector<16xi32>
      %swap3A_453 = vector.shape_cast %select_n3A_441 : vector<16xi32> to vector<16xi32>
      tpu.vector_store %swap3A_449[%swap3A_450], %swap3A_453 {strides = array<i32>} : memref<125xi32, #tpu.memory_space<vmem>>, vector<16xi32>,
      %get3A_454 = arith.constant 0 : i32
      %get3A_455 = tpu.memref_slice %arg6[%scan3A_121, %get3A_454] : memref<80x125xi32, #tpu.memory_space<vmem>> -> memref<1x125xi32, #tpu.memory_space<vmem>>
      %get3A_456 = tpu.memref_squeeze %get3A_455 : memref<1x125xi32, #tpu.memory_space<vmem>> -> memref<125xi32, #tpu.memory_space<vmem>>
      %get3A_457 = arith.constant 48 : index
      %get3A_458 = tpu.vector_load %get3A_456[%get3A_457] {strides = array<i32>} : memref<125xi32, #tpu.memory_space<vmem>>, vector<16xi32>,
      %get3A_459 = vector.shape_cast %get3A_458 : vector<16xi32> to vector<16xi32>
      %sub3A_460 = arith.constant 5120 : i32
      %sub3A_461 = vector.broadcast %sub3A_460 : i32 to vector<16xi32>
      %sub3A_462 = arith.subi %get3A_459, %sub3A_461 : vector<16xi32>
      %ge3A_463 = arith.constant 0 : i32
      %ge3A_464 = vector.broadcast %ge3A_463 : i32 to vector<16xi32>
      %ge3A_465 = arith.cmpi sge, %sub3A_462, %ge3A_464 : vector<16xi32>
      %lt3A_466 = arith.constant 5120 : i32
      %lt3A_467 = vector.broadcast %lt3A_466 : i32 to vector<16xi32>
      %lt3A_468 = arith.cmpi slt, %sub3A_462, %lt3A_467 : vector<16xi32>
      %and3A_469 = arith.andi %ge3A_465, %lt3A_468 : vector<16xi1>
      %jit3A_470 = arith.constant 5120 : i32
      %broadcast_in_dim3A_471 = vector.broadcast %jit3A_470 : i32 to vector<16xi32>
      %select_n3A_472 = arith.select %and3A_469, %sub3A_462, %broadcast_in_dim3A_471 : vector<16xi1>, vector<16xi32>
      %swap3A_473 = arith.constant 1 : i32
      %swap3A_474 = arith.constant 0 : i32
      %swap3A_475 = arith.constant 0 : i32
      %swap3A_476 = tpu.memref_slice %arg7[%swap3A_473, %swap3A_474, %swap3A_475] : memref<2x80x125xi32, #tpu.memory_space<vmem>> -> memref<1x80x125xi32, #tpu.memory_space<vmem>>
      %swap3A_477 = tpu.memref_squeeze %swap3A_476 : memref<1x80x125xi32, #tpu.memory_space<vmem>> -> memref<80x125xi32, #tpu.memory_space<vmem>>
      %swap3A_478 = arith.constant 0 : i32
      %swap3A_479 = tpu.memref_slice %swap3A_477[%scan3A_121, %swap3A_478] : memref<80x125xi32, #tpu.memory_space<vmem>> -> memref<1x125xi32, #tpu.memory_space<vmem>>
      %swap3A_480 = tpu.memref_squeeze %swap3A_479 : memref<1x125xi32, #tpu.memory_space<vmem>> -> memref<125xi32, #tpu.memory_space<vmem>>
      %swap3A_481 = arith.constant 48 : index
      %swap3A_482 = tpu.vector_load %swap3A_480[%swap3A_481] {strides = array<i32>} : memref<125xi32, #tpu.memory_space<vmem>>, vector<16xi32>,
      %swap3A_483 = vector.shape_cast %swap3A_482 : vector<16xi32> to vector<16xi32>
      %swap3A_484 = vector.shape_cast %select_n3A_472 : vector<16xi32> to vector<16xi32>
      tpu.vector_store %swap3A_480[%swap3A_481], %swap3A_484 {strides = array<i32>} : memref<125xi32, #tpu.memory_space<vmem>>, vector<16xi32>,
      %get3A_485 = arith.constant 0 : i32
      %get3A_486 = tpu.memref_slice %arg6[%scan3A_121, %get3A_485] : memref<80x125xi32, #tpu.memory_space<vmem>> -> memref<1x125xi32, #tpu.memory_space<vmem>>
      %get3A_487 = tpu.memref_squeeze %get3A_486 : memref<1x125xi32, #tpu.memory_space<vmem>> -> memref<125xi32, #tpu.memory_space<vmem>>
      %get3A_488 = arith.constant 64 : index
      %get3A_489 = tpu.vector_load %get3A_487[%get3A_488] {strides = array<i32>} : memref<125xi32, #tpu.memory_space<vmem>>, vector<16xi32>,
      %get3A_490 = vector.shape_cast %get3A_489 : vector<16xi32> to vector<16xi32>
      %sub3A_491 = arith.constant 5120 : i32
      %sub3A_492 = vector.broadcast %sub3A_491 : i32 to vector<16xi32>
      %sub3A_493 = arith.subi %get3A_490, %sub3A_492 : vector<16xi32>
      %ge3A_494 = arith.constant 0 : i32
      %ge3A_495 = vector.broadcast %ge3A_494 : i32 to vector<16xi32>
      %ge3A_496 = arith.cmpi sge, %sub3A_493, %ge3A_495 : vector<16xi32>
      %lt3A_497 = arith.constant 5120 : i32
      %lt3A_498 = vector.broadcast %lt3A_497 : i32 to vector<16xi32>
      %lt3A_499 = arith.cmpi slt, %sub3A_493, %lt3A_498 : vector<16xi32>
      %and3A_500 = arith.andi %ge3A_496, %lt3A_499 : vector<16xi1>
      %jit3A_501 = arith.constant 5120 : i32
      %broadcast_in_dim3A_502 = vector.broadcast %jit3A_501 : i32 to vector<16xi32>
      %select_n3A_503 = arith.select %and3A_500, %sub3A_493, %broadcast_in_dim3A_502 : vector<16xi1>, vector<16xi32>
      %swap3A_504 = arith.constant 1 : i32
      %swap3A_505 = arith.constant 0 : i32
      %swap3A_506 = arith.constant 0 : i32
      %swap3A_507 = tpu.memref_slice %arg7[%swap3A_504, %swap3A_505, %swap3A_506] : memref<2x80x125xi32, #tpu.memory_space<vmem>> -> memref<1x80x125xi32, #tpu.memory_space<vmem>>
      %swap3A_508 = tpu.memref_squeeze %swap3A_507 : memref<1x80x125xi32, #tpu.memory_space<vmem>> -> memref<80x125xi32, #tpu.memory_space<vmem>>
      %swap3A_509 = arith.constant 0 : i32
      %swap3A_510 = tpu.memref_slice %swap3A_508[%scan3A_121, %swap3A_509] : memref<80x125xi32, #tpu.memory_space<vmem>> -> memref<1x125xi32, #tpu.memory_space<vmem>>
      %swap3A_511 = tpu.memref_squeeze %swap3A_510 : memref<1x125xi32, #tpu.memory_space<vmem>> -> memref<125xi32, #tpu.memory_space<vmem>>
      %swap3A_512 = arith.constant 64 : index
      %swap3A_513 = tpu.vector_load %swap3A_511[%swap3A_512] {strides = array<i32>} : memref<125xi32, #tpu.memory_space<vmem>>, vector<16xi32>,
      %swap3A_514 = vector.shape_cast %swap3A_513 : vector<16xi32> to vector<16xi32>
      %swap3A_515 = vector.shape_cast %select_n3A_503 : vector<16xi32> to vector<16xi32>
      tpu.vector_store %swap3A_511[%swap3A_512], %swap3A_515 {strides = array<i32>} : memref<125xi32, #tpu.memory_space<vmem>>, vector<16xi32>,
      %get3A_516 = arith.constant 0 : i32
      %get3A_517 = tpu.memref_slice %arg6[%scan3A_121, %get3A_516] : memref<80x125xi32, #tpu.memory_space<vmem>> -> memref<1x125xi32, #tpu.memory_space<vmem>>
      %get3A_518 = tpu.memref_squeeze %get3A_517 : memref<1x125xi32, #tpu.memory_space<vmem>> -> memref<125xi32, #tpu.memory_space<vmem>>
      %get3A_519 = arith.constant 80 : index
      %get3A_520 = tpu.vector_load %get3A_518[%get3A_519] {strides = array<i32>} : memref<125xi32, #tpu.memory_space<vmem>>, vector<16xi32>,
      %get3A_521 = vector.shape_cast %get3A_520 : vector<16xi32> to vector<16xi32>
      %sub3A_522 = arith.constant 5120 : i32
      %sub3A_523 = vector.broadcast %sub3A_522 : i32 to vector<16xi32>
      %sub3A_524 = arith.subi %get3A_521, %sub3A_523 : vector<16xi32>
      %ge3A_525 = arith.constant 0 : i32
      %ge3A_526 = vector.broadcast %ge3A_525 : i32 to vector<16xi32>
      %ge3A_527 = arith.cmpi sge, %sub3A_524, %ge3A_526 : vector<16xi32>
      %lt3A_528 = arith.constant 5120 : i32
      %lt3A_529 = vector.broadcast %lt3A_528 : i32 to vector<16xi32>
      %lt3A_530 = arith.cmpi slt, %sub3A_524, %lt3A_529 : vector<16xi32>
      %and3A_531 = arith.andi %ge3A_527, %lt3A_530 : vector<16xi1>
      %jit3A_532 = arith.constant 5120 : i32
      %broadcast_in_dim3A_533 = vector.broadcast %jit3A_532 : i32 to vector<16xi32>
      %select_n3A_534 = arith.select %and3A_531, %sub3A_524, %broadcast_in_dim3A_533 : vector<16xi1>, vector<16xi32>
      %swap3A_535 = arith.constant 1 : i32
      %swap3A_536 = arith.constant 0 : i32
      %swap3A_537 = arith.constant 0 : i32
      %swap3A_538 = tpu.memref_slice %arg7[%swap3A_535, %swap3A_536, %swap3A_537] : memref<2x80x125xi32, #tpu.memory_space<vmem>> -> memref<1x80x125xi32, #tpu.memory_space<vmem>>
      %swap3A_539 = tpu.memref_squeeze %swap3A_538 : memref<1x80x125xi32, #tpu.memory_space<vmem>> -> memref<80x125xi32, #tpu.memory_space<vmem>>
      %swap3A_540 = arith.constant 0 : i32
      %swap3A_541 = tpu.memref_slice %swap3A_539[%scan3A_121, %swap3A_540] : memref<80x125xi32, #tpu.memory_space<vmem>> -> memref<1x125xi32, #tpu.memory_space<vmem>>
      %swap3A_542 = tpu.memref_squeeze %swap3A_541 : memref<1x125xi32, #tpu.memory_space<vmem>> -> memref<125xi32, #tpu.memory_space<vmem>>
      %swap3A_543 = arith.constant 80 : index
      %swap3A_544 = tpu.vector_load %swap3A_542[%swap3A_543] {strides = array<i32>} : memref<125xi32, #tpu.memory_space<vmem>>, vector<16xi32>,
      %swap3A_545 = vector.shape_cast %swap3A_544 : vector<16xi32> to vector<16xi32>
      %swap3A_546 = vector.shape_cast %select_n3A_534 : vector<16xi32> to vector<16xi32>
      tpu.vector_store %swap3A_542[%swap3A_543], %swap3A_546 {strides = array<i32>} : memref<125xi32, #tpu.memory_space<vmem>>, vector<16xi32>,
      %get3A_547 = arith.constant 0 : i32
      %get3A_548 = tpu.memref_slice %arg6[%scan3A_121, %get3A_547] : memref<80x125xi32, #tpu.memory_space<vmem>> -> memref<1x125xi32, #tpu.memory_space<vmem>>
      %get3A_549 = tpu.memref_squeeze %get3A_548 : memref<1x125xi32, #tpu.memory_space<vmem>> -> memref<125xi32, #tpu.memory_space<vmem>>
      %get3A_550 = arith.constant 96 : index
      %get3A_551 = tpu.vector_load %get3A_549[%get3A_550] {strides = array<i32>} : memref<125xi32, #tpu.memory_space<vmem>>, vector<16xi32>,
      %get3A_552 = vector.shape_cast %get3A_551 : vector<16xi32> to vector<16xi32>
      %sub3A_553 = arith.constant 5120 : i32
      %sub3A_554 = vector.broadcast %sub3A_553 : i32 to vector<16xi32>
      %sub3A_555 = arith.subi %get3A_552, %sub3A_554 : vector<16xi32>
      %ge3A_556 = arith.constant 0 : i32
      %ge3A_557 = vector.broadcast %ge3A_556 : i32 to vector<16xi32>
      %ge3A_558 = arith.cmpi sge, %sub3A_555, %ge3A_557 : vector<16xi32>
      %lt3A_559 = arith.constant 5120 : i32
      %lt3A_560 = vector.broadcast %lt3A_559 : i32 to vector<16xi32>
      %lt3A_561 = arith.cmpi slt, %sub3A_555, %lt3A_560 : vector<16xi32>
      %and3A_562 = arith.andi %ge3A_558, %lt3A_561 : vector<16xi1>
      %jit3A_563 = arith.constant 5120 : i32
      %broadcast_in_dim3A_564 = vector.broadcast %jit3A_563 : i32 to vector<16xi32>
      %select_n3A_565 = arith.select %and3A_562, %sub3A_555, %broadcast_in_dim3A_564 : vector<16xi1>, vector<16xi32>
      %swap3A_566 = arith.constant 1 : i32
      %swap3A_567 = arith.constant 0 : i32
      %swap3A_568 = arith.constant 0 : i32
      %swap3A_569 = tpu.memref_slice %arg7[%swap3A_566, %swap3A_567, %swap3A_568] : memref<2x80x125xi32, #tpu.memory_space<vmem>> -> memref<1x80x125xi32, #tpu.memory_space<vmem>>
      %swap3A_570 = tpu.memref_squeeze %swap3A_569 : memref<1x80x125xi32, #tpu.memory_space<vmem>> -> memref<80x125xi32, #tpu.memory_space<vmem>>
      %swap3A_571 = arith.constant 0 : i32
      %swap3A_572 = tpu.memref_slice %swap3A_570[%scan3A_121, %swap3A_571] : memref<80x125xi32, #tpu.memory_space<vmem>> -> memref<1x125xi32, #tpu.memory_space<vmem>>
      %swap3A_573 = tpu.memref_squeeze %swap3A_572 : memref<1x125xi32, #tpu.memory_space<vmem>> -> memref<125xi32, #tpu.memory_space<vmem>>
      %swap3A_574 = arith.constant 96 : index
      %swap3A_575 = tpu.vector_load %swap3A_573[%swap3A_574] {strides = array<i32>} : memref<125xi32, #tpu.memory_space<vmem>>, vector<16xi32>,
      %swap3A_576 = vector.shape_cast %swap3A_575 : vector<16xi32> to vector<16xi32>
      %swap3A_577 = vector.shape_cast %select_n3A_565 : vector<16xi32> to vector<16xi32>
      tpu.vector_store %swap3A_573[%swap3A_574], %swap3A_577 {strides = array<i32>} : memref<125xi32, #tpu.memory_space<vmem>>, vector<16xi32>,
      %get3A_578 = arith.constant 0 : i32
      %get3A_579 = tpu.memref_slice %arg6[%scan3A_121, %get3A_578] : memref<80x125xi32, #tpu.memory_space<vmem>> -> memref<1x125xi32, #tpu.memory_space<vmem>>
      %get3A_580 = tpu.memref_squeeze %get3A_579 : memref<1x125xi32, #tpu.memory_space<vmem>> -> memref<125xi32, #tpu.memory_space<vmem>>
      %get3A_581 = arith.constant 109 : index
      %get3A_582 = tpu.vector_load %get3A_580[%get3A_581] {strides = array<i32>} : memref<125xi32, #tpu.memory_space<vmem>>, vector<16xi32>,
      %get3A_583 = vector.shape_cast %get3A_582 : vector<16xi32> to vector<16xi32>
      %sub3A_584 = arith.constant 5120 : i32
      %sub3A_585 = vector.broadcast %sub3A_584 : i32 to vector<16xi32>
      %sub3A_586 = arith.subi %get3A_583, %sub3A_585 : vector<16xi32>
      %ge3A_587 = arith.constant 0 : i32
      %ge3A_588 = vector.broadcast %ge3A_587 : i32 to vector<16xi32>
      %ge3A_589 = arith.cmpi sge, %sub3A_586, %ge3A_588 : vector<16xi32>
      %lt3A_590 = arith.constant 5120 : i32
      %lt3A_591 = vector.broadcast %lt3A_590 : i32 to vector<16xi32>
      %lt3A_592 = arith.cmpi slt, %sub3A_586, %lt3A_591 : vector<16xi32>
      %and3A_593 = arith.andi %ge3A_589, %lt3A_592 : vector<16xi1>
      %jit3A_594 = arith.constant 5120 : i32
      %broadcast_in_dim3A_595 = vector.broadcast %jit3A_594 : i32 to vector<16xi32>
      %select_n3A_596 = arith.select %and3A_593, %sub3A_586, %broadcast_in_dim3A_595 : vector<16xi1>, vector<16xi32>
      %swap3A_597 = arith.constant 1 : i32
      %swap3A_598 = arith.constant 0 : i32
      %swap3A_599 = arith.constant 0 : i32
      %swap3A_600 = tpu.memref_slice %arg7[%swap3A_597, %swap3A_598, %swap3A_599] : memref<2x80x125xi32, #tpu.memory_space<vmem>> -> memref<1x80x125xi32, #tpu.memory_space<vmem>>
      %swap3A_601 = tpu.memref_squeeze %swap3A_600 : memref<1x80x125xi32, #tpu.memory_space<vmem>> -> memref<80x125xi32, #tpu.memory_space<vmem>>
      %swap3A_602 = arith.constant 0 : i32
      %swap3A_603 = tpu.memref_slice %swap3A_601[%scan3A_121, %swap3A_602] : memref<80x125xi32, #tpu.memory_space<vmem>> -> memref<1x125xi32, #tpu.memory_space<vmem>>
      %swap3A_604 = tpu.memref_squeeze %swap3A_603 : memref<1x125xi32, #tpu.memory_space<vmem>> -> memref<125xi32, #tpu.memory_space<vmem>>
      %swap3A_605 = arith.constant 109 : index
      %swap3A_606 = tpu.vector_load %swap3A_604[%swap3A_605] {strides = array<i32>} : memref<125xi32, #tpu.memory_space<vmem>>, vector<16xi32>,
      %swap3A_607 = vector.shape_cast %swap3A_606 : vector<16xi32> to vector<16xi32>
      %swap3A_608 = vector.shape_cast %select_n3A_596 : vector<16xi32> to vector<16xi32>
      tpu.vector_store %swap3A_604[%swap3A_605], %swap3A_608 {strides = array<i32>} : memref<125xi32, #tpu.memory_space<vmem>>, vector<16xi32>,
    }
    %scan3A_7 = arith.constant 80 : i32
    "tpu.region"() ({
      %run_scoped3A_121 = tpu.sem_alloc : memref<!tpu.dma_semaphore, #tpu.memory_space<semaphore_mem>>
      %dma_start3A = arith.constant 0 : i32
      %dma_start3A_122 = tpu.memref_slice %arg9[%mul3A_2, %dma_start3A] : memref<5248x128xf32, #tpu.memory_space<vmem_shared>> -> memref<328x128xf32, #tpu.memory_space<vmem_shared>>
      %dma_start3A_123 = arith.constant 0 : i32
      %dma_start3A_124 = tpu.memref_slice %arg3[%mul3A_2, %dma_start3A_123] : memref<10240x128xf32, #tpu.memory_space<hbm>> -> memref<328x128xf32, #tpu.memory_space<hbm>>
      tpu.enqueue_dma source(%dma_start3A_124 : memref<328x128xf32, #tpu.memory_space<hbm>>) target(%dma_start3A_122 : memref<328x128xf32, #tpu.memory_space<vmem_shared>>) target_semaphore(%run_scoped3A_121 : memref<!tpu.dma_semaphore, #tpu.memory_space<semaphore_mem>>)
      %dma_wait3A_125 = arith.constant 0 : i32
      %dma_wait3A_126 = tpu.memref_slice %arg9[%mul3A_2, %dma_wait3A_125] : memref<5248x128xf32, #tpu.memory_space<vmem_shared>> -> memref<328x128xf32, #tpu.memory_space<vmem_shared>>
      %dma_wait3A_127 = arith.constant 0 : i32
      %dma_wait3A_128 = tpu.memref_slice %arg3[%mul3A_2, %dma_wait3A_127] : memref<10240x128xf32, #tpu.memory_space<hbm>> -> memref<328x128xf32, #tpu.memory_space<hbm>>
      tpu.wait_dma2 semaphore(%run_scoped3A_121 : memref<!tpu.dma_semaphore, #tpu.memory_space<semaphore_mem>>) src(%dma_wait3A_128 : memref<328x128xf32, #tpu.memory_space<hbm>>) dst(%dma_wait3A_126 : memref<328x128xf32, #tpu.memory_space<vmem_shared>>)
      tpu.yield
    }) : () -> ()
    %barrier3A = arith.constant 0 : index
    tpu.barrier barrier_id(%barrier3A)
    %scan3A_8 = arith.constant 0 : i32
    %scan3A_9 = arith.constant 0 : i32
    %scan3A_10 = arith.constant 0 : i32
    %scan3A_11 = arith.constant 20 : i32
    %scan3A_12 = arith.addi %scan3A_10, %scan3A_11 : i32
    %scan3A_13 = arith.constant 1 : i32
    scf.for %scan3A_121 = %scan3A_10 to %scan3A_12 step %scan3A_13  : i32 {
      %mul3A_122 = arith.constant 4 : i32
      %mul3A_123 = arith.muli %scan3A_121, %mul3A_122 : i32
      %add3A_124 = arith.constant 0 : i32
      %add3A_125 = arith.addi %mul3A_123, %add3A_124 : i32
      %ge3A = arith.constant 4 : i32
      %ge3A_126 = arith.cmpi sge, %add3A_125, %ge3A : i32
      %convert_element_type3A = arith.extui %ge3A_126 : i1 to i32
      %cond3A = arith.constant 0 : i32
      %cond3A_127 = arith.cmpi ne, %convert_element_type3A, %cond3A : i32
      scf.if %cond3A_127 {
        %add3A_196 = arith.constant 0 : i32
        %add3A_197 = arith.addi %mul3A_123, %add3A_196 : i32
        %sub3A = arith.constant 4 : i32
        %sub3A_198 = arith.subi %add3A_197, %sub3A : i32
        %dma_wait3A_199 = arith.constant 0 : i32
        %dma_wait3A_200 = arith.constant 0 : i32
        %dma_wait3A_201 = tpu.memref_slice %arg7[%scan3A_9, %dma_wait3A_199, %dma_wait3A_200] : memref<2x80x125xi32, #tpu.memory_space<vmem>> -> memref<1x80x125xi32, #tpu.memory_space<vmem>>
        %dma_wait3A_202 = tpu.memref_squeeze %dma_wait3A_201 : memref<1x80x125xi32, #tpu.memory_space<vmem>> -> memref<80x125xi32, #tpu.memory_space<vmem>>
        %dma_wait3A_203 = arith.constant 0 : i32
        %dma_wait3A_204 = tpu.memref_slice %dma_wait3A_202[%sub3A_198, %dma_wait3A_203] : memref<80x125xi32, #tpu.memory_space<vmem>> -> memref<1x125xi32, #tpu.memory_space<vmem>>
        %dma_wait3A_205 = tpu.memref_squeeze %dma_wait3A_204 : memref<1x125xi32, #tpu.memory_space<vmem>> -> memref<125xi32, #tpu.memory_space<vmem>>
        %dma_wait3A_206 = arith.constant 0 : i32
        %dma_wait3A_207 = arith.constant 0 : i32
        %dma_wait3A_208 = tpu.memref_slice %arg9[%dma_wait3A_206, %dma_wait3A_207] : memref<5248x128xf32, #tpu.memory_space<vmem_shared>> -> memref<5248x128xf32, #tpu.memory_space<vmem_shared>>
        tpu.wait_indirect_dma semaphore(%arg10 : memref<!tpu.dma_semaphore, #tpu.memory_space<semaphore_mem>>) src(%arg8 : memref<125x128xf32, #tpu.memory_space<vmem>>) dst(%dma_wait3A_208 : memref<5248x128xf32, #tpu.memory_space<vmem_shared>>)
      } else {
      }
      %add3A_128 = arith.constant 0 : i32
      %add3A_129 = arith.addi %mul3A_123, %add3A_128 : i32
      %dma_start3A = arith.constant 0 : i32
      %dma_start3A_130 = arith.constant 0 : i32
      %dma_start3A_131 = tpu.memref_slice %arg7[%scan3A_9, %dma_start3A, %dma_start3A_130] : memref<2x80x125xi32, #tpu.memory_space<vmem>> -> memref<1x80x125xi32, #tpu.memory_space<vmem>>
      %dma_start3A_132 = tpu.memref_squeeze %dma_start3A_131 : memref<1x80x125xi32, #tpu.memory_space<vmem>> -> memref<80x125xi32, #tpu.memory_space<vmem>>
      %dma_start3A_133 = arith.constant 0 : i32
      %dma_start3A_134 = tpu.memref_slice %dma_start3A_132[%add3A_129, %dma_start3A_133] : memref<80x125xi32, #tpu.memory_space<vmem>> -> memref<1x125xi32, #tpu.memory_space<vmem>>
      %dma_start3A_135 = tpu.memref_squeeze %dma_start3A_134 : memref<1x125xi32, #tpu.memory_space<vmem>> -> memref<125xi32, #tpu.memory_space<vmem>>
      %dma_start3A_136 = arith.constant 0 : i32
      %dma_start3A_137 = arith.constant 0 : i32
      %dma_start3A_138 = tpu.memref_slice %arg9[%dma_start3A_136, %dma_start3A_137] : memref<5248x128xf32, #tpu.memory_space<vmem_shared>> -> memref<5248x128xf32, #tpu.memory_space<vmem_shared>>
      tpu.enqueue_indirect_dma source(%arg8 : memref<125x128xf32, #tpu.memory_space<vmem>>) target(%dma_start3A_138 : memref<5248x128xf32, #tpu.memory_space<vmem_shared>>) offsets(%dma_start3A_135 : memref<125xi32, #tpu.memory_space<vmem>>) semaphore(%arg10 : memref<!tpu.dma_semaphore, #tpu.memory_space<semaphore_mem>>) {add = true}
      %add3A_139 = arith.constant 1 : i32
      %add3A_140 = arith.addi %mul3A_123, %add3A_139 : i32
      %ge3A_141 = arith.constant 4 : i32
      %ge3A_142 = arith.cmpi sge, %add3A_140, %ge3A_141 : i32
      %convert_element_type3A_143 = arith.extui %ge3A_142 : i1 to i32
      %cond3A_144 = arith.constant 0 : i32
      %cond3A_145 = arith.cmpi ne, %convert_element_type3A_143, %cond3A_144 : i32
      scf.if %cond3A_145 {
        %add3A_196 = arith.constant 1 : i32
        %add3A_197 = arith.addi %mul3A_123, %add3A_196 : i32
        %sub3A = arith.constant 4 : i32
        %sub3A_198 = arith.subi %add3A_197, %sub3A : i32
        %dma_wait3A_199 = arith.constant 0 : i32
        %dma_wait3A_200 = arith.constant 0 : i32
        %dma_wait3A_201 = tpu.memref_slice %arg7[%scan3A_9, %dma_wait3A_199, %dma_wait3A_200] : memref<2x80x125xi32, #tpu.memory_space<vmem>> -> memref<1x80x125xi32, #tpu.memory_space<vmem>>
        %dma_wait3A_202 = tpu.memref_squeeze %dma_wait3A_201 : memref<1x80x125xi32, #tpu.memory_space<vmem>> -> memref<80x125xi32, #tpu.memory_space<vmem>>
        %dma_wait3A_203 = arith.constant 0 : i32
        %dma_wait3A_204 = tpu.memref_slice %dma_wait3A_202[%sub3A_198, %dma_wait3A_203] : memref<80x125xi32, #tpu.memory_space<vmem>> -> memref<1x125xi32, #tpu.memory_space<vmem>>
        %dma_wait3A_205 = tpu.memref_squeeze %dma_wait3A_204 : memref<1x125xi32, #tpu.memory_space<vmem>> -> memref<125xi32, #tpu.memory_space<vmem>>
        %dma_wait3A_206 = arith.constant 0 : i32
        %dma_wait3A_207 = arith.constant 0 : i32
        %dma_wait3A_208 = tpu.memref_slice %arg9[%dma_wait3A_206, %dma_wait3A_207] : memref<5248x128xf32, #tpu.memory_space<vmem_shared>> -> memref<5248x128xf32, #tpu.memory_space<vmem_shared>>
        tpu.wait_indirect_dma semaphore(%arg11 : memref<!tpu.dma_semaphore, #tpu.memory_space<semaphore_mem>>) src(%arg8 : memref<125x128xf32, #tpu.memory_space<vmem>>) dst(%dma_wait3A_208 : memref<5248x128xf32, #tpu.memory_space<vmem_shared>>)
      } else {
      }
      %add3A_146 = arith.constant 1 : i32
      %add3A_147 = arith.addi %mul3A_123, %add3A_146 : i32
      %dma_start3A_148 = arith.constant 0 : i32
      %dma_start3A_149 = arith.constant 0 : i32
      %dma_start3A_150 = tpu.memref_slice %arg7[%scan3A_9, %dma_start3A_148, %dma_start3A_149] : memref<2x80x125xi32, #tpu.memory_space<vmem>> -> memref<1x80x125xi32, #tpu.memory_space<vmem>>
      %dma_start3A_151 = tpu.memref_squeeze %dma_start3A_150 : memref<1x80x125xi32, #tpu.memory_space<vmem>> -> memref<80x125xi32, #tpu.memory_space<vmem>>
      %dma_start3A_152 = arith.constant 0 : i32
      %dma_start3A_153 = tpu.memref_slice %dma_start3A_151[%add3A_147, %dma_start3A_152] : memref<80x125xi32, #tpu.memory_space<vmem>> -> memref<1x125xi32, #tpu.memory_space<vmem>>
      %dma_start3A_154 = tpu.memref_squeeze %dma_start3A_153 : memref<1x125xi32, #tpu.memory_space<vmem>> -> memref<125xi32, #tpu.memory_space<vmem>>
      %dma_start3A_155 = arith.constant 0 : i32
      %dma_start3A_156 = arith.constant 0 : i32
      %dma_start3A_157 = tpu.memref_slice %arg9[%dma_start3A_155, %dma_start3A_156] : memref<5248x128xf32, #tpu.memory_space<vmem_shared>> -> memref<5248x128xf32, #tpu.memory_space<vmem_shared>>
      tpu.enqueue_indirect_dma source(%arg8 : memref<125x128xf32, #tpu.memory_space<vmem>>) target(%dma_start3A_157 : memref<5248x128xf32, #tpu.memory_space<vmem_shared>>) offsets(%dma_start3A_154 : memref<125xi32, #tpu.memory_space<vmem>>) semaphore(%arg11 : memref<!tpu.dma_semaphore, #tpu.memory_space<semaphore_mem>>) {add = true}
      %add3A_158 = arith.constant 2 : i32
      %add3A_159 = arith.addi %mul3A_123, %add3A_158 : i32
      %ge3A_160 = arith.constant 4 : i32
      %ge3A_161 = arith.cmpi sge, %add3A_159, %ge3A_160 : i32
      %convert_element_type3A_162 = arith.extui %ge3A_161 : i1 to i32
      %cond3A_163 = arith.constant 0 : i32
      %cond3A_164 = arith.cmpi ne, %convert_element_type3A_162, %cond3A_163 : i32
      scf.if %cond3A_164 {
        %add3A_196 = arith.constant 2 : i32
        %add3A_197 = arith.addi %mul3A_123, %add3A_196 : i32
        %sub3A = arith.constant 4 : i32
        %sub3A_198 = arith.subi %add3A_197, %sub3A : i32
        %dma_wait3A_199 = arith.constant 0 : i32
        %dma_wait3A_200 = arith.constant 0 : i32
        %dma_wait3A_201 = tpu.memref_slice %arg7[%scan3A_9, %dma_wait3A_199, %dma_wait3A_200] : memref<2x80x125xi32, #tpu.memory_space<vmem>> -> memref<1x80x125xi32, #tpu.memory_space<vmem>>
        %dma_wait3A_202 = tpu.memref_squeeze %dma_wait3A_201 : memref<1x80x125xi32, #tpu.memory_space<vmem>> -> memref<80x125xi32, #tpu.memory_space<vmem>>
        %dma_wait3A_203 = arith.constant 0 : i32
        %dma_wait3A_204 = tpu.memref_slice %dma_wait3A_202[%sub3A_198, %dma_wait3A_203] : memref<80x125xi32, #tpu.memory_space<vmem>> -> memref<1x125xi32, #tpu.memory_space<vmem>>
        %dma_wait3A_205 = tpu.memref_squeeze %dma_wait3A_204 : memref<1x125xi32, #tpu.memory_space<vmem>> -> memref<125xi32, #tpu.memory_space<vmem>>
        %dma_wait3A_206 = arith.constant 0 : i32
        %dma_wait3A_207 = arith.constant 0 : i32
        %dma_wait3A_208 = tpu.memref_slice %arg9[%dma_wait3A_206, %dma_wait3A_207] : memref<5248x128xf32, #tpu.memory_space<vmem_shared>> -> memref<5248x128xf32, #tpu.memory_space<vmem_shared>>
        tpu.wait_indirect_dma semaphore(%arg12 : memref<!tpu.dma_semaphore, #tpu.memory_space<semaphore_mem>>) src(%arg8 : memref<125x128xf32, #tpu.memory_space<vmem>>) dst(%dma_wait3A_208 : memref<5248x128xf32, #tpu.memory_space<vmem_shared>>)
      } else {
      }
      %add3A_165 = arith.constant 2 : i32
      %add3A_166 = arith.addi %mul3A_123, %add3A_165 : i32
      %dma_start3A_167 = arith.constant 0 : i32
      %dma_start3A_168 = arith.constant 0 : i32
      %dma_start3A_169 = tpu.memref_slice %arg7[%scan3A_9, %dma_start3A_167, %dma_start3A_168] : memref<2x80x125xi32, #tpu.memory_space<vmem>> -> memref<1x80x125xi32, #tpu.memory_space<vmem>>
      %dma_start3A_170 = tpu.memref_squeeze %dma_start3A_169 : memref<1x80x125xi32, #tpu.memory_space<vmem>> -> memref<80x125xi32, #tpu.memory_space<vmem>>
      %dma_start3A_171 = arith.constant 0 : i32
      %dma_start3A_172 = tpu.memref_slice %dma_start3A_170[%add3A_166, %dma_start3A_171] : memref<80x125xi32, #tpu.memory_space<vmem>> -> memref<1x125xi32, #tpu.memory_space<vmem>>
      %dma_start3A_173 = tpu.memref_squeeze %dma_start3A_172 : memref<1x125xi32, #tpu.memory_space<vmem>> -> memref<125xi32, #tpu.memory_space<vmem>>
      %dma_start3A_174 = arith.constant 0 : i32
      %dma_start3A_175 = arith.constant 0 : i32
      %dma_start3A_176 = tpu.memref_slice %arg9[%dma_start3A_174, %dma_start3A_175] : memref<5248x128xf32, #tpu.memory_space<vmem_shared>> -> memref<5248x128xf32, #tpu.memory_space<vmem_shared>>
      tpu.enqueue_indirect_dma source(%arg8 : memref<125x128xf32, #tpu.memory_space<vmem>>) target(%dma_start3A_176 : memref<5248x128xf32, #tpu.memory_space<vmem_shared>>) offsets(%dma_start3A_173 : memref<125xi32, #tpu.memory_space<vmem>>) semaphore(%arg12 : memref<!tpu.dma_semaphore, #tpu.memory_space<semaphore_mem>>) {add = true}
      %add3A_177 = arith.constant 3 : i32
      %add3A_178 = arith.addi %mul3A_123, %add3A_177 : i32
      %ge3A_179 = arith.constant 4 : i32
      %ge3A_180 = arith.cmpi sge, %add3A_178, %ge3A_179 : i32
      %convert_element_type3A_181 = arith.extui %ge3A_180 : i1 to i32
      %cond3A_182 = arith.constant 0 : i32
      %cond3A_183 = arith.cmpi ne, %convert_element_type3A_181, %cond3A_182 : i32
      scf.if %cond3A_183 {
        %add3A_196 = arith.constant 3 : i32
        %add3A_197 = arith.addi %mul3A_123, %add3A_196 : i32
        %sub3A = arith.constant 4 : i32
        %sub3A_198 = arith.subi %add3A_197, %sub3A : i32
        %dma_wait3A_199 = arith.constant 0 : i32
        %dma_wait3A_200 = arith.constant 0 : i32
        %dma_wait3A_201 = tpu.memref_slice %arg7[%scan3A_9, %dma_wait3A_199, %dma_wait3A_200] : memref<2x80x125xi32, #tpu.memory_space<vmem>> -> memref<1x80x125xi32, #tpu.memory_space<vmem>>
        %dma_wait3A_202 = tpu.memref_squeeze %dma_wait3A_201 : memref<1x80x125xi32, #tpu.memory_space<vmem>> -> memref<80x125xi32, #tpu.memory_space<vmem>>
        %dma_wait3A_203 = arith.constant 0 : i32
        %dma_wait3A_204 = tpu.memref_slice %dma_wait3A_202[%sub3A_198, %dma_wait3A_203] : memref<80x125xi32, #tpu.memory_space<vmem>> -> memref<1x125xi32, #tpu.memory_space<vmem>>
        %dma_wait3A_205 = tpu.memref_squeeze %dma_wait3A_204 : memref<1x125xi32, #tpu.memory_space<vmem>> -> memref<125xi32, #tpu.memory_space<vmem>>
        %dma_wait3A_206 = arith.constant 0 : i32
        %dma_wait3A_207 = arith.constant 0 : i32
        %dma_wait3A_208 = tpu.memref_slice %arg9[%dma_wait3A_206, %dma_wait3A_207] : memref<5248x128xf32, #tpu.memory_space<vmem_shared>> -> memref<5248x128xf32, #tpu.memory_space<vmem_shared>>
        tpu.wait_indirect_dma semaphore(%arg13 : memref<!tpu.dma_semaphore, #tpu.memory_space<semaphore_mem>>) src(%arg8 : memref<125x128xf32, #tpu.memory_space<vmem>>) dst(%dma_wait3A_208 : memref<5248x128xf32, #tpu.memory_space<vmem_shared>>)
      } else {
      }
      %add3A_184 = arith.constant 3 : i32
      %add3A_185 = arith.addi %mul3A_123, %add3A_184 : i32
      %dma_start3A_186 = arith.constant 0 : i32
      %dma_start3A_187 = arith.constant 0 : i32
      %dma_start3A_188 = tpu.memref_slice %arg7[%scan3A_9, %dma_start3A_186, %dma_start3A_187] : memref<2x80x125xi32, #tpu.memory_space<vmem>> -> memref<1x80x125xi32, #tpu.memory_space<vmem>>
      %dma_start3A_189 = tpu.memref_squeeze %dma_start3A_188 : memref<1x80x125xi32, #tpu.memory_space<vmem>> -> memref<80x125xi32, #tpu.memory_space<vmem>>
      %dma_start3A_190 = arith.constant 0 : i32
      %dma_start3A_191 = tpu.memref_slice %dma_start3A_189[%add3A_185, %dma_start3A_190] : memref<80x125xi32, #tpu.memory_space<vmem>> -> memref<1x125xi32, #tpu.memory_space<vmem>>
      %dma_start3A_192 = tpu.memref_squeeze %dma_start3A_191 : memref<1x125xi32, #tpu.memory_space<vmem>> -> memref<125xi32, #tpu.memory_space<vmem>>
      %dma_start3A_193 = arith.constant 0 : i32
      %dma_start3A_194 = arith.constant 0 : i32
      %dma_start3A_195 = tpu.memref_slice %arg9[%dma_start3A_193, %dma_start3A_194] : memref<5248x128xf32, #tpu.memory_space<vmem_shared>> -> memref<5248x128xf32, #tpu.memory_space<vmem_shared>>
      tpu.enqueue_indirect_dma source(%arg8 : memref<125x128xf32, #tpu.memory_space<vmem>>) target(%dma_start3A_195 : memref<5248x128xf32, #tpu.memory_space<vmem_shared>>) offsets(%dma_start3A_192 : memref<125xi32, #tpu.memory_space<vmem>>) semaphore(%arg13 : memref<!tpu.dma_semaphore, #tpu.memory_space<semaphore_mem>>) {add = true}
    }
    %scan3A_14 = arith.constant 20 : i32
    %dma_wait3A = arith.constant 0 : i32
    %dma_wait3A_15 = arith.constant 76 : i32
    %dma_wait3A_16 = arith.constant 0 : i32
    %dma_wait3A_17 = arith.constant 0 : i32
    %dma_wait3A_18 = tpu.memref_slice %arg7[%dma_wait3A, %dma_wait3A_16, %dma_wait3A_17] : memref<2x80x125xi32, #tpu.memory_space<vmem>> -> memref<1x80x125xi32, #tpu.memory_space<vmem>>
    %dma_wait3A_19 = tpu.memref_squeeze %dma_wait3A_18 : memref<1x80x125xi32, #tpu.memory_space<vmem>> -> memref<80x125xi32, #tpu.memory_space<vmem>>
    %dma_wait3A_20 = arith.constant 0 : i32
    %dma_wait3A_21 = tpu.memref_slice %dma_wait3A_19[%dma_wait3A_15, %dma_wait3A_20] : memref<80x125xi32, #tpu.memory_space<vmem>> -> memref<1x125xi32, #tpu.memory_space<vmem>>
    %dma_wait3A_22 = tpu.memref_squeeze %dma_wait3A_21 : memref<1x125xi32, #tpu.memory_space<vmem>> -> memref<125xi32, #tpu.memory_space<vmem>>
    %dma_wait3A_23 = arith.constant 0 : i32
    %dma_wait3A_24 = arith.constant 0 : i32
    %dma_wait3A_25 = tpu.memref_slice %arg9[%dma_wait3A_23, %dma_wait3A_24] : memref<5248x128xf32, #tpu.memory_space<vmem_shared>> -> memref<5248x128xf32, #tpu.memory_space<vmem_shared>>
    tpu.wait_indirect_dma semaphore(%arg10 : memref<!tpu.dma_semaphore, #tpu.memory_space<semaphore_mem>>) src(%arg8 : memref<125x128xf32, #tpu.memory_space<vmem>>) dst(%dma_wait3A_25 : memref<5248x128xf32, #tpu.memory_space<vmem_shared>>)
    %dma_wait3A_26 = arith.constant 0 : i32
    %dma_wait3A_27 = arith.constant 77 : i32
    %dma_wait3A_28 = arith.constant 0 : i32
    %dma_wait3A_29 = arith.constant 0 : i32
    %dma_wait3A_30 = tpu.memref_slice %arg7[%dma_wait3A_26, %dma_wait3A_28, %dma_wait3A_29] : memref<2x80x125xi32, #tpu.memory_space<vmem>> -> memref<1x80x125xi32, #tpu.memory_space<vmem>>
    %dma_wait3A_31 = tpu.memref_squeeze %dma_wait3A_30 : memref<1x80x125xi32, #tpu.memory_space<vmem>> -> memref<80x125xi32, #tpu.memory_space<vmem>>
    %dma_wait3A_32 = arith.constant 0 : i32
    %dma_wait3A_33 = tpu.memref_slice %dma_wait3A_31[%dma_wait3A_27, %dma_wait3A_32] : memref<80x125xi32, #tpu.memory_space<vmem>> -> memref<1x125xi32, #tpu.memory_space<vmem>>
    %dma_wait3A_34 = tpu.memref_squeeze %dma_wait3A_33 : memref<1x125xi32, #tpu.memory_space<vmem>> -> memref<125xi32, #tpu.memory_space<vmem>>
    %dma_wait3A_35 = arith.constant 0 : i32
    %dma_wait3A_36 = arith.constant 0 : i32
    %dma_wait3A_37 = tpu.memref_slice %arg9[%dma_wait3A_35, %dma_wait3A_36] : memref<5248x128xf32, #tpu.memory_space<vmem_shared>> -> memref<5248x128xf32, #tpu.memory_space<vmem_shared>>
    tpu.wait_indirect_dma semaphore(%arg11 : memref<!tpu.dma_semaphore, #tpu.memory_space<semaphore_mem>>) src(%arg8 : memref<125x128xf32, #tpu.memory_space<vmem>>) dst(%dma_wait3A_37 : memref<5248x128xf32, #tpu.memory_space<vmem_shared>>)
    %dma_wait3A_38 = arith.constant 0 : i32
    %dma_wait3A_39 = arith.constant 78 : i32
    %dma_wait3A_40 = arith.constant 0 : i32
    %dma_wait3A_41 = arith.constant 0 : i32
    %dma_wait3A_42 = tpu.memref_slice %arg7[%dma_wait3A_38, %dma_wait3A_40, %dma_wait3A_41] : memref<2x80x125xi32, #tpu.memory_space<vmem>> -> memref<1x80x125xi32, #tpu.memory_space<vmem>>
    %dma_wait3A_43 = tpu.memref_squeeze %dma_wait3A_42 : memref<1x80x125xi32, #tpu.memory_space<vmem>> -> memref<80x125xi32, #tpu.memory_space<vmem>>
    %dma_wait3A_44 = arith.constant 0 : i32
    %dma_wait3A_45 = tpu.memref_slice %dma_wait3A_43[%dma_wait3A_39, %dma_wait3A_44] : memref<80x125xi32, #tpu.memory_space<vmem>> -> memref<1x125xi32, #tpu.memory_space<vmem>>
    %dma_wait3A_46 = tpu.memref_squeeze %dma_wait3A_45 : memref<1x125xi32, #tpu.memory_space<vmem>> -> memref<125xi32, #tpu.memory_space<vmem>>
    %dma_wait3A_47 = arith.constant 0 : i32
    %dma_wait3A_48 = arith.constant 0 : i32
    %dma_wait3A_49 = tpu.memref_slice %arg9[%dma_wait3A_47, %dma_wait3A_48] : memref<5248x128xf32, #tpu.memory_space<vmem_shared>> -> memref<5248x128xf32, #tpu.memory_space<vmem_shared>>
    tpu.wait_indirect_dma semaphore(%arg12 : memref<!tpu.dma_semaphore, #tpu.memory_space<semaphore_mem>>) src(%arg8 : memref<125x128xf32, #tpu.memory_space<vmem>>) dst(%dma_wait3A_49 : memref<5248x128xf32, #tpu.memory_space<vmem_shared>>)
    %dma_wait3A_50 = arith.constant 0 : i32
    %dma_wait3A_51 = arith.constant 79 : i32
    %dma_wait3A_52 = arith.constant 0 : i32
    %dma_wait3A_53 = arith.constant 0 : i32
    %dma_wait3A_54 = tpu.memref_slice %arg7[%dma_wait3A_50, %dma_wait3A_52, %dma_wait3A_53] : memref<2x80x125xi32, #tpu.memory_space<vmem>> -> memref<1x80x125xi32, #tpu.memory_space<vmem>>
    %dma_wait3A_55 = tpu.memref_squeeze %dma_wait3A_54 : memref<1x80x125xi32, #tpu.memory_space<vmem>> -> memref<80x125xi32, #tpu.memory_space<vmem>>
    %dma_wait3A_56 = arith.constant 0 : i32
    %dma_wait3A_57 = tpu.memref_slice %dma_wait3A_55[%dma_wait3A_51, %dma_wait3A_56] : memref<80x125xi32, #tpu.memory_space<vmem>> -> memref<1x125xi32, #tpu.memory_space<vmem>>
    %dma_wait3A_58 = tpu.memref_squeeze %dma_wait3A_57 : memref<1x125xi32, #tpu.memory_space<vmem>> -> memref<125xi32, #tpu.memory_space<vmem>>
    %dma_wait3A_59 = arith.constant 0 : i32
    %dma_wait3A_60 = arith.constant 0 : i32
    %dma_wait3A_61 = tpu.memref_slice %arg9[%dma_wait3A_59, %dma_wait3A_60] : memref<5248x128xf32, #tpu.memory_space<vmem_shared>> -> memref<5248x128xf32, #tpu.memory_space<vmem_shared>>
    tpu.wait_indirect_dma semaphore(%arg13 : memref<!tpu.dma_semaphore, #tpu.memory_space<semaphore_mem>>) src(%arg8 : memref<125x128xf32, #tpu.memory_space<vmem>>) dst(%dma_wait3A_61 : memref<5248x128xf32, #tpu.memory_space<vmem_shared>>)
    %barrier3A_62 = arith.constant 0 : index
    tpu.barrier barrier_id(%barrier3A_62)
    %run_scoped3A = arith.constant 0 : i32
    "tpu.region"() ({
      %run_scoped3A_121 = tpu.sem_alloc : memref<!tpu.dma_semaphore, #tpu.memory_space<semaphore_mem>>
      %dma_start3A = arith.constant 0 : i32
      %dma_start3A_122 = arith.constant 0 : i32
      %dma_start3A_123 = arith.constant 0 : i32
      %dma_start3A_124 = tpu.memref_slice %arg5[%arg0, %dma_start3A, %dma_start3A_122, %dma_start3A_123] : memref<2x2x5248x128xf32, #tpu.memory_space<hbm>> -> memref<1x2x5248x128xf32, #tpu.memory_space<hbm>>
      %dma_start3A_125 = tpu.memref_squeeze %dma_start3A_124 : memref<1x2x5248x128xf32, #tpu.memory_space<hbm>> -> memref<2x5248x128xf32, #tpu.memory_space<hbm>>
      %dma_start3A_126 = arith.constant 0 : i32
      %dma_start3A_127 = arith.constant 0 : i32
      %dma_start3A_128 = tpu.memref_slice %dma_start3A_125[%run_scoped3A, %dma_start3A_126, %dma_start3A_127] : memref<2x5248x128xf32, #tpu.memory_space<hbm>> -> memref<1x5248x128xf32, #tpu.memory_space<hbm>>
      %dma_start3A_129 = tpu.memref_squeeze %dma_start3A_128 : memref<1x5248x128xf32, #tpu.memory_space<hbm>> -> memref<5248x128xf32, #tpu.memory_space<hbm>>
      %dma_start3A_130 = arith.constant 0 : i32
      %dma_start3A_131 = tpu.memref_slice %dma_start3A_129[%mul3A_2, %dma_start3A_130] : memref<5248x128xf32, #tpu.memory_space<hbm>> -> memref<328x128xf32, #tpu.memory_space<hbm>>
      %dma_start3A_132 = arith.constant 0 : i32
      %dma_start3A_133 = tpu.memref_slice %arg9[%mul3A_2, %dma_start3A_132] : memref<5248x128xf32, #tpu.memory_space<vmem_shared>> -> memref<328x128xf32, #tpu.memory_space<vmem_shared>>
      tpu.enqueue_dma source(%dma_start3A_133 : memref<328x128xf32, #tpu.memory_space<vmem_shared>>) target(%dma_start3A_131 : memref<328x128xf32, #tpu.memory_space<hbm>>) target_semaphore(%run_scoped3A_121 : memref<!tpu.dma_semaphore, #tpu.memory_space<semaphore_mem>>)
      %dma_wait3A_134 = arith.constant 0 : i32
      %dma_wait3A_135 = arith.constant 0 : i32
      %dma_wait3A_136 = arith.constant 0 : i32
      %dma_wait3A_137 = tpu.memref_slice %arg5[%arg0, %dma_wait3A_134, %dma_wait3A_135, %dma_wait3A_136] : memref<2x2x5248x128xf32, #tpu.memory_space<hbm>> -> memref<1x2x5248x128xf32, #tpu.memory_space<hbm>>
      %dma_wait3A_138 = tpu.memref_squeeze %dma_wait3A_137 : memref<1x2x5248x128xf32, #tpu.memory_space<hbm>> -> memref<2x5248x128xf32, #tpu.memory_space<hbm>>
      %dma_wait3A_139 = arith.constant 0 : i32
      %dma_wait3A_140 = arith.constant 0 : i32
      %dma_wait3A_141 = tpu.memref_slice %dma_wait3A_138[%run_scoped3A, %dma_wait3A_139, %dma_wait3A_140] : memref<2x5248x128xf32, #tpu.memory_space<hbm>> -> memref<1x5248x128xf32, #tpu.memory_space<hbm>>
      %dma_wait3A_142 = tpu.memref_squeeze %dma_wait3A_141 : memref<1x5248x128xf32, #tpu.memory_space<hbm>> -> memref<5248x128xf32, #tpu.memory_space<hbm>>
      %dma_wait3A_143 = arith.constant 0 : i32
      %dma_wait3A_144 = tpu.memref_slice %dma_wait3A_142[%mul3A_2, %dma_wait3A_143] : memref<5248x128xf32, #tpu.memory_space<hbm>> -> memref<328x128xf32, #tpu.memory_space<hbm>>
      %dma_wait3A_145 = arith.constant 0 : i32
      %dma_wait3A_146 = tpu.memref_slice %arg9[%mul3A_2, %dma_wait3A_145] : memref<5248x128xf32, #tpu.memory_space<vmem_shared>> -> memref<328x128xf32, #tpu.memory_space<vmem_shared>>
      tpu.wait_dma2 semaphore(%run_scoped3A_121 : memref<!tpu.dma_semaphore, #tpu.memory_space<semaphore_mem>>) src(%dma_wait3A_146 : memref<328x128xf32, #tpu.memory_space<vmem_shared>>) dst(%dma_wait3A_144 : memref<328x128xf32, #tpu.memory_space<hbm>>)
      tpu.yield
    }) : () -> ()
    "tpu.region"() ({
      %run_scoped3A_121 = tpu.sem_alloc : memref<!tpu.dma_semaphore, #tpu.memory_space<semaphore_mem>>
      %dma_start3A = arith.constant 0 : i32
      %dma_start3A_122 = tpu.memref_slice %arg9[%mul3A_2, %dma_start3A] : memref<5248x128xf32, #tpu.memory_space<vmem_shared>> -> memref<328x128xf32, #tpu.memory_space<vmem_shared>>
      %dma_start3A_123 = arith.constant 0 : i32
      %dma_start3A_124 = tpu.memref_slice %arg3[%mul3A_2, %dma_start3A_123] : memref<10240x128xf32, #tpu.memory_space<hbm>> -> memref<328x128xf32, #tpu.memory_space<hbm>>
      tpu.enqueue_dma source(%dma_start3A_124 : memref<328x128xf32, #tpu.memory_space<hbm>>) target(%dma_start3A_122 : memref<328x128xf32, #tpu.memory_space<vmem_shared>>) target_semaphore(%run_scoped3A_121 : memref<!tpu.dma_semaphore, #tpu.memory_space<semaphore_mem>>)
      %dma_wait3A_125 = arith.constant 0 : i32
      %dma_wait3A_126 = tpu.memref_slice %arg9[%mul3A_2, %dma_wait3A_125] : memref<5248x128xf32, #tpu.memory_space<vmem_shared>> -> memref<328x128xf32, #tpu.memory_space<vmem_shared>>
      %dma_wait3A_127 = arith.constant 0 : i32
      %dma_wait3A_128 = tpu.memref_slice %arg3[%mul3A_2, %dma_wait3A_127] : memref<10240x128xf32, #tpu.memory_space<hbm>> -> memref<328x128xf32, #tpu.memory_space<hbm>>
      tpu.wait_dma2 semaphore(%run_scoped3A_121 : memref<!tpu.dma_semaphore, #tpu.memory_space<semaphore_mem>>) src(%dma_wait3A_128 : memref<328x128xf32, #tpu.memory_space<hbm>>) dst(%dma_wait3A_126 : memref<328x128xf32, #tpu.memory_space<vmem_shared>>)
      tpu.yield
    }) : () -> ()
    %barrier3A_63 = arith.constant 0 : index
    tpu.barrier barrier_id(%barrier3A_63)
    %scan3A_64 = arith.constant 0 : i32
    %scan3A_65 = arith.constant 1 : i32
    %scan3A_66 = arith.constant 0 : i32
    %scan3A_67 = arith.constant 20 : i32
    %scan3A_68 = arith.addi %scan3A_66, %scan3A_67 : i32
    %scan3A_69 = arith.constant 1 : i32
    scf.for %scan3A_121 = %scan3A_66 to %scan3A_68 step %scan3A_69  : i32 {
      %mul3A_122 = arith.constant 4 : i32
      %mul3A_123 = arith.muli %scan3A_121, %mul3A_122 : i32
      %add3A_124 = arith.constant 0 : i32
      %add3A_125 = arith.addi %mul3A_123, %add3A_124 : i32
      %ge3A = arith.constant 4 : i32
      %ge3A_126 = arith.cmpi sge, %add3A_125, %ge3A : i32
      %convert_element_type3A = arith.extui %ge3A_126 : i1 to i32
      %cond3A = arith.constant 0 : i32
      %cond3A_127 = arith.cmpi ne, %convert_element_type3A, %cond3A : i32
      scf.if %cond3A_127 {
        %add3A_196 = arith.constant 0 : i32
        %add3A_197 = arith.addi %mul3A_123, %add3A_196 : i32
        %sub3A = arith.constant 4 : i32
        %sub3A_198 = arith.subi %add3A_197, %sub3A : i32
        %dma_wait3A_199 = arith.constant 0 : i32
        %dma_wait3A_200 = arith.constant 0 : i32
        %dma_wait3A_201 = tpu.memref_slice %arg7[%scan3A_65, %dma_wait3A_199, %dma_wait3A_200] : memref<2x80x125xi32, #tpu.memory_space<vmem>> -> memref<1x80x125xi32, #tpu.memory_space<vmem>>
        %dma_wait3A_202 = tpu.memref_squeeze %dma_wait3A_201 : memref<1x80x125xi32, #tpu.memory_space<vmem>> -> memref<80x125xi32, #tpu.memory_space<vmem>>
        %dma_wait3A_203 = arith.constant 0 : i32
        %dma_wait3A_204 = tpu.memref_slice %dma_wait3A_202[%sub3A_198, %dma_wait3A_203] : memref<80x125xi32, #tpu.memory_space<vmem>> -> memref<1x125xi32, #tpu.memory_space<vmem>>
        %dma_wait3A_205 = tpu.memref_squeeze %dma_wait3A_204 : memref<1x125xi32, #tpu.memory_space<vmem>> -> memref<125xi32, #tpu.memory_space<vmem>>
        %dma_wait3A_206 = arith.constant 0 : i32
        %dma_wait3A_207 = arith.constant 0 : i32
        %dma_wait3A_208 = tpu.memref_slice %arg9[%dma_wait3A_206, %dma_wait3A_207] : memref<5248x128xf32, #tpu.memory_space<vmem_shared>> -> memref<5248x128xf32, #tpu.memory_space<vmem_shared>>
        tpu.wait_indirect_dma semaphore(%arg10 : memref<!tpu.dma_semaphore, #tpu.memory_space<semaphore_mem>>) src(%arg8 : memref<125x128xf32, #tpu.memory_space<vmem>>) dst(%dma_wait3A_208 : memref<5248x128xf32, #tpu.memory_space<vmem_shared>>)
      } else {
      }
      %add3A_128 = arith.constant 0 : i32
      %add3A_129 = arith.addi %mul3A_123, %add3A_128 : i32
      %dma_start3A = arith.constant 0 : i32
      %dma_start3A_130 = arith.constant 0 : i32
      %dma_start3A_131 = tpu.memref_slice %arg7[%scan3A_65, %dma_start3A, %dma_start3A_130] : memref<2x80x125xi32, #tpu.memory_space<vmem>> -> memref<1x80x125xi32, #tpu.memory_space<vmem>>
      %dma_start3A_132 = tpu.memref_squeeze %dma_start3A_131 : memref<1x80x125xi32, #tpu.memory_space<vmem>> -> memref<80x125xi32, #tpu.memory_space<vmem>>
      %dma_start3A_133 = arith.constant 0 : i32
      %dma_start3A_134 = tpu.memref_slice %dma_start3A_132[%add3A_129, %dma_start3A_133] : memref<80x125xi32, #tpu.memory_space<vmem>> -> memref<1x125xi32, #tpu.memory_space<vmem>>
      %dma_start3A_135 = tpu.memref_squeeze %dma_start3A_134 : memref<1x125xi32, #tpu.memory_space<vmem>> -> memref<125xi32, #tpu.memory_space<vmem>>
      %dma_start3A_136 = arith.constant 0 : i32
      %dma_start3A_137 = arith.constant 0 : i32
      %dma_start3A_138 = tpu.memref_slice %arg9[%dma_start3A_136, %dma_start3A_137] : memref<5248x128xf32, #tpu.memory_space<vmem_shared>> -> memref<5248x128xf32, #tpu.memory_space<vmem_shared>>
      tpu.enqueue_indirect_dma source(%arg8 : memref<125x128xf32, #tpu.memory_space<vmem>>) target(%dma_start3A_138 : memref<5248x128xf32, #tpu.memory_space<vmem_shared>>) offsets(%dma_start3A_135 : memref<125xi32, #tpu.memory_space<vmem>>) semaphore(%arg10 : memref<!tpu.dma_semaphore, #tpu.memory_space<semaphore_mem>>) {add = true}
      %add3A_139 = arith.constant 1 : i32
      %add3A_140 = arith.addi %mul3A_123, %add3A_139 : i32
      %ge3A_141 = arith.constant 4 : i32
      %ge3A_142 = arith.cmpi sge, %add3A_140, %ge3A_141 : i32
      %convert_element_type3A_143 = arith.extui %ge3A_142 : i1 to i32
      %cond3A_144 = arith.constant 0 : i32
      %cond3A_145 = arith.cmpi ne, %convert_element_type3A_143, %cond3A_144 : i32
      scf.if %cond3A_145 {
        %add3A_196 = arith.constant 1 : i32
        %add3A_197 = arith.addi %mul3A_123, %add3A_196 : i32
        %sub3A = arith.constant 4 : i32
        %sub3A_198 = arith.subi %add3A_197, %sub3A : i32
        %dma_wait3A_199 = arith.constant 0 : i32
        %dma_wait3A_200 = arith.constant 0 : i32
        %dma_wait3A_201 = tpu.memref_slice %arg7[%scan3A_65, %dma_wait3A_199, %dma_wait3A_200] : memref<2x80x125xi32, #tpu.memory_space<vmem>> -> memref<1x80x125xi32, #tpu.memory_space<vmem>>
        %dma_wait3A_202 = tpu.memref_squeeze %dma_wait3A_201 : memref<1x80x125xi32, #tpu.memory_space<vmem>> -> memref<80x125xi32, #tpu.memory_space<vmem>>
        %dma_wait3A_203 = arith.constant 0 : i32
        %dma_wait3A_204 = tpu.memref_slice %dma_wait3A_202[%sub3A_198, %dma_wait3A_203] : memref<80x125xi32, #tpu.memory_space<vmem>> -> memref<1x125xi32, #tpu.memory_space<vmem>>
        %dma_wait3A_205 = tpu.memref_squeeze %dma_wait3A_204 : memref<1x125xi32, #tpu.memory_space<vmem>> -> memref<125xi32, #tpu.memory_space<vmem>>
        %dma_wait3A_206 = arith.constant 0 : i32
        %dma_wait3A_207 = arith.constant 0 : i32
        %dma_wait3A_208 = tpu.memref_slice %arg9[%dma_wait3A_206, %dma_wait3A_207] : memref<5248x128xf32, #tpu.memory_space<vmem_shared>> -> memref<5248x128xf32, #tpu.memory_space<vmem_shared>>
        tpu.wait_indirect_dma semaphore(%arg11 : memref<!tpu.dma_semaphore, #tpu.memory_space<semaphore_mem>>) src(%arg8 : memref<125x128xf32, #tpu.memory_space<vmem>>) dst(%dma_wait3A_208 : memref<5248x128xf32, #tpu.memory_space<vmem_shared>>)
      } else {
      }
      %add3A_146 = arith.constant 1 : i32
      %add3A_147 = arith.addi %mul3A_123, %add3A_146 : i32
      %dma_start3A_148 = arith.constant 0 : i32
      %dma_start3A_149 = arith.constant 0 : i32
      %dma_start3A_150 = tpu.memref_slice %arg7[%scan3A_65, %dma_start3A_148, %dma_start3A_149] : memref<2x80x125xi32, #tpu.memory_space<vmem>> -> memref<1x80x125xi32, #tpu.memory_space<vmem>>
      %dma_start3A_151 = tpu.memref_squeeze %dma_start3A_150 : memref<1x80x125xi32, #tpu.memory_space<vmem>> -> memref<80x125xi32, #tpu.memory_space<vmem>>
      %dma_start3A_152 = arith.constant 0 : i32
      %dma_start3A_153 = tpu.memref_slice %dma_start3A_151[%add3A_147, %dma_start3A_152] : memref<80x125xi32, #tpu.memory_space<vmem>> -> memref<1x125xi32, #tpu.memory_space<vmem>>
      %dma_start3A_154 = tpu.memref_squeeze %dma_start3A_153 : memref<1x125xi32, #tpu.memory_space<vmem>> -> memref<125xi32, #tpu.memory_space<vmem>>
      %dma_start3A_155 = arith.constant 0 : i32
      %dma_start3A_156 = arith.constant 0 : i32
      %dma_start3A_157 = tpu.memref_slice %arg9[%dma_start3A_155, %dma_start3A_156] : memref<5248x128xf32, #tpu.memory_space<vmem_shared>> -> memref<5248x128xf32, #tpu.memory_space<vmem_shared>>
      tpu.enqueue_indirect_dma source(%arg8 : memref<125x128xf32, #tpu.memory_space<vmem>>) target(%dma_start3A_157 : memref<5248x128xf32, #tpu.memory_space<vmem_shared>>) offsets(%dma_start3A_154 : memref<125xi32, #tpu.memory_space<vmem>>) semaphore(%arg11 : memref<!tpu.dma_semaphore, #tpu.memory_space<semaphore_mem>>) {add = true}
      %add3A_158 = arith.constant 2 : i32
      %add3A_159 = arith.addi %mul3A_123, %add3A_158 : i32
      %ge3A_160 = arith.constant 4 : i32
      %ge3A_161 = arith.cmpi sge, %add3A_159, %ge3A_160 : i32
      %convert_element_type3A_162 = arith.extui %ge3A_161 : i1 to i32
      %cond3A_163 = arith.constant 0 : i32
      %cond3A_164 = arith.cmpi ne, %convert_element_type3A_162, %cond3A_163 : i32
      scf.if %cond3A_164 {
        %add3A_196 = arith.constant 2 : i32
        %add3A_197 = arith.addi %mul3A_123, %add3A_196 : i32
        %sub3A = arith.constant 4 : i32
        %sub3A_198 = arith.subi %add3A_197, %sub3A : i32
        %dma_wait3A_199 = arith.constant 0 : i32
        %dma_wait3A_200 = arith.constant 0 : i32
        %dma_wait3A_201 = tpu.memref_slice %arg7[%scan3A_65, %dma_wait3A_199, %dma_wait3A_200] : memref<2x80x125xi32, #tpu.memory_space<vmem>> -> memref<1x80x125xi32, #tpu.memory_space<vmem>>
        %dma_wait3A_202 = tpu.memref_squeeze %dma_wait3A_201 : memref<1x80x125xi32, #tpu.memory_space<vmem>> -> memref<80x125xi32, #tpu.memory_space<vmem>>
        %dma_wait3A_203 = arith.constant 0 : i32
        %dma_wait3A_204 = tpu.memref_slice %dma_wait3A_202[%sub3A_198, %dma_wait3A_203] : memref<80x125xi32, #tpu.memory_space<vmem>> -> memref<1x125xi32, #tpu.memory_space<vmem>>
        %dma_wait3A_205 = tpu.memref_squeeze %dma_wait3A_204 : memref<1x125xi32, #tpu.memory_space<vmem>> -> memref<125xi32, #tpu.memory_space<vmem>>
        %dma_wait3A_206 = arith.constant 0 : i32
        %dma_wait3A_207 = arith.constant 0 : i32
        %dma_wait3A_208 = tpu.memref_slice %arg9[%dma_wait3A_206, %dma_wait3A_207] : memref<5248x128xf32, #tpu.memory_space<vmem_shared>> -> memref<5248x128xf32, #tpu.memory_space<vmem_shared>>
        tpu.wait_indirect_dma semaphore(%arg12 : memref<!tpu.dma_semaphore, #tpu.memory_space<semaphore_mem>>) src(%arg8 : memref<125x128xf32, #tpu.memory_space<vmem>>) dst(%dma_wait3A_208 : memref<5248x128xf32, #tpu.memory_space<vmem_shared>>)
      } else {
      }
      %add3A_165 = arith.constant 2 : i32
      %add3A_166 = arith.addi %mul3A_123, %add3A_165 : i32
      %dma_start3A_167 = arith.constant 0 : i32
      %dma_start3A_168 = arith.constant 0 : i32
      %dma_start3A_169 = tpu.memref_slice %arg7[%scan3A_65, %dma_start3A_167, %dma_start3A_168] : memref<2x80x125xi32, #tpu.memory_space<vmem>> -> memref<1x80x125xi32, #tpu.memory_space<vmem>>
      %dma_start3A_170 = tpu.memref_squeeze %dma_start3A_169 : memref<1x80x125xi32, #tpu.memory_space<vmem>> -> memref<80x125xi32, #tpu.memory_space<vmem>>
      %dma_start3A_171 = arith.constant 0 : i32
      %dma_start3A_172 = tpu.memref_slice %dma_start3A_170[%add3A_166, %dma_start3A_171] : memref<80x125xi32, #tpu.memory_space<vmem>> -> memref<1x125xi32, #tpu.memory_space<vmem>>
      %dma_start3A_173 = tpu.memref_squeeze %dma_start3A_172 : memref<1x125xi32, #tpu.memory_space<vmem>> -> memref<125xi32, #tpu.memory_space<vmem>>
      %dma_start3A_174 = arith.constant 0 : i32
      %dma_start3A_175 = arith.constant 0 : i32
      %dma_start3A_176 = tpu.memref_slice %arg9[%dma_start3A_174, %dma_start3A_175] : memref<5248x128xf32, #tpu.memory_space<vmem_shared>> -> memref<5248x128xf32, #tpu.memory_space<vmem_shared>>
      tpu.enqueue_indirect_dma source(%arg8 : memref<125x128xf32, #tpu.memory_space<vmem>>) target(%dma_start3A_176 : memref<5248x128xf32, #tpu.memory_space<vmem_shared>>) offsets(%dma_start3A_173 : memref<125xi32, #tpu.memory_space<vmem>>) semaphore(%arg12 : memref<!tpu.dma_semaphore, #tpu.memory_space<semaphore_mem>>) {add = true}
      %add3A_177 = arith.constant 3 : i32
      %add3A_178 = arith.addi %mul3A_123, %add3A_177 : i32
      %ge3A_179 = arith.constant 4 : i32
      %ge3A_180 = arith.cmpi sge, %add3A_178, %ge3A_179 : i32
      %convert_element_type3A_181 = arith.extui %ge3A_180 : i1 to i32
      %cond3A_182 = arith.constant 0 : i32
      %cond3A_183 = arith.cmpi ne, %convert_element_type3A_181, %cond3A_182 : i32
      scf.if %cond3A_183 {
        %add3A_196 = arith.constant 3 : i32
        %add3A_197 = arith.addi %mul3A_123, %add3A_196 : i32
        %sub3A = arith.constant 4 : i32
        %sub3A_198 = arith.subi %add3A_197, %sub3A : i32
        %dma_wait3A_199 = arith.constant 0 : i32
        %dma_wait3A_200 = arith.constant 0 : i32
        %dma_wait3A_201 = tpu.memref_slice %arg7[%scan3A_65, %dma_wait3A_199, %dma_wait3A_200] : memref<2x80x125xi32, #tpu.memory_space<vmem>> -> memref<1x80x125xi32, #tpu.memory_space<vmem>>
        %dma_wait3A_202 = tpu.memref_squeeze %dma_wait3A_201 : memref<1x80x125xi32, #tpu.memory_space<vmem>> -> memref<80x125xi32, #tpu.memory_space<vmem>>
        %dma_wait3A_203 = arith.constant 0 : i32
        %dma_wait3A_204 = tpu.memref_slice %dma_wait3A_202[%sub3A_198, %dma_wait3A_203] : memref<80x125xi32, #tpu.memory_space<vmem>> -> memref<1x125xi32, #tpu.memory_space<vmem>>
        %dma_wait3A_205 = tpu.memref_squeeze %dma_wait3A_204 : memref<1x125xi32, #tpu.memory_space<vmem>> -> memref<125xi32, #tpu.memory_space<vmem>>
        %dma_wait3A_206 = arith.constant 0 : i32
        %dma_wait3A_207 = arith.constant 0 : i32
        %dma_wait3A_208 = tpu.memref_slice %arg9[%dma_wait3A_206, %dma_wait3A_207] : memref<5248x128xf32, #tpu.memory_space<vmem_shared>> -> memref<5248x128xf32, #tpu.memory_space<vmem_shared>>
        tpu.wait_indirect_dma semaphore(%arg13 : memref<!tpu.dma_semaphore, #tpu.memory_space<semaphore_mem>>) src(%arg8 : memref<125x128xf32, #tpu.memory_space<vmem>>) dst(%dma_wait3A_208 : memref<5248x128xf32, #tpu.memory_space<vmem_shared>>)
      } else {
      }
      %add3A_184 = arith.constant 3 : i32
      %add3A_185 = arith.addi %mul3A_123, %add3A_184 : i32
      %dma_start3A_186 = arith.constant 0 : i32
      %dma_start3A_187 = arith.constant 0 : i32
      %dma_start3A_188 = tpu.memref_slice %arg7[%scan3A_65, %dma_start3A_186, %dma_start3A_187] : memref<2x80x125xi32, #tpu.memory_space<vmem>> -> memref<1x80x125xi32, #tpu.memory_space<vmem>>
      %dma_start3A_189 = tpu.memref_squeeze %dma_start3A_188 : memref<1x80x125xi32, #tpu.memory_space<vmem>> -> memref<80x125xi32, #tpu.memory_space<vmem>>
      %dma_start3A_190 = arith.constant 0 : i32
      %dma_start3A_191 = tpu.memref_slice %dma_start3A_189[%add3A_185, %dma_start3A_190] : memref<80x125xi32, #tpu.memory_space<vmem>> -> memref<1x125xi32, #tpu.memory_space<vmem>>
      %dma_start3A_192 = tpu.memref_squeeze %dma_start3A_191 : memref<1x125xi32, #tpu.memory_space<vmem>> -> memref<125xi32, #tpu.memory_space<vmem>>
      %dma_start3A_193 = arith.constant 0 : i32
      %dma_start3A_194 = arith.constant 0 : i32
      %dma_start3A_195 = tpu.memref_slice %arg9[%dma_start3A_193, %dma_start3A_194] : memref<5248x128xf32, #tpu.memory_space<vmem_shared>> -> memref<5248x128xf32, #tpu.memory_space<vmem_shared>>
      tpu.enqueue_indirect_dma source(%arg8 : memref<125x128xf32, #tpu.memory_space<vmem>>) target(%dma_start3A_195 : memref<5248x128xf32, #tpu.memory_space<vmem_shared>>) offsets(%dma_start3A_192 : memref<125xi32, #tpu.memory_space<vmem>>) semaphore(%arg13 : memref<!tpu.dma_semaphore, #tpu.memory_space<semaphore_mem>>) {add = true}
    }
    %scan3A_70 = arith.constant 20 : i32
    %dma_wait3A_71 = arith.constant 1 : i32
    %dma_wait3A_72 = arith.constant 76 : i32
    %dma_wait3A_73 = arith.constant 0 : i32
    %dma_wait3A_74 = arith.constant 0 : i32
    %dma_wait3A_75 = tpu.memref_slice %arg7[%dma_wait3A_71, %dma_wait3A_73, %dma_wait3A_74] : memref<2x80x125xi32, #tpu.memory_space<vmem>> -> memref<1x80x125xi32, #tpu.memory_space<vmem>>
    %dma_wait3A_76 = tpu.memref_squeeze %dma_wait3A_75 : memref<1x80x125xi32, #tpu.memory_space<vmem>> -> memref<80x125xi32, #tpu.memory_space<vmem>>
    %dma_wait3A_77 = arith.constant 0 : i32
    %dma_wait3A_78 = tpu.memref_slice %dma_wait3A_76[%dma_wait3A_72, %dma_wait3A_77] : memref<80x125xi32, #tpu.memory_space<vmem>> -> memref<1x125xi32, #tpu.memory_space<vmem>>
    %dma_wait3A_79 = tpu.memref_squeeze %dma_wait3A_78 : memref<1x125xi32, #tpu.memory_space<vmem>> -> memref<125xi32, #tpu.memory_space<vmem>>
    %dma_wait3A_80 = arith.constant 0 : i32
    %dma_wait3A_81 = arith.constant 0 : i32
    %dma_wait3A_82 = tpu.memref_slice %arg9[%dma_wait3A_80, %dma_wait3A_81] : memref<5248x128xf32, #tpu.memory_space<vmem_shared>> -> memref<5248x128xf32, #tpu.memory_space<vmem_shared>>
    tpu.wait_indirect_dma semaphore(%arg10 : memref<!tpu.dma_semaphore, #tpu.memory_space<semaphore_mem>>) src(%arg8 : memref<125x128xf32, #tpu.memory_space<vmem>>) dst(%dma_wait3A_82 : memref<5248x128xf32, #tpu.memory_space<vmem_shared>>)
    %dma_wait3A_83 = arith.constant 1 : i32
    %dma_wait3A_84 = arith.constant 77 : i32
    %dma_wait3A_85 = arith.constant 0 : i32
    %dma_wait3A_86 = arith.constant 0 : i32
    %dma_wait3A_87 = tpu.memref_slice %arg7[%dma_wait3A_83, %dma_wait3A_85, %dma_wait3A_86] : memref<2x80x125xi32, #tpu.memory_space<vmem>> -> memref<1x80x125xi32, #tpu.memory_space<vmem>>
    %dma_wait3A_88 = tpu.memref_squeeze %dma_wait3A_87 : memref<1x80x125xi32, #tpu.memory_space<vmem>> -> memref<80x125xi32, #tpu.memory_space<vmem>>
    %dma_wait3A_89 = arith.constant 0 : i32
    %dma_wait3A_90 = tpu.memref_slice %dma_wait3A_88[%dma_wait3A_84, %dma_wait3A_89] : memref<80x125xi32, #tpu.memory_space<vmem>> -> memref<1x125xi32, #tpu.memory_space<vmem>>
    %dma_wait3A_91 = tpu.memref_squeeze %dma_wait3A_90 : memref<1x125xi32, #tpu.memory_space<vmem>> -> memref<125xi32, #tpu.memory_space<vmem>>
    %dma_wait3A_92 = arith.constant 0 : i32
    %dma_wait3A_93 = arith.constant 0 : i32
    %dma_wait3A_94 = tpu.memref_slice %arg9[%dma_wait3A_92, %dma_wait3A_93] : memref<5248x128xf32, #tpu.memory_space<vmem_shared>> -> memref<5248x128xf32, #tpu.memory_space<vmem_shared>>
    tpu.wait_indirect_dma semaphore(%arg11 : memref<!tpu.dma_semaphore, #tpu.memory_space<semaphore_mem>>) src(%arg8 : memref<125x128xf32, #tpu.memory_space<vmem>>) dst(%dma_wait3A_94 : memref<5248x128xf32, #tpu.memory_space<vmem_shared>>)
    %dma_wait3A_95 = arith.constant 1 : i32
    %dma_wait3A_96 = arith.constant 78 : i32
    %dma_wait3A_97 = arith.constant 0 : i32
    %dma_wait3A_98 = arith.constant 0 : i32
    %dma_wait3A_99 = tpu.memref_slice %arg7[%dma_wait3A_95, %dma_wait3A_97, %dma_wait3A_98] : memref<2x80x125xi32, #tpu.memory_space<vmem>> -> memref<1x80x125xi32, #tpu.memory_space<vmem>>
    %dma_wait3A_100 = tpu.memref_squeeze %dma_wait3A_99 : memref<1x80x125xi32, #tpu.memory_space<vmem>> -> memref<80x125xi32, #tpu.memory_space<vmem>>
    %dma_wait3A_101 = arith.constant 0 : i32
    %dma_wait3A_102 = tpu.memref_slice %dma_wait3A_100[%dma_wait3A_96, %dma_wait3A_101] : memref<80x125xi32, #tpu.memory_space<vmem>> -> memref<1x125xi32, #tpu.memory_space<vmem>>
    %dma_wait3A_103 = tpu.memref_squeeze %dma_wait3A_102 : memref<1x125xi32, #tpu.memory_space<vmem>> -> memref<125xi32, #tpu.memory_space<vmem>>
    %dma_wait3A_104 = arith.constant 0 : i32
    %dma_wait3A_105 = arith.constant 0 : i32
    %dma_wait3A_106 = tpu.memref_slice %arg9[%dma_wait3A_104, %dma_wait3A_105] : memref<5248x128xf32, #tpu.memory_space<vmem_shared>> -> memref<5248x128xf32, #tpu.memory_space<vmem_shared>>
    tpu.wait_indirect_dma semaphore(%arg12 : memref<!tpu.dma_semaphore, #tpu.memory_space<semaphore_mem>>) src(%arg8 : memref<125x128xf32, #tpu.memory_space<vmem>>) dst(%dma_wait3A_106 : memref<5248x128xf32, #tpu.memory_space<vmem_shared>>)
    %dma_wait3A_107 = arith.constant 1 : i32
    %dma_wait3A_108 = arith.constant 79 : i32
    %dma_wait3A_109 = arith.constant 0 : i32
    %dma_wait3A_110 = arith.constant 0 : i32
    %dma_wait3A_111 = tpu.memref_slice %arg7[%dma_wait3A_107, %dma_wait3A_109, %dma_wait3A_110] : memref<2x80x125xi32, #tpu.memory_space<vmem>> -> memref<1x80x125xi32, #tpu.memory_space<vmem>>
    %dma_wait3A_112 = tpu.memref_squeeze %dma_wait3A_111 : memref<1x80x125xi32, #tpu.memory_space<vmem>> -> memref<80x125xi32, #tpu.memory_space<vmem>>
    %dma_wait3A_113 = arith.constant 0 : i32
    %dma_wait3A_114 = tpu.memref_slice %dma_wait3A_112[%dma_wait3A_108, %dma_wait3A_113] : memref<80x125xi32, #tpu.memory_space<vmem>> -> memref<1x125xi32, #tpu.memory_space<vmem>>
    %dma_wait3A_115 = tpu.memref_squeeze %dma_wait3A_114 : memref<1x125xi32, #tpu.memory_space<vmem>> -> memref<125xi32, #tpu.memory_space<vmem>>
    %dma_wait3A_116 = arith.constant 0 : i32
    %dma_wait3A_117 = arith.constant 0 : i32
    %dma_wait3A_118 = tpu.memref_slice %arg9[%dma_wait3A_116, %dma_wait3A_117] : memref<5248x128xf32, #tpu.memory_space<vmem_shared>> -> memref<5248x128xf32, #tpu.memory_space<vmem_shared>>
    tpu.wait_indirect_dma semaphore(%arg13 : memref<!tpu.dma_semaphore, #tpu.memory_space<semaphore_mem>>) src(%arg8 : memref<125x128xf32, #tpu.memory_space<vmem>>) dst(%dma_wait3A_118 : memref<5248x128xf32, #tpu.memory_space<vmem_shared>>)
    %barrier3A_119 = arith.constant 0 : index
    tpu.barrier barrier_id(%barrier3A_119)
    %run_scoped3A_120 = arith.constant 1 : i32
    "tpu.region"() ({
      %run_scoped3A_121 = tpu.sem_alloc : memref<!tpu.dma_semaphore, #tpu.memory_space<semaphore_mem>>
      %dma_start3A = arith.constant 0 : i32
      %dma_start3A_122 = arith.constant 0 : i32
      %dma_start3A_123 = arith.constant 0 : i32
      %dma_start3A_124 = tpu.memref_slice %arg5[%arg0, %dma_start3A, %dma_start3A_122, %dma_start3A_123] : memref<2x2x5248x128xf32, #tpu.memory_space<hbm>> -> memref<1x2x5248x128xf32, #tpu.memory_space<hbm>>
      %dma_start3A_125 = tpu.memref_squeeze %dma_start3A_124 : memref<1x2x5248x128xf32, #tpu.memory_space<hbm>> -> memref<2x5248x128xf32, #tpu.memory_space<hbm>>
      %dma_start3A_126 = arith.constant 0 : i32
      %dma_start3A_127 = arith.constant 0 : i32
      %dma_start3A_128 = tpu.memref_slice %dma_start3A_125[%run_scoped3A_120, %dma_start3A_126, %dma_start3A_127] : memref<2x5248x128xf32, #tpu.memory_space<hbm>> -> memref<1x5248x128xf32, #tpu.memory_space<hbm>>
      %dma_start3A_129 = tpu.memref_squeeze %dma_start3A_128 : memref<1x5248x128xf32, #tpu.memory_space<hbm>> -> memref<5248x128xf32, #tpu.memory_space<hbm>>
      %dma_start3A_130 = arith.constant 0 : i32
      %dma_start3A_131 = tpu.memref_slice %dma_start3A_129[%mul3A_2, %dma_start3A_130] : memref<5248x128xf32, #tpu.memory_space<hbm>> -> memref<328x128xf32, #tpu.memory_space<hbm>>
      %dma_start3A_132 = arith.constant 0 : i32
      %dma_start3A_133 = tpu.memref_slice %arg9[%mul3A_2, %dma_start3A_132] : memref<5248x128xf32, #tpu.memory_space<vmem_shared>> -> memref<328x128xf32, #tpu.memory_space<vmem_shared>>
      tpu.enqueue_dma source(%dma_start3A_133 : memref<328x128xf32, #tpu.memory_space<vmem_shared>>) target(%dma_start3A_131 : memref<328x128xf32, #tpu.memory_space<hbm>>) target_semaphore(%run_scoped3A_121 : memref<!tpu.dma_semaphore, #tpu.memory_space<semaphore_mem>>)
      %dma_wait3A_134 = arith.constant 0 : i32
      %dma_wait3A_135 = arith.constant 0 : i32
      %dma_wait3A_136 = arith.constant 0 : i32
      %dma_wait3A_137 = tpu.memref_slice %arg5[%arg0, %dma_wait3A_134, %dma_wait3A_135, %dma_wait3A_136] : memref<2x2x5248x128xf32, #tpu.memory_space<hbm>> -> memref<1x2x5248x128xf32, #tpu.memory_space<hbm>>
      %dma_wait3A_138 = tpu.memref_squeeze %dma_wait3A_137 : memref<1x2x5248x128xf32, #tpu.memory_space<hbm>> -> memref<2x5248x128xf32, #tpu.memory_space<hbm>>
      %dma_wait3A_139 = arith.constant 0 : i32
      %dma_wait3A_140 = arith.constant 0 : i32
      %dma_wait3A_141 = tpu.memref_slice %dma_wait3A_138[%run_scoped3A_120, %dma_wait3A_139, %dma_wait3A_140] : memref<2x5248x128xf32, #tpu.memory_space<hbm>> -> memref<1x5248x128xf32, #tpu.memory_space<hbm>>
      %dma_wait3A_142 = tpu.memref_squeeze %dma_wait3A_141 : memref<1x5248x128xf32, #tpu.memory_space<hbm>> -> memref<5248x128xf32, #tpu.memory_space<hbm>>
      %dma_wait3A_143 = arith.constant 0 : i32
      %dma_wait3A_144 = tpu.memref_slice %dma_wait3A_142[%mul3A_2, %dma_wait3A_143] : memref<5248x128xf32, #tpu.memory_space<hbm>> -> memref<328x128xf32, #tpu.memory_space<hbm>>
      %dma_wait3A_145 = arith.constant 0 : i32
      %dma_wait3A_146 = tpu.memref_slice %arg9[%mul3A_2, %dma_wait3A_145] : memref<5248x128xf32, #tpu.memory_space<vmem_shared>> -> memref<328x128xf32, #tpu.memory_space<vmem_shared>>
      tpu.wait_dma2 semaphore(%run_scoped3A_121 : memref<!tpu.dma_semaphore, #tpu.memory_space<semaphore_mem>>) src(%dma_wait3A_146 : memref<328x128xf32, #tpu.memory_space<vmem_shared>>) dst(%dma_wait3A_144 : memref<328x128xf32, #tpu.memory_space<hbm>>)
      tpu.yield
    }) : () -> ()
    return
  }
}

#map = affine_map<(d0, d1) -> (0, 0)>
#map1 = affine_map<(d0, d1) -> (0, 0, 0)>
#map2 = affine_map<(d0, d1) -> (0, 0, 0, 0)>
module attributes {stable_mosaic.version = 14 : i64} {
  func.func @_round_body(%arg0: i32, %arg1: i32, %arg2: memref<10240x128xf32, #tpu.memory_space<hbm>>, %arg3: memref<32x80x125xi32, #tpu.memory_space<hbm>>, %arg4: memref<32x80x125xi32, #tpu.memory_space<hbm>>, %arg5: memref<10240x128xf32, #tpu.memory_space<hbm>>, %arg6: memref<2x2x5248x128xf32, #tpu.memory_space<hbm>>, %arg7: memref<80x125xi32, #tpu.memory_space<vmem>>, %arg8: memref<80x125xi32, #tpu.memory_space<vmem>>, %arg9: memref<80x125xi32, #tpu.memory_space<vmem>>, %arg10: memref<3x125x128xf32, #tpu.memory_space<vmem>>, %arg11: memref<5248x128xf32, #tpu.memory_space<vmem_shared>>, %arg12: memref<!tpu.dma_semaphore, #tpu.memory_space<semaphore_mem>>, %arg13: memref<!tpu.dma_semaphore, #tpu.memory_space<semaphore_mem>>, %arg14: memref<!tpu.dma_semaphore, #tpu.memory_space<semaphore_mem>>) attributes {dimension_semantics = [#tpu.dimension_semantics<core_parallel>, #tpu.dimension_semantics<subcore_parallel>], iteration_bounds = array<i64: 2, 16>, scalar_prefetch = 0 : i64, scratch_operands = 8 : i64, tpu.core_type = #tpu.core_type<sc_vector_subcore>, window_params = [{transform_indices = #map}, {transform_indices = #map1}, {transform_indices = #map1}, {transform_indices = #map}, {transform_indices = #map2}]} {
    %mul3A = arith.constant 2 : i32
    %mul3A_0 = arith.muli %arg1, %mul3A : i32
    %add3A = arith.addi %mul3A_0, %arg0 : i32
    %mul3A_1 = arith.constant 328 : i32
    %mul3A_2 = arith.muli %arg1, %mul3A_1 : i32
    "tpu.region"() ({
      %run_scoped3A = tpu.sem_alloc : memref<!tpu.dma_semaphore, #tpu.memory_space<semaphore_mem>>
      %dma_start3A = arith.constant 0 : i32
      %dma_start3A_8 = arith.constant 0 : i32
      %dma_start3A_9 = tpu.memref_slice %arg3[%add3A, %dma_start3A, %dma_start3A_8] : memref<32x80x125xi32, #tpu.memory_space<hbm>> -> memref<1x80x125xi32, #tpu.memory_space<hbm>>
      %dma_start3A_10 = tpu.memref_squeeze %dma_start3A_9 : memref<1x80x125xi32, #tpu.memory_space<hbm>> -> memref<80x125xi32, #tpu.memory_space<hbm>>
      %dma_start3A_11 = arith.constant 0 : i32
      %dma_start3A_12 = arith.constant 0 : i32
      %dma_start3A_13 = tpu.memref_slice %arg3[%add3A, %dma_start3A_11, %dma_start3A_12] : memref<32x80x125xi32, #tpu.memory_space<hbm>> -> memref<1x80x125xi32, #tpu.memory_space<hbm>>
      %dma_start3A_14 = tpu.memref_squeeze %dma_start3A_13 : memref<1x80x125xi32, #tpu.memory_space<hbm>> -> memref<80x125xi32, #tpu.memory_space<hbm>>
      tpu.enqueue_dma source(%dma_start3A_14 : memref<80x125xi32, #tpu.memory_space<hbm>>) target(%arg7 : memref<80x125xi32, #tpu.memory_space<vmem>>) target_semaphore(%run_scoped3A : memref<!tpu.dma_semaphore, #tpu.memory_space<semaphore_mem>>)
      %dma_wait3A = arith.constant 0 : i32
      %dma_wait3A_15 = arith.constant 0 : i32
      %dma_wait3A_16 = tpu.memref_slice %arg3[%add3A, %dma_wait3A, %dma_wait3A_15] : memref<32x80x125xi32, #tpu.memory_space<hbm>> -> memref<1x80x125xi32, #tpu.memory_space<hbm>>
      %dma_wait3A_17 = tpu.memref_squeeze %dma_wait3A_16 : memref<1x80x125xi32, #tpu.memory_space<hbm>> -> memref<80x125xi32, #tpu.memory_space<hbm>>
      %dma_wait3A_18 = arith.constant 0 : i32
      %dma_wait3A_19 = arith.constant 0 : i32
      %dma_wait3A_20 = tpu.memref_slice %arg3[%add3A, %dma_wait3A_18, %dma_wait3A_19] : memref<32x80x125xi32, #tpu.memory_space<hbm>> -> memref<1x80x125xi32, #tpu.memory_space<hbm>>
      %dma_wait3A_21 = tpu.memref_squeeze %dma_wait3A_20 : memref<1x80x125xi32, #tpu.memory_space<hbm>> -> memref<80x125xi32, #tpu.memory_space<hbm>>
      tpu.wait_dma2 semaphore(%run_scoped3A : memref<!tpu.dma_semaphore, #tpu.memory_space<semaphore_mem>>) src(%dma_wait3A_21 : memref<80x125xi32, #tpu.memory_space<hbm>>) dst(%arg7 : memref<80x125xi32, #tpu.memory_space<vmem>>)
      tpu.yield
    }) : () -> ()
    "tpu.region"() ({
      %run_scoped3A = tpu.sem_alloc : memref<!tpu.dma_semaphore, #tpu.memory_space<semaphore_mem>>
      %dma_start3A = arith.constant 0 : i32
      %dma_start3A_8 = arith.constant 0 : i32
      %dma_start3A_9 = tpu.memref_slice %arg4[%add3A, %dma_start3A, %dma_start3A_8] : memref<32x80x125xi32, #tpu.memory_space<hbm>> -> memref<1x80x125xi32, #tpu.memory_space<hbm>>
      %dma_start3A_10 = tpu.memref_squeeze %dma_start3A_9 : memref<1x80x125xi32, #tpu.memory_space<hbm>> -> memref<80x125xi32, #tpu.memory_space<hbm>>
      %dma_start3A_11 = arith.constant 0 : i32
      %dma_start3A_12 = arith.constant 0 : i32
      %dma_start3A_13 = tpu.memref_slice %arg4[%add3A, %dma_start3A_11, %dma_start3A_12] : memref<32x80x125xi32, #tpu.memory_space<hbm>> -> memref<1x80x125xi32, #tpu.memory_space<hbm>>
      %dma_start3A_14 = tpu.memref_squeeze %dma_start3A_13 : memref<1x80x125xi32, #tpu.memory_space<hbm>> -> memref<80x125xi32, #tpu.memory_space<hbm>>
      tpu.enqueue_dma source(%dma_start3A_14 : memref<80x125xi32, #tpu.memory_space<hbm>>) target(%arg8 : memref<80x125xi32, #tpu.memory_space<vmem>>) target_semaphore(%run_scoped3A : memref<!tpu.dma_semaphore, #tpu.memory_space<semaphore_mem>>)
      %dma_wait3A = arith.constant 0 : i32
      %dma_wait3A_15 = arith.constant 0 : i32
      %dma_wait3A_16 = tpu.memref_slice %arg4[%add3A, %dma_wait3A, %dma_wait3A_15] : memref<32x80x125xi32, #tpu.memory_space<hbm>> -> memref<1x80x125xi32, #tpu.memory_space<hbm>>
      %dma_wait3A_17 = tpu.memref_squeeze %dma_wait3A_16 : memref<1x80x125xi32, #tpu.memory_space<hbm>> -> memref<80x125xi32, #tpu.memory_space<hbm>>
      %dma_wait3A_18 = arith.constant 0 : i32
      %dma_wait3A_19 = arith.constant 0 : i32
      %dma_wait3A_20 = tpu.memref_slice %arg4[%add3A, %dma_wait3A_18, %dma_wait3A_19] : memref<32x80x125xi32, #tpu.memory_space<hbm>> -> memref<1x80x125xi32, #tpu.memory_space<hbm>>
      %dma_wait3A_21 = tpu.memref_squeeze %dma_wait3A_20 : memref<1x80x125xi32, #tpu.memory_space<hbm>> -> memref<80x125xi32, #tpu.memory_space<hbm>>
      tpu.wait_dma2 semaphore(%run_scoped3A : memref<!tpu.dma_semaphore, #tpu.memory_space<semaphore_mem>>) src(%dma_wait3A_21 : memref<80x125xi32, #tpu.memory_space<hbm>>) dst(%arg8 : memref<80x125xi32, #tpu.memory_space<vmem>>)
      tpu.yield
    }) : () -> ()
    %scan3A = arith.constant 0 : i32
    %scan3A_3 = arith.constant 0 : i32
    %scan3A_4 = arith.constant 2 : i32
    %scan3A_5 = arith.addi %scan3A_3, %scan3A_4 : i32
    %scan3A_6 = arith.constant 1 : i32
    scf.for %scan3A_8 = %scan3A_3 to %scan3A_5 step %scan3A_6  : i32 {
      %mul3A_9 = arith.constant 5120 : i32
      %mul3A_10 = arith.muli %scan3A_8, %mul3A_9 : i32
      %scan3A_11 = arith.constant 0 : i32
      %scan3A_12 = arith.constant 0 : i32
      %scan3A_13 = arith.constant 80 : i32
      %scan3A_14 = arith.addi %scan3A_12, %scan3A_13 : i32
      %scan3A_15 = arith.constant 1 : i32
      scf.for %scan3A_59 = %scan3A_12 to %scan3A_14 step %scan3A_15  : i32 {
        %get3A = arith.constant 0 : i32
        %get3A_60 = tpu.memref_slice %arg8[%scan3A_59, %get3A] : memref<80x125xi32, #tpu.memory_space<vmem>> -> memref<1x125xi32, #tpu.memory_space<vmem>>
        %get3A_61 = tpu.memref_squeeze %get3A_60 : memref<1x125xi32, #tpu.memory_space<vmem>> -> memref<125xi32, #tpu.memory_space<vmem>>
        %get3A_62 = arith.constant 0 : index
        %get3A_63 = tpu.vector_load %get3A_61[%get3A_62] {strides = array<i32>} : memref<125xi32, #tpu.memory_space<vmem>>, vector<16xi32>,
        %get3A_64 = vector.shape_cast %get3A_63 : vector<16xi32> to vector<16xi32>
        %sub3A = vector.broadcast %mul3A_10 : i32 to vector<16xi32>
        %sub3A_65 = arith.subi %get3A_64, %sub3A : vector<16xi32>
        %ge3A = arith.constant 0 : i32
        %ge3A_66 = vector.broadcast %ge3A : i32 to vector<16xi32>
        %ge3A_67 = arith.cmpi sge, %sub3A_65, %ge3A_66 : vector<16xi32>
        %lt3A = arith.constant 5120 : i32
        %lt3A_68 = vector.broadcast %lt3A : i32 to vector<16xi32>
        %lt3A_69 = arith.cmpi slt, %sub3A_65, %lt3A_68 : vector<16xi32>
        %and3A = arith.andi %ge3A_67, %lt3A_69 : vector<16xi1>
        %jit3A = arith.constant 5120 : i32
        %broadcast_in_dim3A = vector.broadcast %jit3A : i32 to vector<16xi32>
        %select_n3A = arith.select %and3A, %sub3A_65, %broadcast_in_dim3A : vector<16xi1>, vector<16xi32>
        %swap3A = arith.constant 0 : i32
        %swap3A_70 = tpu.memref_slice %arg9[%scan3A_59, %swap3A] : memref<80x125xi32, #tpu.memory_space<vmem>> -> memref<1x125xi32, #tpu.memory_space<vmem>>
        %swap3A_71 = tpu.memref_squeeze %swap3A_70 : memref<1x125xi32, #tpu.memory_space<vmem>> -> memref<125xi32, #tpu.memory_space<vmem>>
        %swap3A_72 = arith.constant 0 : index
        %swap3A_73 = tpu.vector_load %swap3A_71[%swap3A_72] {strides = array<i32>} : memref<125xi32, #tpu.memory_space<vmem>>, vector<16xi32>,
        %swap3A_74 = vector.shape_cast %swap3A_73 : vector<16xi32> to vector<16xi32>
        %swap3A_75 = vector.shape_cast %select_n3A : vector<16xi32> to vector<16xi32>
        tpu.vector_store %swap3A_71[%swap3A_72], %swap3A_75 {strides = array<i32>} : memref<125xi32, #tpu.memory_space<vmem>>, vector<16xi32>,
        %get3A_76 = arith.constant 0 : i32
        %get3A_77 = tpu.memref_slice %arg8[%scan3A_59, %get3A_76] : memref<80x125xi32, #tpu.memory_space<vmem>> -> memref<1x125xi32, #tpu.memory_space<vmem>>
        %get3A_78 = tpu.memref_squeeze %get3A_77 : memref<1x125xi32, #tpu.memory_space<vmem>> -> memref<125xi32, #tpu.memory_space<vmem>>
        %get3A_79 = arith.constant 16 : index
        %get3A_80 = tpu.vector_load %get3A_78[%get3A_79] {strides = array<i32>} : memref<125xi32, #tpu.memory_space<vmem>>, vector<16xi32>,
        %get3A_81 = vector.shape_cast %get3A_80 : vector<16xi32> to vector<16xi32>
        %sub3A_82 = vector.broadcast %mul3A_10 : i32 to vector<16xi32>
        %sub3A_83 = arith.subi %get3A_81, %sub3A_82 : vector<16xi32>
        %ge3A_84 = arith.constant 0 : i32
        %ge3A_85 = vector.broadcast %ge3A_84 : i32 to vector<16xi32>
        %ge3A_86 = arith.cmpi sge, %sub3A_83, %ge3A_85 : vector<16xi32>
        %lt3A_87 = arith.constant 5120 : i32
        %lt3A_88 = vector.broadcast %lt3A_87 : i32 to vector<16xi32>
        %lt3A_89 = arith.cmpi slt, %sub3A_83, %lt3A_88 : vector<16xi32>
        %and3A_90 = arith.andi %ge3A_86, %lt3A_89 : vector<16xi1>
        %jit3A_91 = arith.constant 5120 : i32
        %broadcast_in_dim3A_92 = vector.broadcast %jit3A_91 : i32 to vector<16xi32>
        %select_n3A_93 = arith.select %and3A_90, %sub3A_83, %broadcast_in_dim3A_92 : vector<16xi1>, vector<16xi32>
        %swap3A_94 = arith.constant 0 : i32
        %swap3A_95 = tpu.memref_slice %arg9[%scan3A_59, %swap3A_94] : memref<80x125xi32, #tpu.memory_space<vmem>> -> memref<1x125xi32, #tpu.memory_space<vmem>>
        %swap3A_96 = tpu.memref_squeeze %swap3A_95 : memref<1x125xi32, #tpu.memory_space<vmem>> -> memref<125xi32, #tpu.memory_space<vmem>>
        %swap3A_97 = arith.constant 16 : index
        %swap3A_98 = tpu.vector_load %swap3A_96[%swap3A_97] {strides = array<i32>} : memref<125xi32, #tpu.memory_space<vmem>>, vector<16xi32>,
        %swap3A_99 = vector.shape_cast %swap3A_98 : vector<16xi32> to vector<16xi32>
        %swap3A_100 = vector.shape_cast %select_n3A_93 : vector<16xi32> to vector<16xi32>
        tpu.vector_store %swap3A_96[%swap3A_97], %swap3A_100 {strides = array<i32>} : memref<125xi32, #tpu.memory_space<vmem>>, vector<16xi32>,
        %get3A_101 = arith.constant 0 : i32
        %get3A_102 = tpu.memref_slice %arg8[%scan3A_59, %get3A_101] : memref<80x125xi32, #tpu.memory_space<vmem>> -> memref<1x125xi32, #tpu.memory_space<vmem>>
        %get3A_103 = tpu.memref_squeeze %get3A_102 : memref<1x125xi32, #tpu.memory_space<vmem>> -> memref<125xi32, #tpu.memory_space<vmem>>
        %get3A_104 = arith.constant 32 : index
        %get3A_105 = tpu.vector_load %get3A_103[%get3A_104] {strides = array<i32>} : memref<125xi32, #tpu.memory_space<vmem>>, vector<16xi32>,
        %get3A_106 = vector.shape_cast %get3A_105 : vector<16xi32> to vector<16xi32>
        %sub3A_107 = vector.broadcast %mul3A_10 : i32 to vector<16xi32>
        %sub3A_108 = arith.subi %get3A_106, %sub3A_107 : vector<16xi32>
        %ge3A_109 = arith.constant 0 : i32
        %ge3A_110 = vector.broadcast %ge3A_109 : i32 to vector<16xi32>
        %ge3A_111 = arith.cmpi sge, %sub3A_108, %ge3A_110 : vector<16xi32>
        %lt3A_112 = arith.constant 5120 : i32
        %lt3A_113 = vector.broadcast %lt3A_112 : i32 to vector<16xi32>
        %lt3A_114 = arith.cmpi slt, %sub3A_108, %lt3A_113 : vector<16xi32>
        %and3A_115 = arith.andi %ge3A_111, %lt3A_114 : vector<16xi1>
        %jit3A_116 = arith.constant 5120 : i32
        %broadcast_in_dim3A_117 = vector.broadcast %jit3A_116 : i32 to vector<16xi32>
        %select_n3A_118 = arith.select %and3A_115, %sub3A_108, %broadcast_in_dim3A_117 : vector<16xi1>, vector<16xi32>
        %swap3A_119 = arith.constant 0 : i32
        %swap3A_120 = tpu.memref_slice %arg9[%scan3A_59, %swap3A_119] : memref<80x125xi32, #tpu.memory_space<vmem>> -> memref<1x125xi32, #tpu.memory_space<vmem>>
        %swap3A_121 = tpu.memref_squeeze %swap3A_120 : memref<1x125xi32, #tpu.memory_space<vmem>> -> memref<125xi32, #tpu.memory_space<vmem>>
        %swap3A_122 = arith.constant 32 : index
        %swap3A_123 = tpu.vector_load %swap3A_121[%swap3A_122] {strides = array<i32>} : memref<125xi32, #tpu.memory_space<vmem>>, vector<16xi32>,
        %swap3A_124 = vector.shape_cast %swap3A_123 : vector<16xi32> to vector<16xi32>
        %swap3A_125 = vector.shape_cast %select_n3A_118 : vector<16xi32> to vector<16xi32>
        tpu.vector_store %swap3A_121[%swap3A_122], %swap3A_125 {strides = array<i32>} : memref<125xi32, #tpu.memory_space<vmem>>, vector<16xi32>,
        %get3A_126 = arith.constant 0 : i32
        %get3A_127 = tpu.memref_slice %arg8[%scan3A_59, %get3A_126] : memref<80x125xi32, #tpu.memory_space<vmem>> -> memref<1x125xi32, #tpu.memory_space<vmem>>
        %get3A_128 = tpu.memref_squeeze %get3A_127 : memref<1x125xi32, #tpu.memory_space<vmem>> -> memref<125xi32, #tpu.memory_space<vmem>>
        %get3A_129 = arith.constant 48 : index
        %get3A_130 = tpu.vector_load %get3A_128[%get3A_129] {strides = array<i32>} : memref<125xi32, #tpu.memory_space<vmem>>, vector<16xi32>,
        %get3A_131 = vector.shape_cast %get3A_130 : vector<16xi32> to vector<16xi32>
        %sub3A_132 = vector.broadcast %mul3A_10 : i32 to vector<16xi32>
        %sub3A_133 = arith.subi %get3A_131, %sub3A_132 : vector<16xi32>
        %ge3A_134 = arith.constant 0 : i32
        %ge3A_135 = vector.broadcast %ge3A_134 : i32 to vector<16xi32>
        %ge3A_136 = arith.cmpi sge, %sub3A_133, %ge3A_135 : vector<16xi32>
        %lt3A_137 = arith.constant 5120 : i32
        %lt3A_138 = vector.broadcast %lt3A_137 : i32 to vector<16xi32>
        %lt3A_139 = arith.cmpi slt, %sub3A_133, %lt3A_138 : vector<16xi32>
        %and3A_140 = arith.andi %ge3A_136, %lt3A_139 : vector<16xi1>
        %jit3A_141 = arith.constant 5120 : i32
        %broadcast_in_dim3A_142 = vector.broadcast %jit3A_141 : i32 to vector<16xi32>
        %select_n3A_143 = arith.select %and3A_140, %sub3A_133, %broadcast_in_dim3A_142 : vector<16xi1>, vector<16xi32>
        %swap3A_144 = arith.constant 0 : i32
        %swap3A_145 = tpu.memref_slice %arg9[%scan3A_59, %swap3A_144] : memref<80x125xi32, #tpu.memory_space<vmem>> -> memref<1x125xi32, #tpu.memory_space<vmem>>
        %swap3A_146 = tpu.memref_squeeze %swap3A_145 : memref<1x125xi32, #tpu.memory_space<vmem>> -> memref<125xi32, #tpu.memory_space<vmem>>
        %swap3A_147 = arith.constant 48 : index
        %swap3A_148 = tpu.vector_load %swap3A_146[%swap3A_147] {strides = array<i32>} : memref<125xi32, #tpu.memory_space<vmem>>, vector<16xi32>,
        %swap3A_149 = vector.shape_cast %swap3A_148 : vector<16xi32> to vector<16xi32>
        %swap3A_150 = vector.shape_cast %select_n3A_143 : vector<16xi32> to vector<16xi32>
        tpu.vector_store %swap3A_146[%swap3A_147], %swap3A_150 {strides = array<i32>} : memref<125xi32, #tpu.memory_space<vmem>>, vector<16xi32>,
        %get3A_151 = arith.constant 0 : i32
        %get3A_152 = tpu.memref_slice %arg8[%scan3A_59, %get3A_151] : memref<80x125xi32, #tpu.memory_space<vmem>> -> memref<1x125xi32, #tpu.memory_space<vmem>>
        %get3A_153 = tpu.memref_squeeze %get3A_152 : memref<1x125xi32, #tpu.memory_space<vmem>> -> memref<125xi32, #tpu.memory_space<vmem>>
        %get3A_154 = arith.constant 64 : index
        %get3A_155 = tpu.vector_load %get3A_153[%get3A_154] {strides = array<i32>} : memref<125xi32, #tpu.memory_space<vmem>>, vector<16xi32>,
        %get3A_156 = vector.shape_cast %get3A_155 : vector<16xi32> to vector<16xi32>
        %sub3A_157 = vector.broadcast %mul3A_10 : i32 to vector<16xi32>
        %sub3A_158 = arith.subi %get3A_156, %sub3A_157 : vector<16xi32>
        %ge3A_159 = arith.constant 0 : i32
        %ge3A_160 = vector.broadcast %ge3A_159 : i32 to vector<16xi32>
        %ge3A_161 = arith.cmpi sge, %sub3A_158, %ge3A_160 : vector<16xi32>
        %lt3A_162 = arith.constant 5120 : i32
        %lt3A_163 = vector.broadcast %lt3A_162 : i32 to vector<16xi32>
        %lt3A_164 = arith.cmpi slt, %sub3A_158, %lt3A_163 : vector<16xi32>
        %and3A_165 = arith.andi %ge3A_161, %lt3A_164 : vector<16xi1>
        %jit3A_166 = arith.constant 5120 : i32
        %broadcast_in_dim3A_167 = vector.broadcast %jit3A_166 : i32 to vector<16xi32>
        %select_n3A_168 = arith.select %and3A_165, %sub3A_158, %broadcast_in_dim3A_167 : vector<16xi1>, vector<16xi32>
        %swap3A_169 = arith.constant 0 : i32
        %swap3A_170 = tpu.memref_slice %arg9[%scan3A_59, %swap3A_169] : memref<80x125xi32, #tpu.memory_space<vmem>> -> memref<1x125xi32, #tpu.memory_space<vmem>>
        %swap3A_171 = tpu.memref_squeeze %swap3A_170 : memref<1x125xi32, #tpu.memory_space<vmem>> -> memref<125xi32, #tpu.memory_space<vmem>>
        %swap3A_172 = arith.constant 64 : index
        %swap3A_173 = tpu.vector_load %swap3A_171[%swap3A_172] {strides = array<i32>} : memref<125xi32, #tpu.memory_space<vmem>>, vector<16xi32>,
        %swap3A_174 = vector.shape_cast %swap3A_173 : vector<16xi32> to vector<16xi32>
        %swap3A_175 = vector.shape_cast %select_n3A_168 : vector<16xi32> to vector<16xi32>
        tpu.vector_store %swap3A_171[%swap3A_172], %swap3A_175 {strides = array<i32>} : memref<125xi32, #tpu.memory_space<vmem>>, vector<16xi32>,
        %get3A_176 = arith.constant 0 : i32
        %get3A_177 = tpu.memref_slice %arg8[%scan3A_59, %get3A_176] : memref<80x125xi32, #tpu.memory_space<vmem>> -> memref<1x125xi32, #tpu.memory_space<vmem>>
        %get3A_178 = tpu.memref_squeeze %get3A_177 : memref<1x125xi32, #tpu.memory_space<vmem>> -> memref<125xi32, #tpu.memory_space<vmem>>
        %get3A_179 = arith.constant 80 : index
        %get3A_180 = tpu.vector_load %get3A_178[%get3A_179] {strides = array<i32>} : memref<125xi32, #tpu.memory_space<vmem>>, vector<16xi32>,
        %get3A_181 = vector.shape_cast %get3A_180 : vector<16xi32> to vector<16xi32>
        %sub3A_182 = vector.broadcast %mul3A_10 : i32 to vector<16xi32>
        %sub3A_183 = arith.subi %get3A_181, %sub3A_182 : vector<16xi32>
        %ge3A_184 = arith.constant 0 : i32
        %ge3A_185 = vector.broadcast %ge3A_184 : i32 to vector<16xi32>
        %ge3A_186 = arith.cmpi sge, %sub3A_183, %ge3A_185 : vector<16xi32>
        %lt3A_187 = arith.constant 5120 : i32
        %lt3A_188 = vector.broadcast %lt3A_187 : i32 to vector<16xi32>
        %lt3A_189 = arith.cmpi slt, %sub3A_183, %lt3A_188 : vector<16xi32>
        %and3A_190 = arith.andi %ge3A_186, %lt3A_189 : vector<16xi1>
        %jit3A_191 = arith.constant 5120 : i32
        %broadcast_in_dim3A_192 = vector.broadcast %jit3A_191 : i32 to vector<16xi32>
        %select_n3A_193 = arith.select %and3A_190, %sub3A_183, %broadcast_in_dim3A_192 : vector<16xi1>, vector<16xi32>
        %swap3A_194 = arith.constant 0 : i32
        %swap3A_195 = tpu.memref_slice %arg9[%scan3A_59, %swap3A_194] : memref<80x125xi32, #tpu.memory_space<vmem>> -> memref<1x125xi32, #tpu.memory_space<vmem>>
        %swap3A_196 = tpu.memref_squeeze %swap3A_195 : memref<1x125xi32, #tpu.memory_space<vmem>> -> memref<125xi32, #tpu.memory_space<vmem>>
        %swap3A_197 = arith.constant 80 : index
        %swap3A_198 = tpu.vector_load %swap3A_196[%swap3A_197] {strides = array<i32>} : memref<125xi32, #tpu.memory_space<vmem>>, vector<16xi32>,
        %swap3A_199 = vector.shape_cast %swap3A_198 : vector<16xi32> to vector<16xi32>
        %swap3A_200 = vector.shape_cast %select_n3A_193 : vector<16xi32> to vector<16xi32>
        tpu.vector_store %swap3A_196[%swap3A_197], %swap3A_200 {strides = array<i32>} : memref<125xi32, #tpu.memory_space<vmem>>, vector<16xi32>,
        %get3A_201 = arith.constant 0 : i32
        %get3A_202 = tpu.memref_slice %arg8[%scan3A_59, %get3A_201] : memref<80x125xi32, #tpu.memory_space<vmem>> -> memref<1x125xi32, #tpu.memory_space<vmem>>
        %get3A_203 = tpu.memref_squeeze %get3A_202 : memref<1x125xi32, #tpu.memory_space<vmem>> -> memref<125xi32, #tpu.memory_space<vmem>>
        %get3A_204 = arith.constant 96 : index
        %get3A_205 = tpu.vector_load %get3A_203[%get3A_204] {strides = array<i32>} : memref<125xi32, #tpu.memory_space<vmem>>, vector<16xi32>,
        %get3A_206 = vector.shape_cast %get3A_205 : vector<16xi32> to vector<16xi32>
        %sub3A_207 = vector.broadcast %mul3A_10 : i32 to vector<16xi32>
        %sub3A_208 = arith.subi %get3A_206, %sub3A_207 : vector<16xi32>
        %ge3A_209 = arith.constant 0 : i32
        %ge3A_210 = vector.broadcast %ge3A_209 : i32 to vector<16xi32>
        %ge3A_211 = arith.cmpi sge, %sub3A_208, %ge3A_210 : vector<16xi32>
        %lt3A_212 = arith.constant 5120 : i32
        %lt3A_213 = vector.broadcast %lt3A_212 : i32 to vector<16xi32>
        %lt3A_214 = arith.cmpi slt, %sub3A_208, %lt3A_213 : vector<16xi32>
        %and3A_215 = arith.andi %ge3A_211, %lt3A_214 : vector<16xi1>
        %jit3A_216 = arith.constant 5120 : i32
        %broadcast_in_dim3A_217 = vector.broadcast %jit3A_216 : i32 to vector<16xi32>
        %select_n3A_218 = arith.select %and3A_215, %sub3A_208, %broadcast_in_dim3A_217 : vector<16xi1>, vector<16xi32>
        %swap3A_219 = arith.constant 0 : i32
        %swap3A_220 = tpu.memref_slice %arg9[%scan3A_59, %swap3A_219] : memref<80x125xi32, #tpu.memory_space<vmem>> -> memref<1x125xi32, #tpu.memory_space<vmem>>
        %swap3A_221 = tpu.memref_squeeze %swap3A_220 : memref<1x125xi32, #tpu.memory_space<vmem>> -> memref<125xi32, #tpu.memory_space<vmem>>
        %swap3A_222 = arith.constant 96 : index
        %swap3A_223 = tpu.vector_load %swap3A_221[%swap3A_222] {strides = array<i32>} : memref<125xi32, #tpu.memory_space<vmem>>, vector<16xi32>,
        %swap3A_224 = vector.shape_cast %swap3A_223 : vector<16xi32> to vector<16xi32>
        %swap3A_225 = vector.shape_cast %select_n3A_218 : vector<16xi32> to vector<16xi32>
        tpu.vector_store %swap3A_221[%swap3A_222], %swap3A_225 {strides = array<i32>} : memref<125xi32, #tpu.memory_space<vmem>>, vector<16xi32>,
        %get3A_226 = arith.constant 0 : i32
        %get3A_227 = tpu.memref_slice %arg8[%scan3A_59, %get3A_226] : memref<80x125xi32, #tpu.memory_space<vmem>> -> memref<1x125xi32, #tpu.memory_space<vmem>>
        %get3A_228 = tpu.memref_squeeze %get3A_227 : memref<1x125xi32, #tpu.memory_space<vmem>> -> memref<125xi32, #tpu.memory_space<vmem>>
        %get3A_229 = arith.constant 109 : index
        %get3A_230 = tpu.vector_load %get3A_228[%get3A_229] {strides = array<i32>} : memref<125xi32, #tpu.memory_space<vmem>>, vector<16xi32>,
        %get3A_231 = vector.shape_cast %get3A_230 : vector<16xi32> to vector<16xi32>
        %sub3A_232 = vector.broadcast %mul3A_10 : i32 to vector<16xi32>
        %sub3A_233 = arith.subi %get3A_231, %sub3A_232 : vector<16xi32>
        %ge3A_234 = arith.constant 0 : i32
        %ge3A_235 = vector.broadcast %ge3A_234 : i32 to vector<16xi32>
        %ge3A_236 = arith.cmpi sge, %sub3A_233, %ge3A_235 : vector<16xi32>
        %lt3A_237 = arith.constant 5120 : i32
        %lt3A_238 = vector.broadcast %lt3A_237 : i32 to vector<16xi32>
        %lt3A_239 = arith.cmpi slt, %sub3A_233, %lt3A_238 : vector<16xi32>
        %and3A_240 = arith.andi %ge3A_236, %lt3A_239 : vector<16xi1>
        %jit3A_241 = arith.constant 5120 : i32
        %broadcast_in_dim3A_242 = vector.broadcast %jit3A_241 : i32 to vector<16xi32>
        %select_n3A_243 = arith.select %and3A_240, %sub3A_233, %broadcast_in_dim3A_242 : vector<16xi1>, vector<16xi32>
        %swap3A_244 = arith.constant 0 : i32
        %swap3A_245 = tpu.memref_slice %arg9[%scan3A_59, %swap3A_244] : memref<80x125xi32, #tpu.memory_space<vmem>> -> memref<1x125xi32, #tpu.memory_space<vmem>>
        %swap3A_246 = tpu.memref_squeeze %swap3A_245 : memref<1x125xi32, #tpu.memory_space<vmem>> -> memref<125xi32, #tpu.memory_space<vmem>>
        %swap3A_247 = arith.constant 109 : index
        %swap3A_248 = tpu.vector_load %swap3A_246[%swap3A_247] {strides = array<i32>} : memref<125xi32, #tpu.memory_space<vmem>>, vector<16xi32>,
        %swap3A_249 = vector.shape_cast %swap3A_248 : vector<16xi32> to vector<16xi32>
        %swap3A_250 = vector.shape_cast %select_n3A_243 : vector<16xi32> to vector<16xi32>
        tpu.vector_store %swap3A_246[%swap3A_247], %swap3A_250 {strides = array<i32>} : memref<125xi32, #tpu.memory_space<vmem>>, vector<16xi32>,
      }
      %scan3A_16 = arith.constant 80 : i32
      "tpu.region"() ({
        %run_scoped3A = tpu.sem_alloc : memref<!tpu.dma_semaphore, #tpu.memory_space<semaphore_mem>>
        %dma_start3A_59 = arith.constant 0 : i32
        %dma_start3A_60 = tpu.memref_slice %arg11[%mul3A_2, %dma_start3A_59] : memref<5248x128xf32, #tpu.memory_space<vmem_shared>> -> memref<328x128xf32, #tpu.memory_space<vmem_shared>>
        %dma_start3A_61 = arith.constant 0 : i32
        %dma_start3A_62 = tpu.memref_slice %arg5[%mul3A_2, %dma_start3A_61] : memref<10240x128xf32, #tpu.memory_space<hbm>> -> memref<328x128xf32, #tpu.memory_space<hbm>>
        tpu.enqueue_dma source(%dma_start3A_62 : memref<328x128xf32, #tpu.memory_space<hbm>>) target(%dma_start3A_60 : memref<328x128xf32, #tpu.memory_space<vmem_shared>>) target_semaphore(%run_scoped3A : memref<!tpu.dma_semaphore, #tpu.memory_space<semaphore_mem>>)
        %dma_wait3A = arith.constant 0 : i32
        %dma_wait3A_63 = tpu.memref_slice %arg11[%mul3A_2, %dma_wait3A] : memref<5248x128xf32, #tpu.memory_space<vmem_shared>> -> memref<328x128xf32, #tpu.memory_space<vmem_shared>>
        %dma_wait3A_64 = arith.constant 0 : i32
        %dma_wait3A_65 = tpu.memref_slice %arg5[%mul3A_2, %dma_wait3A_64] : memref<10240x128xf32, #tpu.memory_space<hbm>> -> memref<328x128xf32, #tpu.memory_space<hbm>>
        tpu.wait_dma2 semaphore(%run_scoped3A : memref<!tpu.dma_semaphore, #tpu.memory_space<semaphore_mem>>) src(%dma_wait3A_65 : memref<328x128xf32, #tpu.memory_space<hbm>>) dst(%dma_wait3A_63 : memref<328x128xf32, #tpu.memory_space<vmem_shared>>)
        tpu.yield
      }) : () -> ()
      %barrier3A = arith.constant 0 : index
      tpu.barrier barrier_id(%barrier3A)
      %dma_start3A = arith.constant 0 : i32
      %dma_start3A_17 = arith.constant 0 : i32
      %dma_start3A_18 = arith.constant 0 : i32
      %dma_start3A_19 = arith.constant 0 : i32
      %dma_start3A_20 = tpu.memref_slice %arg10[%dma_start3A_17, %dma_start3A_18, %dma_start3A_19] : memref<3x125x128xf32, #tpu.memory_space<vmem>> -> memref<1x125x128xf32, #tpu.memory_space<vmem>>
      %dma_start3A_21 = tpu.memref_squeeze %dma_start3A_20 : memref<1x125x128xf32, #tpu.memory_space<vmem>> -> memref<125x128xf32, #tpu.memory_space<vmem>>
      %dma_start3A_22 = arith.constant 0 : i32
      %dma_start3A_23 = tpu.memref_slice %arg7[%dma_start3A, %dma_start3A_22] : memref<80x125xi32, #tpu.memory_space<vmem>> -> memref<1x125xi32, #tpu.memory_space<vmem>>
      %dma_start3A_24 = tpu.memref_squeeze %dma_start3A_23 : memref<1x125xi32, #tpu.memory_space<vmem>> -> memref<125xi32, #tpu.memory_space<vmem>>
      %dma_start3A_25 = arith.constant 0 : i32
      %dma_start3A_26 = arith.constant 0 : i32
      %dma_start3A_27 = tpu.memref_slice %arg2[%dma_start3A_25, %dma_start3A_26] : memref<10240x128xf32, #tpu.memory_space<hbm>> -> memref<10240x128xf32, #tpu.memory_space<hbm>>
      tpu.enqueue_indirect_dma source(%dma_start3A_27 : memref<10240x128xf32, #tpu.memory_space<hbm>>) target(%dma_start3A_21 : memref<125x128xf32, #tpu.memory_space<vmem>>) offsets(%dma_start3A_24 : memref<125xi32, #tpu.memory_space<vmem>>) semaphore(%arg12 : memref<!tpu.dma_semaphore, #tpu.memory_space<semaphore_mem>>)
      %dma_start3A_28 = arith.constant 1 : i32
      %dma_start3A_29 = arith.constant 1 : i32
      %dma_start3A_30 = arith.constant 0 : i32
      %dma_start3A_31 = arith.constant 0 : i32
      %dma_start3A_32 = tpu.memref_slice %arg10[%dma_start3A_29, %dma_start3A_30, %dma_start3A_31] : memref<3x125x128xf32, #tpu.memory_space<vmem>> -> memref<1x125x128xf32, #tpu.memory_space<vmem>>
      %dma_start3A_33 = tpu.memref_squeeze %dma_start3A_32 : memref<1x125x128xf32, #tpu.memory_space<vmem>> -> memref<125x128xf32, #tpu.memory_space<vmem>>
      %dma_start3A_34 = arith.constant 0 : i32
      %dma_start3A_35 = tpu.memref_slice %arg7[%dma_start3A_28, %dma_start3A_34] : memref<80x125xi32, #tpu.memory_space<vmem>> -> memref<1x125xi32, #tpu.memory_space<vmem>>
      %dma_start3A_36 = tpu.memref_squeeze %dma_start3A_35 : memref<1x125xi32, #tpu.memory_space<vmem>> -> memref<125xi32, #tpu.memory_space<vmem>>
      %dma_start3A_37 = arith.constant 0 : i32
      %dma_start3A_38 = arith.constant 0 : i32
      %dma_start3A_39 = tpu.memref_slice %arg2[%dma_start3A_37, %dma_start3A_38] : memref<10240x128xf32, #tpu.memory_space<hbm>> -> memref<10240x128xf32, #tpu.memory_space<hbm>>
      tpu.enqueue_indirect_dma source(%dma_start3A_39 : memref<10240x128xf32, #tpu.memory_space<hbm>>) target(%dma_start3A_33 : memref<125x128xf32, #tpu.memory_space<vmem>>) offsets(%dma_start3A_36 : memref<125xi32, #tpu.memory_space<vmem>>) semaphore(%arg13 : memref<!tpu.dma_semaphore, #tpu.memory_space<semaphore_mem>>)
      %dma_start3A_40 = arith.constant 2 : i32
      %dma_start3A_41 = arith.constant 2 : i32
      %dma_start3A_42 = arith.constant 0 : i32
      %dma_start3A_43 = arith.constant 0 : i32
      %dma_start3A_44 = tpu.memref_slice %arg10[%dma_start3A_41, %dma_start3A_42, %dma_start3A_43] : memref<3x125x128xf32, #tpu.memory_space<vmem>> -> memref<1x125x128xf32, #tpu.memory_space<vmem>>
      %dma_start3A_45 = tpu.memref_squeeze %dma_start3A_44 : memref<1x125x128xf32, #tpu.memory_space<vmem>> -> memref<125x128xf32, #tpu.memory_space<vmem>>
      %dma_start3A_46 = arith.constant 0 : i32
      %dma_start3A_47 = tpu.memref_slice %arg7[%dma_start3A_40, %dma_start3A_46] : memref<80x125xi32, #tpu.memory_space<vmem>> -> memref<1x125xi32, #tpu.memory_space<vmem>>
      %dma_start3A_48 = tpu.memref_squeeze %dma_start3A_47 : memref<1x125xi32, #tpu.memory_space<vmem>> -> memref<125xi32, #tpu.memory_space<vmem>>
      %dma_start3A_49 = arith.constant 0 : i32
      %dma_start3A_50 = arith.constant 0 : i32
      %dma_start3A_51 = tpu.memref_slice %arg2[%dma_start3A_49, %dma_start3A_50] : memref<10240x128xf32, #tpu.memory_space<hbm>> -> memref<10240x128xf32, #tpu.memory_space<hbm>>
      tpu.enqueue_indirect_dma source(%dma_start3A_51 : memref<10240x128xf32, #tpu.memory_space<hbm>>) target(%dma_start3A_45 : memref<125x128xf32, #tpu.memory_space<vmem>>) offsets(%dma_start3A_48 : memref<125xi32, #tpu.memory_space<vmem>>) semaphore(%arg14 : memref<!tpu.dma_semaphore, #tpu.memory_space<semaphore_mem>>)
      %scan3A_52 = arith.constant 0 : i32
      %scan3A_53 = arith.constant 0 : i32
      %scan3A_54 = arith.constant 27 : i32
      %scan3A_55 = arith.addi %scan3A_53, %scan3A_54 : i32
      %scan3A_56 = arith.constant 1 : i32
      scf.for %scan3A_59 = %scan3A_53 to %scan3A_55 step %scan3A_56  : i32 {
        %mul3A_60 = arith.constant 3 : i32
        %mul3A_61 = arith.muli %scan3A_59, %mul3A_60 : i32
        %add3A_62 = arith.constant 0 : i32
        %add3A_63 = arith.addi %mul3A_61, %add3A_62 : i32
        %lt3A = arith.constant 80 : i32
        %lt3A_64 = arith.cmpi slt, %add3A_63, %lt3A : i32
        %convert_element_type3A = arith.extui %lt3A_64 : i1 to i32
        %cond3A = arith.constant 0 : i32
        %cond3A_65 = arith.cmpi ne, %convert_element_type3A, %cond3A : i32
        scf.if %cond3A_65 {
          %add3A_80 = arith.constant 0 : i32
          %add3A_81 = arith.addi %mul3A_61, %add3A_80 : i32
          %dma_wait3A = arith.constant 0 : i32
          %dma_wait3A_82 = arith.constant 0 : i32
          %dma_wait3A_83 = arith.constant 0 : i32
          %dma_wait3A_84 = tpu.memref_slice %arg10[%dma_wait3A, %dma_wait3A_82, %dma_wait3A_83] : memref<3x125x128xf32, #tpu.memory_space<vmem>> -> memref<1x125x128xf32, #tpu.memory_space<vmem>>
          %dma_wait3A_85 = tpu.memref_squeeze %dma_wait3A_84 : memref<1x125x128xf32, #tpu.memory_space<vmem>> -> memref<125x128xf32, #tpu.memory_space<vmem>>
          %dma_wait3A_86 = arith.constant 0 : i32
          %dma_wait3A_87 = tpu.memref_slice %arg7[%add3A_81, %dma_wait3A_86] : memref<80x125xi32, #tpu.memory_space<vmem>> -> memref<1x125xi32, #tpu.memory_space<vmem>>
          %dma_wait3A_88 = tpu.memref_squeeze %dma_wait3A_87 : memref<1x125xi32, #tpu.memory_space<vmem>> -> memref<125xi32, #tpu.memory_space<vmem>>
          %dma_wait3A_89 = arith.constant 0 : i32
          %dma_wait3A_90 = arith.constant 0 : i32
          %dma_wait3A_91 = tpu.memref_slice %arg2[%dma_wait3A_89, %dma_wait3A_90] : memref<10240x128xf32, #tpu.memory_space<hbm>> -> memref<10240x128xf32, #tpu.memory_space<hbm>>
          tpu.wait_indirect_dma semaphore(%arg12 : memref<!tpu.dma_semaphore, #tpu.memory_space<semaphore_mem>>) src(%dma_wait3A_91 : memref<10240x128xf32, #tpu.memory_space<hbm>>) dst(%dma_wait3A_85 : memref<125x128xf32, #tpu.memory_space<vmem>>)
          %add3A_92 = arith.constant 0 : i32
          %add3A_93 = arith.addi %mul3A_61, %add3A_92 : i32
          %run_scoped3A = arith.constant 0 : i32
          "tpu.region"() ({
            %run_scoped3A_103 = tpu.sem_alloc : memref<!tpu.dma_semaphore, #tpu.memory_space<semaphore_mem>>
            %dma_start3A_104 = arith.constant 0 : i32
            %dma_start3A_105 = arith.constant 0 : i32
            %dma_start3A_106 = tpu.memref_slice %arg10[%run_scoped3A, %dma_start3A_104, %dma_start3A_105] : memref<3x125x128xf32, #tpu.memory_space<vmem>> -> memref<1x125x128xf32, #tpu.memory_space<vmem>>
            %dma_start3A_107 = tpu.memref_squeeze %dma_start3A_106 : memref<1x125x128xf32, #tpu.memory_space<vmem>> -> memref<125x128xf32, #tpu.memory_space<vmem>>
            %dma_start3A_108 = arith.constant 0 : i32
            %dma_start3A_109 = tpu.memref_slice %arg9[%add3A_93, %dma_start3A_108] : memref<80x125xi32, #tpu.memory_space<vmem>> -> memref<1x125xi32, #tpu.memory_space<vmem>>
            %dma_start3A_110 = tpu.memref_squeeze %dma_start3A_109 : memref<1x125xi32, #tpu.memory_space<vmem>> -> memref<125xi32, #tpu.memory_space<vmem>>
            %dma_start3A_111 = arith.constant 0 : i32
            %dma_start3A_112 = arith.constant 0 : i32
            %dma_start3A_113 = tpu.memref_slice %arg11[%dma_start3A_111, %dma_start3A_112] : memref<5248x128xf32, #tpu.memory_space<vmem_shared>> -> memref<5248x128xf32, #tpu.memory_space<vmem_shared>>
            tpu.enqueue_indirect_dma source(%dma_start3A_107 : memref<125x128xf32, #tpu.memory_space<vmem>>) target(%dma_start3A_113 : memref<5248x128xf32, #tpu.memory_space<vmem_shared>>) offsets(%dma_start3A_110 : memref<125xi32, #tpu.memory_space<vmem>>) semaphore(%run_scoped3A_103 : memref<!tpu.dma_semaphore, #tpu.memory_space<semaphore_mem>>) {add = true}
            %dma_wait3A_114 = arith.constant 0 : i32
            %dma_wait3A_115 = arith.constant 0 : i32
            %dma_wait3A_116 = tpu.memref_slice %arg10[%run_scoped3A, %dma_wait3A_114, %dma_wait3A_115] : memref<3x125x128xf32, #tpu.memory_space<vmem>> -> memref<1x125x128xf32, #tpu.memory_space<vmem>>
            %dma_wait3A_117 = tpu.memref_squeeze %dma_wait3A_116 : memref<1x125x128xf32, #tpu.memory_space<vmem>> -> memref<125x128xf32, #tpu.memory_space<vmem>>
            %dma_wait3A_118 = arith.constant 0 : i32
            %dma_wait3A_119 = tpu.memref_slice %arg9[%add3A_93, %dma_wait3A_118] : memref<80x125xi32, #tpu.memory_space<vmem>> -> memref<1x125xi32, #tpu.memory_space<vmem>>
            %dma_wait3A_120 = tpu.memref_squeeze %dma_wait3A_119 : memref<1x125xi32, #tpu.memory_space<vmem>> -> memref<125xi32, #tpu.memory_space<vmem>>
            %dma_wait3A_121 = arith.constant 0 : i32
            %dma_wait3A_122 = arith.constant 0 : i32
            %dma_wait3A_123 = tpu.memref_slice %arg11[%dma_wait3A_121, %dma_wait3A_122] : memref<5248x128xf32, #tpu.memory_space<vmem_shared>> -> memref<5248x128xf32, #tpu.memory_space<vmem_shared>>
            tpu.wait_indirect_dma semaphore(%run_scoped3A_103 : memref<!tpu.dma_semaphore, #tpu.memory_space<semaphore_mem>>) src(%dma_wait3A_117 : memref<125x128xf32, #tpu.memory_space<vmem>>) dst(%dma_wait3A_123 : memref<5248x128xf32, #tpu.memory_space<vmem_shared>>)
            tpu.yield
          }) : () -> ()
          %add3A_94 = arith.constant 0 : i32
          %add3A_95 = arith.addi %mul3A_61, %add3A_94 : i32
          %add3A_96 = arith.constant 3 : i32
          %add3A_97 = arith.addi %add3A_95, %add3A_96 : i32
          %lt3A_98 = arith.constant 80 : i32
          %lt3A_99 = arith.cmpi slt, %add3A_97, %lt3A_98 : i32
          %convert_element_type3A_100 = arith.extui %lt3A_99 : i1 to i32
          %cond3A_101 = arith.constant 0 : i32
          %cond3A_102 = arith.cmpi ne, %convert_element_type3A_100, %cond3A_101 : i32
          scf.if %cond3A_102 {
            %add3A_103 = arith.constant 0 : i32
            %add3A_104 = arith.addi %mul3A_61, %add3A_103 : i32
            %add3A_105 = arith.constant 3 : i32
            %add3A_106 = arith.addi %add3A_104, %add3A_105 : i32
            %dma_start3A_107 = arith.constant 0 : i32
            %dma_start3A_108 = arith.constant 0 : i32
            %dma_start3A_109 = arith.constant 0 : i32
            %dma_start3A_110 = tpu.memref_slice %arg10[%dma_start3A_107, %dma_start3A_108, %dma_start3A_109] : memref<3x125x128xf32, #tpu.memory_space<vmem>> -> memref<1x125x128xf32, #tpu.memory_space<vmem>>
            %dma_start3A_111 = tpu.memref_squeeze %dma_start3A_110 : memref<1x125x128xf32, #tpu.memory_space<vmem>> -> memref<125x128xf32, #tpu.memory_space<vmem>>
            %dma_start3A_112 = arith.constant 0 : i32
            %dma_start3A_113 = tpu.memref_slice %arg7[%add3A_106, %dma_start3A_112] : memref<80x125xi32, #tpu.memory_space<vmem>> -> memref<1x125xi32, #tpu.memory_space<vmem>>
            %dma_start3A_114 = tpu.memref_squeeze %dma_start3A_113 : memref<1x125xi32, #tpu.memory_space<vmem>> -> memref<125xi32, #tpu.memory_space<vmem>>
            %dma_start3A_115 = arith.constant 0 : i32
            %dma_start3A_116 = arith.constant 0 : i32
            %dma_start3A_117 = tpu.memref_slice %arg2[%dma_start3A_115, %dma_start3A_116] : memref<10240x128xf32, #tpu.memory_space<hbm>> -> memref<10240x128xf32, #tpu.memory_space<hbm>>
            tpu.enqueue_indirect_dma source(%dma_start3A_117 : memref<10240x128xf32, #tpu.memory_space<hbm>>) target(%dma_start3A_111 : memref<125x128xf32, #tpu.memory_space<vmem>>) offsets(%dma_start3A_114 : memref<125xi32, #tpu.memory_space<vmem>>) semaphore(%arg12 : memref<!tpu.dma_semaphore, #tpu.memory_space<semaphore_mem>>)
          } else {
          }
        } else {
        }
        %add3A_66 = arith.constant 1 : i32
        %add3A_67 = arith.addi %mul3A_61, %add3A_66 : i32
        %lt3A_68 = arith.constant 80 : i32
        %lt3A_69 = arith.cmpi slt, %add3A_67, %lt3A_68 : i32
        %convert_element_type3A_70 = arith.extui %lt3A_69 : i1 to i32
        %cond3A_71 = arith.constant 0 : i32
        %cond3A_72 = arith.cmpi ne, %convert_element_type3A_70, %cond3A_71 : i32
        scf.if %cond3A_72 {
          %add3A_80 = arith.constant 1 : i32
          %add3A_81 = arith.addi %mul3A_61, %add3A_80 : i32
          %dma_wait3A = arith.constant 1 : i32
          %dma_wait3A_82 = arith.constant 0 : i32
          %dma_wait3A_83 = arith.constant 0 : i32
          %dma_wait3A_84 = tpu.memref_slice %arg10[%dma_wait3A, %dma_wait3A_82, %dma_wait3A_83] : memref<3x125x128xf32, #tpu.memory_space<vmem>> -> memref<1x125x128xf32, #tpu.memory_space<vmem>>
          %dma_wait3A_85 = tpu.memref_squeeze %dma_wait3A_84 : memref<1x125x128xf32, #tpu.memory_space<vmem>> -> memref<125x128xf32, #tpu.memory_space<vmem>>
          %dma_wait3A_86 = arith.constant 0 : i32
          %dma_wait3A_87 = tpu.memref_slice %arg7[%add3A_81, %dma_wait3A_86] : memref<80x125xi32, #tpu.memory_space<vmem>> -> memref<1x125xi32, #tpu.memory_space<vmem>>
          %dma_wait3A_88 = tpu.memref_squeeze %dma_wait3A_87 : memref<1x125xi32, #tpu.memory_space<vmem>> -> memref<125xi32, #tpu.memory_space<vmem>>
          %dma_wait3A_89 = arith.constant 0 : i32
          %dma_wait3A_90 = arith.constant 0 : i32
          %dma_wait3A_91 = tpu.memref_slice %arg2[%dma_wait3A_89, %dma_wait3A_90] : memref<10240x128xf32, #tpu.memory_space<hbm>> -> memref<10240x128xf32, #tpu.memory_space<hbm>>
          tpu.wait_indirect_dma semaphore(%arg13 : memref<!tpu.dma_semaphore, #tpu.memory_space<semaphore_mem>>) src(%dma_wait3A_91 : memref<10240x128xf32, #tpu.memory_space<hbm>>) dst(%dma_wait3A_85 : memref<125x128xf32, #tpu.memory_space<vmem>>)
          %add3A_92 = arith.constant 1 : i32
          %add3A_93 = arith.addi %mul3A_61, %add3A_92 : i32
          %run_scoped3A = arith.constant 1 : i32
          "tpu.region"() ({
            %run_scoped3A_103 = tpu.sem_alloc : memref<!tpu.dma_semaphore, #tpu.memory_space<semaphore_mem>>
            %dma_start3A_104 = arith.constant 0 : i32
            %dma_start3A_105 = arith.constant 0 : i32
            %dma_start3A_106 = tpu.memref_slice %arg10[%run_scoped3A, %dma_start3A_104, %dma_start3A_105] : memref<3x125x128xf32, #tpu.memory_space<vmem>> -> memref<1x125x128xf32, #tpu.memory_space<vmem>>
            %dma_start3A_107 = tpu.memref_squeeze %dma_start3A_106 : memref<1x125x128xf32, #tpu.memory_space<vmem>> -> memref<125x128xf32, #tpu.memory_space<vmem>>
            %dma_start3A_108 = arith.constant 0 : i32
            %dma_start3A_109 = tpu.memref_slice %arg9[%add3A_93, %dma_start3A_108] : memref<80x125xi32, #tpu.memory_space<vmem>> -> memref<1x125xi32, #tpu.memory_space<vmem>>
            %dma_start3A_110 = tpu.memref_squeeze %dma_start3A_109 : memref<1x125xi32, #tpu.memory_space<vmem>> -> memref<125xi32, #tpu.memory_space<vmem>>
            %dma_start3A_111 = arith.constant 0 : i32
            %dma_start3A_112 = arith.constant 0 : i32
            %dma_start3A_113 = tpu.memref_slice %arg11[%dma_start3A_111, %dma_start3A_112] : memref<5248x128xf32, #tpu.memory_space<vmem_shared>> -> memref<5248x128xf32, #tpu.memory_space<vmem_shared>>
            tpu.enqueue_indirect_dma source(%dma_start3A_107 : memref<125x128xf32, #tpu.memory_space<vmem>>) target(%dma_start3A_113 : memref<5248x128xf32, #tpu.memory_space<vmem_shared>>) offsets(%dma_start3A_110 : memref<125xi32, #tpu.memory_space<vmem>>) semaphore(%run_scoped3A_103 : memref<!tpu.dma_semaphore, #tpu.memory_space<semaphore_mem>>) {add = true}
            %dma_wait3A_114 = arith.constant 0 : i32
            %dma_wait3A_115 = arith.constant 0 : i32
            %dma_wait3A_116 = tpu.memref_slice %arg10[%run_scoped3A, %dma_wait3A_114, %dma_wait3A_115] : memref<3x125x128xf32, #tpu.memory_space<vmem>> -> memref<1x125x128xf32, #tpu.memory_space<vmem>>
            %dma_wait3A_117 = tpu.memref_squeeze %dma_wait3A_116 : memref<1x125x128xf32, #tpu.memory_space<vmem>> -> memref<125x128xf32, #tpu.memory_space<vmem>>
            %dma_wait3A_118 = arith.constant 0 : i32
            %dma_wait3A_119 = tpu.memref_slice %arg9[%add3A_93, %dma_wait3A_118] : memref<80x125xi32, #tpu.memory_space<vmem>> -> memref<1x125xi32, #tpu.memory_space<vmem>>
            %dma_wait3A_120 = tpu.memref_squeeze %dma_wait3A_119 : memref<1x125xi32, #tpu.memory_space<vmem>> -> memref<125xi32, #tpu.memory_space<vmem>>
            %dma_wait3A_121 = arith.constant 0 : i32
            %dma_wait3A_122 = arith.constant 0 : i32
            %dma_wait3A_123 = tpu.memref_slice %arg11[%dma_wait3A_121, %dma_wait3A_122] : memref<5248x128xf32, #tpu.memory_space<vmem_shared>> -> memref<5248x128xf32, #tpu.memory_space<vmem_shared>>
            tpu.wait_indirect_dma semaphore(%run_scoped3A_103 : memref<!tpu.dma_semaphore, #tpu.memory_space<semaphore_mem>>) src(%dma_wait3A_117 : memref<125x128xf32, #tpu.memory_space<vmem>>) dst(%dma_wait3A_123 : memref<5248x128xf32, #tpu.memory_space<vmem_shared>>)
            tpu.yield
          }) : () -> ()
          %add3A_94 = arith.constant 1 : i32
          %add3A_95 = arith.addi %mul3A_61, %add3A_94 : i32
          %add3A_96 = arith.constant 3 : i32
          %add3A_97 = arith.addi %add3A_95, %add3A_96 : i32
          %lt3A_98 = arith.constant 80 : i32
          %lt3A_99 = arith.cmpi slt, %add3A_97, %lt3A_98 : i32
          %convert_element_type3A_100 = arith.extui %lt3A_99 : i1 to i32
          %cond3A_101 = arith.constant 0 : i32
          %cond3A_102 = arith.cmpi ne, %convert_element_type3A_100, %cond3A_101 : i32
          scf.if %cond3A_102 {
            %add3A_103 = arith.constant 1 : i32
            %add3A_104 = arith.addi %mul3A_61, %add3A_103 : i32
            %add3A_105 = arith.constant 3 : i32
            %add3A_106 = arith.addi %add3A_104, %add3A_105 : i32
            %dma_start3A_107 = arith.constant 1 : i32
            %dma_start3A_108 = arith.constant 0 : i32
            %dma_start3A_109 = arith.constant 0 : i32
            %dma_start3A_110 = tpu.memref_slice %arg10[%dma_start3A_107, %dma_start3A_108, %dma_start3A_109] : memref<3x125x128xf32, #tpu.memory_space<vmem>> -> memref<1x125x128xf32, #tpu.memory_space<vmem>>
            %dma_start3A_111 = tpu.memref_squeeze %dma_start3A_110 : memref<1x125x128xf32, #tpu.memory_space<vmem>> -> memref<125x128xf32, #tpu.memory_space<vmem>>
            %dma_start3A_112 = arith.constant 0 : i32
            %dma_start3A_113 = tpu.memref_slice %arg7[%add3A_106, %dma_start3A_112] : memref<80x125xi32, #tpu.memory_space<vmem>> -> memref<1x125xi32, #tpu.memory_space<vmem>>
            %dma_start3A_114 = tpu.memref_squeeze %dma_start3A_113 : memref<1x125xi32, #tpu.memory_space<vmem>> -> memref<125xi32, #tpu.memory_space<vmem>>
            %dma_start3A_115 = arith.constant 0 : i32
            %dma_start3A_116 = arith.constant 0 : i32
            %dma_start3A_117 = tpu.memref_slice %arg2[%dma_start3A_115, %dma_start3A_116] : memref<10240x128xf32, #tpu.memory_space<hbm>> -> memref<10240x128xf32, #tpu.memory_space<hbm>>
            tpu.enqueue_indirect_dma source(%dma_start3A_117 : memref<10240x128xf32, #tpu.memory_space<hbm>>) target(%dma_start3A_111 : memref<125x128xf32, #tpu.memory_space<vmem>>) offsets(%dma_start3A_114 : memref<125xi32, #tpu.memory_space<vmem>>) semaphore(%arg13 : memref<!tpu.dma_semaphore, #tpu.memory_space<semaphore_mem>>)
          } else {
          }
        } else {
        }
        %add3A_73 = arith.constant 2 : i32
        %add3A_74 = arith.addi %mul3A_61, %add3A_73 : i32
        %lt3A_75 = arith.constant 80 : i32
        %lt3A_76 = arith.cmpi slt, %add3A_74, %lt3A_75 : i32
        %convert_element_type3A_77 = arith.extui %lt3A_76 : i1 to i32
        %cond3A_78 = arith.constant 0 : i32
        %cond3A_79 = arith.cmpi ne, %convert_element_type3A_77, %cond3A_78 : i32
        scf.if %cond3A_79 {
          %add3A_80 = arith.constant 2 : i32
          %add3A_81 = arith.addi %mul3A_61, %add3A_80 : i32
          %dma_wait3A = arith.constant 2 : i32
          %dma_wait3A_82 = arith.constant 0 : i32
          %dma_wait3A_83 = arith.constant 0 : i32
          %dma_wait3A_84 = tpu.memref_slice %arg10[%dma_wait3A, %dma_wait3A_82, %dma_wait3A_83] : memref<3x125x128xf32, #tpu.memory_space<vmem>> -> memref<1x125x128xf32, #tpu.memory_space<vmem>>
          %dma_wait3A_85 = tpu.memref_squeeze %dma_wait3A_84 : memref<1x125x128xf32, #tpu.memory_space<vmem>> -> memref<125x128xf32, #tpu.memory_space<vmem>>
          %dma_wait3A_86 = arith.constant 0 : i32
          %dma_wait3A_87 = tpu.memref_slice %arg7[%add3A_81, %dma_wait3A_86] : memref<80x125xi32, #tpu.memory_space<vmem>> -> memref<1x125xi32, #tpu.memory_space<vmem>>
          %dma_wait3A_88 = tpu.memref_squeeze %dma_wait3A_87 : memref<1x125xi32, #tpu.memory_space<vmem>> -> memref<125xi32, #tpu.memory_space<vmem>>
          %dma_wait3A_89 = arith.constant 0 : i32
          %dma_wait3A_90 = arith.constant 0 : i32
          %dma_wait3A_91 = tpu.memref_slice %arg2[%dma_wait3A_89, %dma_wait3A_90] : memref<10240x128xf32, #tpu.memory_space<hbm>> -> memref<10240x128xf32, #tpu.memory_space<hbm>>
          tpu.wait_indirect_dma semaphore(%arg14 : memref<!tpu.dma_semaphore, #tpu.memory_space<semaphore_mem>>) src(%dma_wait3A_91 : memref<10240x128xf32, #tpu.memory_space<hbm>>) dst(%dma_wait3A_85 : memref<125x128xf32, #tpu.memory_space<vmem>>)
          %add3A_92 = arith.constant 2 : i32
          %add3A_93 = arith.addi %mul3A_61, %add3A_92 : i32
          %run_scoped3A = arith.constant 2 : i32
          "tpu.region"() ({
            %run_scoped3A_103 = tpu.sem_alloc : memref<!tpu.dma_semaphore, #tpu.memory_space<semaphore_mem>>
            %dma_start3A_104 = arith.constant 0 : i32
            %dma_start3A_105 = arith.constant 0 : i32
            %dma_start3A_106 = tpu.memref_slice %arg10[%run_scoped3A, %dma_start3A_104, %dma_start3A_105] : memref<3x125x128xf32, #tpu.memory_space<vmem>> -> memref<1x125x128xf32, #tpu.memory_space<vmem>>
            %dma_start3A_107 = tpu.memref_squeeze %dma_start3A_106 : memref<1x125x128xf32, #tpu.memory_space<vmem>> -> memref<125x128xf32, #tpu.memory_space<vmem>>
            %dma_start3A_108 = arith.constant 0 : i32
            %dma_start3A_109 = tpu.memref_slice %arg9[%add3A_93, %dma_start3A_108] : memref<80x125xi32, #tpu.memory_space<vmem>> -> memref<1x125xi32, #tpu.memory_space<vmem>>
            %dma_start3A_110 = tpu.memref_squeeze %dma_start3A_109 : memref<1x125xi32, #tpu.memory_space<vmem>> -> memref<125xi32, #tpu.memory_space<vmem>>
            %dma_start3A_111 = arith.constant 0 : i32
            %dma_start3A_112 = arith.constant 0 : i32
            %dma_start3A_113 = tpu.memref_slice %arg11[%dma_start3A_111, %dma_start3A_112] : memref<5248x128xf32, #tpu.memory_space<vmem_shared>> -> memref<5248x128xf32, #tpu.memory_space<vmem_shared>>
            tpu.enqueue_indirect_dma source(%dma_start3A_107 : memref<125x128xf32, #tpu.memory_space<vmem>>) target(%dma_start3A_113 : memref<5248x128xf32, #tpu.memory_space<vmem_shared>>) offsets(%dma_start3A_110 : memref<125xi32, #tpu.memory_space<vmem>>) semaphore(%run_scoped3A_103 : memref<!tpu.dma_semaphore, #tpu.memory_space<semaphore_mem>>) {add = true}
            %dma_wait3A_114 = arith.constant 0 : i32
            %dma_wait3A_115 = arith.constant 0 : i32
            %dma_wait3A_116 = tpu.memref_slice %arg10[%run_scoped3A, %dma_wait3A_114, %dma_wait3A_115] : memref<3x125x128xf32, #tpu.memory_space<vmem>> -> memref<1x125x128xf32, #tpu.memory_space<vmem>>
            %dma_wait3A_117 = tpu.memref_squeeze %dma_wait3A_116 : memref<1x125x128xf32, #tpu.memory_space<vmem>> -> memref<125x128xf32, #tpu.memory_space<vmem>>
            %dma_wait3A_118 = arith.constant 0 : i32
            %dma_wait3A_119 = tpu.memref_slice %arg9[%add3A_93, %dma_wait3A_118] : memref<80x125xi32, #tpu.memory_space<vmem>> -> memref<1x125xi32, #tpu.memory_space<vmem>>
            %dma_wait3A_120 = tpu.memref_squeeze %dma_wait3A_119 : memref<1x125xi32, #tpu.memory_space<vmem>> -> memref<125xi32, #tpu.memory_space<vmem>>
            %dma_wait3A_121 = arith.constant 0 : i32
            %dma_wait3A_122 = arith.constant 0 : i32
            %dma_wait3A_123 = tpu.memref_slice %arg11[%dma_wait3A_121, %dma_wait3A_122] : memref<5248x128xf32, #tpu.memory_space<vmem_shared>> -> memref<5248x128xf32, #tpu.memory_space<vmem_shared>>
            tpu.wait_indirect_dma semaphore(%run_scoped3A_103 : memref<!tpu.dma_semaphore, #tpu.memory_space<semaphore_mem>>) src(%dma_wait3A_117 : memref<125x128xf32, #tpu.memory_space<vmem>>) dst(%dma_wait3A_123 : memref<5248x128xf32, #tpu.memory_space<vmem_shared>>)
            tpu.yield
          }) : () -> ()
          %add3A_94 = arith.constant 2 : i32
          %add3A_95 = arith.addi %mul3A_61, %add3A_94 : i32
          %add3A_96 = arith.constant 3 : i32
          %add3A_97 = arith.addi %add3A_95, %add3A_96 : i32
          %lt3A_98 = arith.constant 80 : i32
          %lt3A_99 = arith.cmpi slt, %add3A_97, %lt3A_98 : i32
          %convert_element_type3A_100 = arith.extui %lt3A_99 : i1 to i32
          %cond3A_101 = arith.constant 0 : i32
          %cond3A_102 = arith.cmpi ne, %convert_element_type3A_100, %cond3A_101 : i32
          scf.if %cond3A_102 {
            %add3A_103 = arith.constant 2 : i32
            %add3A_104 = arith.addi %mul3A_61, %add3A_103 : i32
            %add3A_105 = arith.constant 3 : i32
            %add3A_106 = arith.addi %add3A_104, %add3A_105 : i32
            %dma_start3A_107 = arith.constant 2 : i32
            %dma_start3A_108 = arith.constant 0 : i32
            %dma_start3A_109 = arith.constant 0 : i32
            %dma_start3A_110 = tpu.memref_slice %arg10[%dma_start3A_107, %dma_start3A_108, %dma_start3A_109] : memref<3x125x128xf32, #tpu.memory_space<vmem>> -> memref<1x125x128xf32, #tpu.memory_space<vmem>>
            %dma_start3A_111 = tpu.memref_squeeze %dma_start3A_110 : memref<1x125x128xf32, #tpu.memory_space<vmem>> -> memref<125x128xf32, #tpu.memory_space<vmem>>
            %dma_start3A_112 = arith.constant 0 : i32
            %dma_start3A_113 = tpu.memref_slice %arg7[%add3A_106, %dma_start3A_112] : memref<80x125xi32, #tpu.memory_space<vmem>> -> memref<1x125xi32, #tpu.memory_space<vmem>>
            %dma_start3A_114 = tpu.memref_squeeze %dma_start3A_113 : memref<1x125xi32, #tpu.memory_space<vmem>> -> memref<125xi32, #tpu.memory_space<vmem>>
            %dma_start3A_115 = arith.constant 0 : i32
            %dma_start3A_116 = arith.constant 0 : i32
            %dma_start3A_117 = tpu.memref_slice %arg2[%dma_start3A_115, %dma_start3A_116] : memref<10240x128xf32, #tpu.memory_space<hbm>> -> memref<10240x128xf32, #tpu.memory_space<hbm>>
            tpu.enqueue_indirect_dma source(%dma_start3A_117 : memref<10240x128xf32, #tpu.memory_space<hbm>>) target(%dma_start3A_111 : memref<125x128xf32, #tpu.memory_space<vmem>>) offsets(%dma_start3A_114 : memref<125xi32, #tpu.memory_space<vmem>>) semaphore(%arg14 : memref<!tpu.dma_semaphore, #tpu.memory_space<semaphore_mem>>)
          } else {
          }
        } else {
        }
      }
      %scan3A_57 = arith.constant 27 : i32
      %barrier3A_58 = arith.constant 0 : index
      tpu.barrier barrier_id(%barrier3A_58)
      "tpu.region"() ({
        %run_scoped3A = tpu.sem_alloc : memref<!tpu.dma_semaphore, #tpu.memory_space<semaphore_mem>>
        %dma_start3A_59 = arith.constant 0 : i32
        %dma_start3A_60 = arith.constant 0 : i32
        %dma_start3A_61 = arith.constant 0 : i32
        %dma_start3A_62 = tpu.memref_slice %arg6[%arg0, %dma_start3A_59, %dma_start3A_60, %dma_start3A_61] : memref<2x2x5248x128xf32, #tpu.memory_space<hbm>> -> memref<1x2x5248x128xf32, #tpu.memory_space<hbm>>
        %dma_start3A_63 = tpu.memref_squeeze %dma_start3A_62 : memref<1x2x5248x128xf32, #tpu.memory_space<hbm>> -> memref<2x5248x128xf32, #tpu.memory_space<hbm>>
        %dma_start3A_64 = arith.constant 0 : i32
        %dma_start3A_65 = arith.constant 0 : i32
        %dma_start3A_66 = tpu.memref_slice %dma_start3A_63[%scan3A_8, %dma_start3A_64, %dma_start3A_65] : memref<2x5248x128xf32, #tpu.memory_space<hbm>> -> memref<1x5248x128xf32, #tpu.memory_space<hbm>>
        %dma_start3A_67 = tpu.memref_squeeze %dma_start3A_66 : memref<1x5248x128xf32, #tpu.memory_space<hbm>> -> memref<5248x128xf32, #tpu.memory_space<hbm>>
        %dma_start3A_68 = arith.constant 0 : i32
        %dma_start3A_69 = tpu.memref_slice %dma_start3A_67[%mul3A_2, %dma_start3A_68] : memref<5248x128xf32, #tpu.memory_space<hbm>> -> memref<328x128xf32, #tpu.memory_space<hbm>>
        %dma_start3A_70 = arith.constant 0 : i32
        %dma_start3A_71 = tpu.memref_slice %arg11[%mul3A_2, %dma_start3A_70] : memref<5248x128xf32, #tpu.memory_space<vmem_shared>> -> memref<328x128xf32, #tpu.memory_space<vmem_shared>>
        tpu.enqueue_dma source(%dma_start3A_71 : memref<328x128xf32, #tpu.memory_space<vmem_shared>>) target(%dma_start3A_69 : memref<328x128xf32, #tpu.memory_space<hbm>>) target_semaphore(%run_scoped3A : memref<!tpu.dma_semaphore, #tpu.memory_space<semaphore_mem>>)
        %dma_wait3A = arith.constant 0 : i32
        %dma_wait3A_72 = arith.constant 0 : i32
        %dma_wait3A_73 = arith.constant 0 : i32
        %dma_wait3A_74 = tpu.memref_slice %arg6[%arg0, %dma_wait3A, %dma_wait3A_72, %dma_wait3A_73] : memref<2x2x5248x128xf32, #tpu.memory_space<hbm>> -> memref<1x2x5248x128xf32, #tpu.memory_space<hbm>>
        %dma_wait3A_75 = tpu.memref_squeeze %dma_wait3A_74 : memref<1x2x5248x128xf32, #tpu.memory_space<hbm>> -> memref<2x5248x128xf32, #tpu.memory_space<hbm>>
        %dma_wait3A_76 = arith.constant 0 : i32
        %dma_wait3A_77 = arith.constant 0 : i32
        %dma_wait3A_78 = tpu.memref_slice %dma_wait3A_75[%scan3A_8, %dma_wait3A_76, %dma_wait3A_77] : memref<2x5248x128xf32, #tpu.memory_space<hbm>> -> memref<1x5248x128xf32, #tpu.memory_space<hbm>>
        %dma_wait3A_79 = tpu.memref_squeeze %dma_wait3A_78 : memref<1x5248x128xf32, #tpu.memory_space<hbm>> -> memref<5248x128xf32, #tpu.memory_space<hbm>>
        %dma_wait3A_80 = arith.constant 0 : i32
        %dma_wait3A_81 = tpu.memref_slice %dma_wait3A_79[%mul3A_2, %dma_wait3A_80] : memref<5248x128xf32, #tpu.memory_space<hbm>> -> memref<328x128xf32, #tpu.memory_space<hbm>>
        %dma_wait3A_82 = arith.constant 0 : i32
        %dma_wait3A_83 = tpu.memref_slice %arg11[%mul3A_2, %dma_wait3A_82] : memref<5248x128xf32, #tpu.memory_space<vmem_shared>> -> memref<328x128xf32, #tpu.memory_space<vmem_shared>>
        tpu.wait_dma2 semaphore(%run_scoped3A : memref<!tpu.dma_semaphore, #tpu.memory_space<semaphore_mem>>) src(%dma_wait3A_83 : memref<328x128xf32, #tpu.memory_space<vmem_shared>>) dst(%dma_wait3A_81 : memref<328x128xf32, #tpu.memory_space<hbm>>)
        tpu.yield
      }) : () -> ()
    }
    %scan3A_7 = arith.constant 2 : i32
    return
  }
}

module attributes {stable_mosaic.version = 14 : i64} {
  func.func @body(%arg0: i32, %arg1: memref<2x1x1024x128xf32, #tpu.memory_space<vmem>>, %arg2: memref<1024x128xf32, #tpu.memory_space<vmem>>, %arg3: memref<1024x8xf32, #tpu.memory_space<vmem>>, %arg4: memref<1024x128xf32, #tpu.memory_space<vmem>>) attributes {dimension_semantics = [#tpu.dimension_semantics<arbitrary>], iteration_bounds = array<i64: 10>, scalar_prefetch = 0 : i64, scratch_operands = 0 : i64, tpu.core_type = #tpu.core_type<tc>, window_params = [{transform_indices = @transform_0, window_bounds = array<i64: 2, 1, 1024, 128>}, {transform_indices = @transform_1, window_bounds = array<i64: 1024, 128>}, {transform_indices = @transform_2, window_bounds = array<i64: 1024, 8>}, {transform_indices = @transform_3, window_bounds = array<i64: 1024, 128>}]} {
    %get3A = arith.constant 0 : index
    %get3A_0 = arith.constant 0 : index
    %get3A_1 = arith.constant 0 : index
    %get3A_2 = arith.constant 0 : index
    %get3A_3 = vector.load %arg1[%get3A, %get3A_0, %get3A_1, %get3A_2] : memref<2x1x1024x128xf32, #tpu.memory_space<vmem>>, vector<1x1x1024x8xf32>
    %get3A_4 = vector.shape_cast %get3A_3 : vector<1x1x1024x8xf32> to vector<1024x8xf32>
    %get3A_5 = arith.constant 1 : index
    %get3A_6 = arith.constant 0 : index
    %get3A_7 = arith.constant 0 : index
    %get3A_8 = arith.constant 0 : index
    %get3A_9 = vector.load %arg1[%get3A_5, %get3A_6, %get3A_7, %get3A_8] : memref<2x1x1024x128xf32, #tpu.memory_space<vmem>>, vector<1x1x1024x8xf32>
    %get3A_10 = vector.shape_cast %get3A_9 : vector<1x1x1024x8xf32> to vector<1024x8xf32>
    %add3A = arith.addf %get3A_4, %get3A_10 : vector<1024x8xf32>
    %gt3A = arith.constant 0.000000e+00 : f32
    %gt3A_11 = vector.broadcast %gt3A : f32 to vector<1024x8xf32>
    %gt3A_12 = arith.cmpf ogt, %add3A, %gt3A_11 : vector<1024x8xf32>
    %max3A = arith.constant 1.000000e+00 : f32
    %max3A_13 = vector.broadcast %max3A : f32 to vector<1024x8xf32>
    %max3A_14 = arith.maximumf %add3A, %max3A_13 : vector<1024x8xf32>
    %rsqrt3A = math.rsqrt %max3A_14 : vector<1024x8xf32>
    %jit3A = arith.constant 0.000000e+00 : f32
    %broadcast_in_dim3A = vector.broadcast %jit3A : f32 to vector<1024x8xf32>
    %select_n3A = arith.select %gt3A_12, %rsqrt3A, %broadcast_in_dim3A : vector<1024x8xi1>, vector<1024x8xf32>
    %swap3A = arith.constant 0 : index
    %swap3A_15 = arith.constant 0 : index
    %swap3A_16 = vector.load %arg3[%swap3A, %swap3A_15] : memref<1024x8xf32, #tpu.memory_space<vmem>>, vector<1024x8xf32>
    tpu.vector_store %arg3[%swap3A, %swap3A_15], %select_n3A {strides = array<i32>} : memref<1024x8xf32, #tpu.memory_space<vmem>>, vector<1024x8xf32>,
    %get3A_17 = arith.constant 0 : index
    %get3A_18 = arith.constant 0 : index
    %get3A_19 = vector.load %arg2[%get3A_17, %get3A_18] : memref<1024x128xf32, #tpu.memory_space<vmem>>, vector<1024x128xf32>
    %slice3A = vector.extract_strided_slice %select_n3A {offsets = [0, 0], sizes = [1024, 1], strides = [1, 1]} : vector<1024x8xf32> to vector<1024x1xf32>
    %mul3A = vector.broadcast %slice3A : vector<1024x1xf32> to vector<1024x128xf32>
    %mul3A_20 = arith.mulf %get3A_19, %mul3A : vector<1024x128xf32>
    %swap3A_21 = arith.constant 0 : index
    %swap3A_22 = arith.constant 0 : index
    %swap3A_23 = vector.load %arg4[%swap3A_21, %swap3A_22] : memref<1024x128xf32, #tpu.memory_space<vmem>>, vector<1024x128xf32>
    tpu.vector_store %arg4[%swap3A_21, %swap3A_22], %mul3A_20 {strides = array<i32>} : memref<1024x128xf32, #tpu.memory_space<vmem>>, vector<1024x128xf32>,
    return
  }
  func.func @transform_0(%arg0: i32) -> (i32, i32, i32, i32) {
    %jit3A = arith.constant 5 : i32
    %div3A = arith.divsi %arg0, %jit3A : i32
    %sign3A = arith.constant 0 : i32
    %sign3A_0 = arith.cmpi sgt, %arg0, %sign3A : i32
    %sign3A_1 = arith.extui %sign3A_0 : i1 to i32
    %sign3A_2 = arith.constant 0 : i32
    %sign3A_3 = arith.cmpi slt, %arg0, %sign3A_2 : i32
    %sign3A_4 = arith.extui %sign3A_3 : i1 to i32
    %sign3A_5 = arith.subi %sign3A_1, %sign3A_4 : i32
    %sign3A_6 = arith.constant 0 : i32
    %sign3A_7 = arith.cmpi sgt, %jit3A, %sign3A_6 : i32
    %sign3A_8 = arith.extui %sign3A_7 : i1 to i32
    %sign3A_9 = arith.constant 0 : i32
    %sign3A_10 = arith.cmpi slt, %jit3A, %sign3A_9 : i32
    %sign3A_11 = arith.extui %sign3A_10 : i1 to i32
    %sign3A_12 = arith.subi %sign3A_8, %sign3A_11 : i32
    %ne3A = arith.cmpi ne, %sign3A_5, %sign3A_12 : i32
    %rem3A = arith.remsi %arg0, %jit3A : i32
    %ne3A_13 = arith.constant 0 : i32
    %ne3A_14 = arith.cmpi ne, %rem3A, %ne3A_13 : i32
    %and3A = arith.andi %ne3A, %ne3A_14 : i1
    %sub3A = arith.constant 1 : i32
    %sub3A_15 = arith.subi %div3A, %sub3A : i32
    %select_n3A = arith.select %and3A, %sub3A_15, %div3A : i32
    %jit3A_16 = arith.constant 5 : i32
    %eq3A = arith.constant 0 : i32
    %eq3A_17 = arith.cmpi eq, %jit3A_16, %eq3A : i32
    %jit3A_18 = arith.constant 1 : i32
    %select_n3A_19 = arith.select %eq3A_17, %jit3A_18, %jit3A_16 : i32
    %rem3A_20 = arith.remsi %arg0, %select_n3A_19 : i32
    %ne3A_21 = arith.constant 0 : i32
    %ne3A_22 = arith.cmpi ne, %rem3A_20, %ne3A_21 : i32
    %lt3A = arith.constant 0 : i32
    %lt3A_23 = arith.cmpi slt, %rem3A_20, %lt3A : i32
    %lt3A_24 = arith.constant 0 : i32
    %lt3A_25 = arith.cmpi slt, %select_n3A_19, %lt3A_24 : i32
    %ne3A_26 = arith.xori %lt3A_23, %lt3A_25 : i1
    %and3A_27 = arith.andi %ne3A_26, %ne3A_22 : i1
    %add3A = arith.addi %rem3A_20, %select_n3A_19 : i32
    %select_n3A_28 = arith.select %and3A_27, %add3A, %rem3A_20 : i32
    %c0_i32 = arith.constant 0 : i32
    %c0_i32_29 = arith.constant 0 : i32
    %c0_i32_30 = arith.constant 0 : i32
    return %c0_i32, %select_n3A, %select_n3A_28, %c0_i32_29 : i32, i32, i32, i32
  }
  func.func @transform_1(%arg0: i32) -> (i32, i32) {
    %c0_i32 = arith.constant 0 : i32
    %c0_i32_0 = arith.constant 0 : i32
    return %arg0, %c0_i32 : i32, i32
  }
  func.func @transform_2(%arg0: i32) -> (i32, i32) {
    %c0_i32 = arith.constant 0 : i32
    %c0_i32_0 = arith.constant 0 : i32
    return %arg0, %c0_i32 : i32, i32
  }
  func.func @transform_3(%arg0: i32) -> (i32, i32) {
    %c0_i32 = arith.constant 0 : i32
    %c0_i32_0 = arith.constant 0 : i32
    return %arg0, %c0_i32 : i32, i32
  }
}

module attributes {stable_mosaic.version = 14 : i64} {
  func.func @body(%arg0: i32, %arg1: memref<1xf32, #tpu.memory_space<smem>>, %arg2: memref<2x1x1024x128xf32, #tpu.memory_space<vmem>>, %arg3: memref<1024x128xf32, #tpu.memory_space<vmem>>, %arg4: memref<1024x8xf32, #tpu.memory_space<vmem>>, %arg5: memref<1024x128xf32, #tpu.memory_space<vmem>>, %arg6: memref<1024x128xf32, #tpu.memory_space<vmem>>) attributes {dimension_semantics = [#tpu.dimension_semantics<arbitrary>], iteration_bounds = array<i64: 10>, scalar_prefetch = 0 : i64, scratch_operands = 0 : i64, tpu.core_type = #tpu.core_type<tc>, window_params = [{transform_indices = @transform_0, window_bounds = array<i64: 1>}, {transform_indices = @transform_1, window_bounds = array<i64: 2, 1, 1024, 128>}, {transform_indices = @transform_2, window_bounds = array<i64: 1024, 128>}, {transform_indices = @transform_3, window_bounds = array<i64: 1024, 8>}, {transform_indices = @transform_4, window_bounds = array<i64: 1024, 128>}, {transform_indices = @transform_5, window_bounds = array<i64: 1024, 128>}]} {
    %get3A = arith.constant 0 : index
    %get3A_0 = arith.constant 0 : index
    %get3A_1 = arith.constant 0 : index
    %get3A_2 = arith.constant 0 : index
    %get3A_3 = vector.load %arg2[%get3A, %get3A_0, %get3A_1, %get3A_2] : memref<2x1x1024x128xf32, #tpu.memory_space<vmem>>, vector<1x1x1024x128xf32>
    %get3A_4 = vector.shape_cast %get3A_3 : vector<1x1x1024x128xf32> to vector<1024x128xf32>
    %get3A_5 = arith.constant 1 : index
    %get3A_6 = arith.constant 0 : index
    %get3A_7 = arith.constant 0 : index
    %get3A_8 = arith.constant 0 : index
    %get3A_9 = vector.load %arg2[%get3A_5, %get3A_6, %get3A_7, %get3A_8] : memref<2x1x1024x128xf32, #tpu.memory_space<vmem>>, vector<1x1x1024x128xf32>
    %get3A_10 = vector.shape_cast %get3A_9 : vector<1x1x1024x128xf32> to vector<1024x128xf32>
    %add3A = arith.addf %get3A_4, %get3A_10 : vector<1024x128xf32>
    %get3A_11 = arith.constant 0 : index
    %get3A_12 = arith.constant 0 : index
    %get3A_13 = vector.load %arg4[%get3A_11, %get3A_12] : memref<1024x8xf32, #tpu.memory_space<vmem>>, vector<1024x1xf32>
    %mul3A = arith.constant 0.899999976 : f32
    %mul3A_14 = vector.broadcast %mul3A : f32 to vector<1024x1xf32>
    %mul3A_15 = arith.mulf %mul3A_14, %get3A_13 : vector<1024x1xf32>
    %mul3A_16 = vector.broadcast %mul3A_15 : vector<1024x1xf32> to vector<1024x128xf32>
    %mul3A_17 = arith.mulf %mul3A_16, %add3A : vector<1024x128xf32>
    %get3A_18 = arith.constant 0 : index
    %get3A_19 = arith.constant 0 : index
    %get3A_20 = vector.load %arg3[%get3A_18, %get3A_19] : memref<1024x128xf32, #tpu.memory_space<vmem>>, vector<1024x128xf32>
    %mul3A_21 = arith.constant 1.000000e-01 : f32
    %mul3A_22 = vector.broadcast %mul3A_21 : f32 to vector<1024x128xf32>
    %mul3A_23 = arith.mulf %mul3A_22, %get3A_20 : vector<1024x128xf32>
    %add3A_24 = arith.addf %mul3A_17, %mul3A_23 : vector<1024x128xf32>
    %mul3A_25 = vector.broadcast %get3A_13 : vector<1024x1xf32> to vector<1024x128xf32>
    %mul3A_26 = arith.mulf %add3A_24, %mul3A_25 : vector<1024x128xf32>
    %swap3A = arith.constant 0 : index
    %swap3A_27 = arith.constant 0 : index
    %swap3A_28 = vector.load %arg5[%swap3A, %swap3A_27] : memref<1024x128xf32, #tpu.memory_space<vmem>>, vector<1024x128xf32>
    tpu.vector_store %arg5[%swap3A, %swap3A_27], %mul3A_26 {strides = array<i32>} : memref<1024x128xf32, #tpu.memory_space<vmem>>, vector<1024x128xf32>,
    %get3A_29 = arith.constant 0 : index
    %get3A_30 = memref.load %arg1[%get3A_29] : memref<1xf32, #tpu.memory_space<smem>>
    %mul3A_31 = vector.broadcast %get3A_30 : f32 to vector<1024x128xf32>
    %mul3A_32 = arith.mulf %add3A_24, %mul3A_31 : vector<1024x128xf32>
    %swap3A_33 = arith.constant 0 : index
    %swap3A_34 = arith.constant 0 : index
    %swap3A_35 = vector.load %arg6[%swap3A_33, %swap3A_34] : memref<1024x128xf32, #tpu.memory_space<vmem>>, vector<1024x128xf32>
    tpu.vector_store %arg6[%swap3A_33, %swap3A_34], %mul3A_32 {strides = array<i32>} : memref<1024x128xf32, #tpu.memory_space<vmem>>, vector<1024x128xf32>,
    return
  }
  func.func @transform_0(%arg0: i32) -> i32 {
    %c0_i32 = arith.constant 0 : i32
    %c0_i32_0 = arith.constant 0 : i32
    return %c0_i32 : i32
  }
  func.func @transform_1(%arg0: i32) -> (i32, i32, i32, i32) {
    %jit3A = arith.constant 5 : i32
    %div3A = arith.divsi %arg0, %jit3A : i32
    %sign3A = arith.constant 0 : i32
    %sign3A_0 = arith.cmpi sgt, %arg0, %sign3A : i32
    %sign3A_1 = arith.extui %sign3A_0 : i1 to i32
    %sign3A_2 = arith.constant 0 : i32
    %sign3A_3 = arith.cmpi slt, %arg0, %sign3A_2 : i32
    %sign3A_4 = arith.extui %sign3A_3 : i1 to i32
    %sign3A_5 = arith.subi %sign3A_1, %sign3A_4 : i32
    %sign3A_6 = arith.constant 0 : i32
    %sign3A_7 = arith.cmpi sgt, %jit3A, %sign3A_6 : i32
    %sign3A_8 = arith.extui %sign3A_7 : i1 to i32
    %sign3A_9 = arith.constant 0 : i32
    %sign3A_10 = arith.cmpi slt, %jit3A, %sign3A_9 : i32
    %sign3A_11 = arith.extui %sign3A_10 : i1 to i32
    %sign3A_12 = arith.subi %sign3A_8, %sign3A_11 : i32
    %ne3A = arith.cmpi ne, %sign3A_5, %sign3A_12 : i32
    %rem3A = arith.remsi %arg0, %jit3A : i32
    %ne3A_13 = arith.constant 0 : i32
    %ne3A_14 = arith.cmpi ne, %rem3A, %ne3A_13 : i32
    %and3A = arith.andi %ne3A, %ne3A_14 : i1
    %sub3A = arith.constant 1 : i32
    %sub3A_15 = arith.subi %div3A, %sub3A : i32
    %select_n3A = arith.select %and3A, %sub3A_15, %div3A : i32
    %jit3A_16 = arith.constant 5 : i32
    %eq3A = arith.constant 0 : i32
    %eq3A_17 = arith.cmpi eq, %jit3A_16, %eq3A : i32
    %jit3A_18 = arith.constant 1 : i32
    %select_n3A_19 = arith.select %eq3A_17, %jit3A_18, %jit3A_16 : i32
    %rem3A_20 = arith.remsi %arg0, %select_n3A_19 : i32
    %ne3A_21 = arith.constant 0 : i32
    %ne3A_22 = arith.cmpi ne, %rem3A_20, %ne3A_21 : i32
    %lt3A = arith.constant 0 : i32
    %lt3A_23 = arith.cmpi slt, %rem3A_20, %lt3A : i32
    %lt3A_24 = arith.constant 0 : i32
    %lt3A_25 = arith.cmpi slt, %select_n3A_19, %lt3A_24 : i32
    %ne3A_26 = arith.xori %lt3A_23, %lt3A_25 : i1
    %and3A_27 = arith.andi %ne3A_26, %ne3A_22 : i1
    %add3A = arith.addi %rem3A_20, %select_n3A_19 : i32
    %select_n3A_28 = arith.select %and3A_27, %add3A, %rem3A_20 : i32
    %c0_i32 = arith.constant 0 : i32
    %c0_i32_29 = arith.constant 0 : i32
    %c0_i32_30 = arith.constant 0 : i32
    return %c0_i32, %select_n3A, %select_n3A_28, %c0_i32_29 : i32, i32, i32, i32
  }
  func.func @transform_2(%arg0: i32) -> (i32, i32) {
    %c0_i32 = arith.constant 0 : i32
    %c0_i32_0 = arith.constant 0 : i32
    return %arg0, %c0_i32 : i32, i32
  }
  func.func @transform_3(%arg0: i32) -> (i32, i32) {
    %c0_i32 = arith.constant 0 : i32
    %c0_i32_0 = arith.constant 0 : i32
    return %arg0, %c0_i32 : i32, i32
  }
  func.func @transform_4(%arg0: i32) -> (i32, i32) {
    %c0_i32 = arith.constant 0 : i32
    %c0_i32_0 = arith.constant 0 : i32
    return %arg0, %c0_i32 : i32, i32
  }
  func.func @transform_5(%arg0: i32) -> (i32, i32) {
    %c0_i32 = arith.constant 0 : i32
    %c0_i32_0 = arith.constant 0 : i32
    return %arg0, %c0_i32 : i32, i32
  }
}

</mosaic_0001>

<sc_bundles>
// kernel: closed_call.22.cloned.1.call-start
scs
__scs_entry_jumppad:
0x0: {  	(pc) =	sbr.rel $0x88, $3  }
0x1: {  	(tag) =	ssettag $0x0;
	lr =	simm.s32 $0x1  }
0x2: {  	[smem:$0x3F9F] =	sst lr;
	_ =	strace $0xD0000000  }
0x3: {  	_ = 	snop  }
0x4: {  	_ = 	snop  }
0x5: {  	_ = 	snop  }
0x6: {  	_ = 	snop  }
0x7: {  	_ = 	snop  }
__scs_overlays_trampoline_lowered:
0x8: {  	[smem:$0x3FAE] =	sst s0  }
0x9: {  	[smem:$0x3FAF] =	sst s1  }
0xa: {  	[smem:$0x3FB0] =	sst s2  }
0xb: {  	[smem:$0x3FB1] =	sst s3  }
0xc: {  	[smem:$0x3FB2] =	sst s4  }
0xd: {  	[smem:$0x3FB3] =	sst s5  }
0xe: {  	[smem:$0x3FB4] =	sst s6  }
0xf: {  	[smem:$0x3FB5] =	sst s7  }
0x10: {  	[smem:$0x3FB6] =	sst s8  }
0x11: {  	[smem:$0x3FB7] =	sst s9;
	s0 =	simm.s32 @!p0 $0x0  }
0x12: {  	s1 =	sld [smem:$0x3F9D];
	s0 =	simm.s32 @p0 $0x1  }
0x13: {  	[smem:$0x3FB8] =	sst s0;
	s0 =	simm.s32 @!p1 $0x0  }
0x14: {  	s2 =	sld [smem:$0x3F9C];
	s0 =	simm.s32 @p1 $0x1  }
0x15: {  	[smem:$0x3FB9] =	sst s0;
	s0 =	simm.s32 @!p2 $0x0  }
0x16: {  	s3 =	sld [smem:$0x3FDB];
	s0 =	simm.s32 @p2 $0x1  }
0x17: {  	s4 =	simm.s32 $0x1BF5;
	[smem:$0x3FBB] =	sst s0  }
0x18: {  	s0 =	sld [smem:$0x3F9E];
	_ =	swait.ge [sflag:s4], $0x0  }
0x19: {  	s7 =	sld [smem:$0x3F9F]  }
0x1a: {  	s8 =	sadd.s32 $0xFFFFE003, lr  }
0x1b: {  	s9 =	sadd.s32 $0xFFFFFEF7, lr;
	s5 =	simm.s32 $0xFFFFFFFF;
	p2 =	slt.u32 s8, $0xFFFFF086  }
0x1c: {  	p1 =	slt.u32 s9, $0xF7A;
	s5 =	simm.s32 @!p2 $0x0  }
0x1d: {  	s5 =	simm.s32 @p1 $0x1;
	p0 =	seq.s32 s7, s2  }
0x1e: {  	s7 =	smul.u32 @!p0 $0xF7A, s2;
	p2 =	seq.s32 @!p0 s5, $0x0  }
0x1f: {  	s9 =	smul.u32 $0xF7A, s1;
	s8 =	simm.s32 @!p0 $0x1BF5;
	p2 =	por !p2, p0  }
0x20: {  	[sflag:s8] =	ssyncset.s32 @!p0 $0xFFFFF086;
	s6 =	sadd.s32 @!p0 s3, s7;
	s7 =	simm.s32 @!p0 $0x108  }
0x21: {  	s3 =	sadd.s32 s3, s9;
	s6 =	sadd.s32 @!p0 $0x88, s6;
	s7 =	simm.s32 @p2 $0x1082  }
0x22: {  	[simem:s7], [sflag:s8] =	dma.local @!p0 [hbm:s6], $0xF7A  }
0x23: {  	s9 =	sor.u32 $0xD0000000, s2;
	s6 =	simm.s32 $0x108;
	_ =	swait.ge @!p0 [sflag:s8], $0x0  }
0x24: {  	s3 =	sadd.s32 $0x88, s3;
	s6 =	simm.s32 @!p1 $0x1082;
	[sflag:s4] =	ssyncset.s32 $0xFFFFF086  }
0x25: {  	[simem:s6], [sflag:s4] =	dma.local [hbm:s3], $0xF7A  }
0x26: {  	[smem:$0x3F9F] =	sst s1;
	(tag) =	ssettag s2;
	_ =	strace s9  }
0x27: {  	s1 =	sld [smem:$0x3FAF]  }
0x28: {  	s2 =	sld [smem:$0x3FB0]  }
0x29: {  	s4 =	sld [smem:$0x3FB2]  }
0x2a: {  	p0 =	seq.s32 s5, $0x0;
	s5 =	sld [smem:$0x3FB3]  }
0x2b: {  	s6 =	sld [smem:$0x3FB4]  }
0x2c: {  	s7 =	sld [smem:$0x3FB5]  }
0x2d: {  	s3 =	simm.s32 $0x108;
	s8 =	sld [smem:$0x3FB6]  }
0x2e: {  	s3 =	simm.s32 @!p0 $0x1082;
	s9 =	sld [smem:$0x3FB7]  }
0x2f: {  	lr =	sadd.s32 s0, s3;
	s0 =	sld [smem:$0x3FAE]  }
0x30: {  	s3 =	sld [smem:$0x3FB1]  }
0x31: {  	[smem:$0x3FBA] =	sst s10  }
0x32: {  	s10 =	sld [smem:$0x3FB8];
	_ =	sdelay $0x3  }
0x33: {  	p0 =	seq.s32 s10, $0x1;
	s10 =	sld [smem:$0x3FBA];
	_ =	sdelay $0x3  }
0x34: {  	[smem:$0x3FBA] =	sst s10  }
0x35: {  	s10 =	sld [smem:$0x3FB9];
	_ =	sdelay $0x3  }
0x36: {  	p1 =	seq.s32 s10, $0x1;
	s10 =	sld [smem:$0x3FBA];
	_ =	sdelay $0x3  }
0x37: {  	[smem:$0x3FBA] =	sst s10  }
0x38: {  	s10 =	sld [smem:$0x3FBB]  }
0x39: {  	_ = 	snop;
	(pc) =	sbr.ind lr, $3  }
0x3a: {  	_ = 	snop  }
0x3b: {  	_ = 	snop  }
0x3c: {  	p2 =	seq.s32 s10, $0x1;
	s10 =	sld [smem:$0x3FBA]  }
0x3d: {  	_ =	shalt  }
0x3e: {  	_ =	shalt  }
0x3f: {  	_ =	shalt  }
0x40: {  	_ =	shalt  }
0x41: {  	_ =	shalt  }
0x42: {  	_ =	shalt  }
0x43: {  	_ =	shalt  }
0x44: {  	_ =	shalt  }
0x45: {  	_ =	shalt  }
0x46: {  	_ =	shalt  }
0x47: {  	_ =	shalt  }
0x48: {  	_ =	shalt  }
0x49: {  	_ =	shalt  }
0x4a: {  	_ =	shalt  }
0x4b: {  	_ =	shalt  }
0x4c: {  	_ =	shalt  }
0x4d: {  	_ =	shalt  }
0x4e: {  	_ =	shalt  }
0x4f: {  	_ =	shalt  }
0x50: {  	_ =	shalt  }
0x51: {  	_ =	shalt  }
0x52: {  	_ =	shalt  }
0x53: {  	_ =	shalt  }
0x54: {  	_ =	shalt  }
0x55: {  	_ =	shalt  }
0x56: {  	_ =	shalt  }
0x57: {  	_ =	shalt  }
0x58: {  	_ =	shalt  }
0x59: {  	_ =	shalt  }
0x5a: {  	_ =	shalt  }
0x5b: {  	_ =	shalt  }
0x5c: {  	_ =	shalt  }
0x5d: {  	_ =	shalt  }
0x5e: {  	_ =	shalt  }
0x5f: {  	_ =	shalt  }
0x60: {  	_ =	shalt  }
0x61: {  	_ =	shalt  }
0x62: {  	_ =	shalt  }
0x63: {  	_ =	shalt  }
0x64: {  	_ =	shalt  }
0x65: {  	_ =	shalt  }
0x66: {  	_ =	shalt  }
0x67: {  	_ =	shalt  }
0x68: {  	_ =	shalt  }
0x69: {  	_ =	shalt  }
0x6a: {  	_ =	shalt  }
0x6b: {  	_ =	shalt  }
0x6c: {  	_ =	shalt  }
0x6d: {  	_ =	shalt  }
0x6e: {  	_ =	shalt  }
0x6f: {  	_ =	shalt  }
0x70: {  	_ =	shalt  }
0x71: {  	_ =	shalt  }
0x72: {  	_ =	shalt  }
0x73: {  	_ =	shalt  }
0x74: {  	_ =	shalt  }
0x75: {  	_ =	shalt  }
0x76: {  	_ =	shalt  }
0x77: {  	_ =	shalt  }
0x78: {  	_ =	shalt  }
0x79: {  	_ =	shalt  }
0x7a: {  	_ =	shalt  }
0x7b: {  	_ =	shalt  }
0x7c: {  	_ =	shalt  }
0x7d: {  	_ =	shalt  }
0x7e: {  	_ =	shalt  }
0x7f: {  	_ =	shalt  }
0x80: {  	_ =	shalt  }
0x81: {  	_ =	shalt  }
0x82: {  	_ =	shalt  }
0x83: {  	_ =	shalt  }
0x84: {  	_ =	shalt  }
0x85: {  	_ =	shalt  }
0x86: {  	_ =	shalt  }
0x87: {  	_ =	shalt  }
.Lfunc_end0:
.L_simem_size_0:
called_computation_lowered:
.L_overlay_start_0:
0x88: {  	s2 =	sld [smem:$0x3FD9]  }
0x89: {  	s3 =	sld [smem:$0x3FFE];
	_ =	sdelay $0x1  }
0x8a: {  	s1 =	srdreg.scid  }
0x8b: {  	s0 =	sand.u32 $0x1, s1  }
0x8c: {  	s17 =	sshll.u32 s0, $0xA;
	s2 =	sadd.s32 s3, s2  }
0x8d: {  	s2 =	sadd.s32 s2, s17  }
0x8e: {  	[smem:$0x3FC6] =	sst s2  }
0x8f: {  	_ = 	snop  }
0x90: {  	s2 =	sld [smem:$0x3FD0];
	(tm) =	ssettm $0x1  }
0x91: {  	s18 =	sld [smem:$0x3FFB];
	_ =	sdelay $0x3  }
0x92: {  	_ =	strace s18  }
0x93: {  	s3 =	sld [smem:$0x3FFC];
	_ =	sdelay $0x3  }
0x94: {  	_ =	strace s3  }
0x95: {  	s3 =	sld [smem:$0x3FFD];
	_ =	sdelay $0x3  }
0x96: {  	_ =	strace s3  }
0x97: {  	_ =	strace $0x8FFFFFFF  }
0x98: {  	s19 =	sld [smem:$0x3FDB];
	_ =	sdelay $0x1  }
0x99: {  	s4 =	simm.s32 $_scs_section_size  }
0x9a: {  	s5 =	simm.s32 $_size__tile_overlayer_lowered;
	s6 =	simm.s32 $_tile_overlayer_lowered  }
0x9b: {  	s22 =	simm.s32 $0x1BFF;
	s21 =	sshll.u32 s6, $0x1;
	s3 =	sadd.s32 s4, s19  }
0x9c: {  	s7 =	simm.s32 $0x0;
	s20 =	sshll.u32 s5, $0x1;
	s5 =	sadd.s32 s21, s3  }
0x9d: {  	[timem:s7], [sflag:s22] =	dma.local [hbm:s5], s20  }
0x9e: {  	_ =	swait.ge [sflag:s22], s20  }
0x9f: {  	s4 =	ssub.s32 $0x0, s20;
	[sflag:s22] =	ssyncset.done $0x0  }
0xa0: {  	[sflag:s22] =	ssyncadd.s32 s4;
	_ =	sdelay $0x1  }
0xa1: {  	s23 =	simm.s32 $0x1B8B  }
0xa2: {  	_ =	swait.ge [sflag:s23], $0x1  }
0xa3: {  	[sflag:s23] =	ssyncset.done $0x0  }
0xa4: {  	s25 =	simm.s32 $0x1B8E;
	s24 =	sld [smem:$0x3FFE];
	[sflag:s23] =	ssyncadd.s32 $0xFFFFFFFF  }
0xa5: {  	s26 =	simm.s32 $execute0_lowered;
	[smem:$0x3FD2] =	sst s25  }
0xa6: {  	s5 =	sshll.u32 s26, $0x1;
	_ =	strace $0x80000049;
	[dreg:$0x1] =	wrdreg $0xFFFFFFFF  }
0xa7: {  	s28 =	simm.s32 $_size_execute0_lowered;
	s3 =	sadd.s32 s3, s5;
	[dreg:$0x0] =	wrdreg $0x0  }
0xa8: {  	s5 =	sshll.u32 s28, $0x1;
	[dreg:$0x2] =	wrdreg s3  }
0xa9: {  	[dreg:$0x3] =	wrdreg s5  }
0xaa: {  	[dreg:$0x4] =	wrdreg $0xC0  }
0xab: {  	_ =	task [dreg:s7], $0x5FFFF  }
0xac: {  	[dreg:$0x1] =	wrdreg $0xFFFFFFFF  }
0xad: {  	[dreg:$0x0] =	wrdreg $0x60  }
0xae: {  	[dreg:$0x2] =	wrdreg s24  }
0xaf: {  	[dreg:$0x3] =	wrdreg s2  }
0xb0: {  	[dreg:$0x4] =	wrdreg $0x138000  }
0xb1: {  	[dreg:$0x5] =	wrdreg $0x9  }
0xb2: {  	_ =	task.clear_ibuf [dreg:s7], $0x6FFFF;
	_ =	strace $0x90000049  }
0xb3: {  	s29 =	simm.s32 $0x9;
	_ =	strace $0x8000004B  }
0xb4: {  	_ =	swait.ge [sflag:s29], $0x1  }
0xb5: {  	[sflag:s29] =	ssyncadd.s32 $0xFFFFFFFF  }
0xb6: {  	_ =	strace $0x9000004B  }
0xb7: {  	_ =	sfence  }
0xb8: {  	s30 =	sld [smem:$0x0];
	_ =	sdelay $0x2  }
0xb9: {  	s31 =	sshll.u32 s1, $0xD;
	s1 =	sshrl.u32 s1, $0x2  }
0xba: {  	s3 =	sand.u32 $0x4000, s31;
	s1 =	sadd.s32 s1, s30  }
0xbb: {  	s0 =	sor.u32 s3, s0;
	s1 =	sshll.u32 s1, $0x11  }
0xbc: {  	s0 =	sor.u32 s1, s0  }
0xbd: {  	s0 =	sadd.s32 $0x8F2B, s0  }
0xbe: {  	[sflag:s0] =	ssyncadd.remote.s32 $0x1  }
0xbf: {  	_ =	sfence.sel $0xFFFF  }
0xc0: {  	[dreg:$0x0] =	wrdreg $0xFFFFFFFF;
	(pc) =	sbr.abs _section_cstart, $3  }
0xc1: {  	[dreg:$0x1] =	wrdreg $0xFFFFFFFF  }
0xc2: {  	_ =	task.clear_ibuf [dreg:s7], $0x2FFFF;
	_ =	strace $0x9FFFFFFF  }
0xc3: {  	(tm) =	ssettm $0x7FFFFFFF  }
tec
execute0_lowered:
.L_overlay_start_1:
0x0: {  	(tag) =	ssettag $0x1  }
0x1: {  	s6 =	rddreg [dreg:$0x0]  }
0x2: {  	s7 =	rddreg [dreg:$0x1];
	s1 =	srdreg.scid  }
0x3: {  	s0 =	stileid.u32;
	s2 =	rddreg [dreg:$0x2]  }
0x4: {  	s3 =	simm.s32 $0x0;
	s16 =	simm.s32 $0x7800;
	s17 =	simm.s32 $0x80  }
0x5: {  	s18 =	simm.s32 $0xB800;
	s19 =	simm.s32 $0x100;
	s20 =	simm.s32 $0xF800  }
0x6: {  	s21 =	simm.s32 $0x1;
	s22 =	simm.s32 $0x2;
	s23 =	simm.s32 $0x3  }
0x7: {  	s24 =	simm.s32 $0x7700;
	s25 =	simm.s32 $0x7780;
	s26 =	simm.s32 $0x0  }
0x8: {  	s8 =	sand.u32 $0x1, s1;
	s4 =	sshll.u32 s0, $0x1;
	s1 =	rddreg [dreg:$0x3]  }
0x9: {  	[smem:$0x7FF] =	sst s3;
	s5 =	sadd.s32 $0x29800, s6;
	s13 =	smul.u32 $0x29000, s0  }
0xa: {  	s31 =	sshll.u32 s0, $0x6;
	s4 =	sor.u32 s8, s4;
	s10 =	smul.u32 $0x29000, s8  }
0xb: {  	_ =	strace $0x8000004A;
	s8 =	ssub.s32 $0x2, s8;
	s9 =	smul.u32 $0x500, s4  }
0xc: {  	s4 =	smul.u32 $0x1480, s0;
	s12 =	sshrl.u32 s8, $0x1;
	s30 =	sshrl.u32 s13, $0x2  }
0xd: {  	s13 =	sor.u32 $0x1C04, s31;
	s10 =	sadd.s32 s10, s6;
	s12 =	ssub.s32 s8, s12  }
0xe: {  	s15 =	sadd.s32 s30, s2;
	s11 =	sadd.s32 s9, s6;
	s14 =	sadd.s32 s4, s6  }
0xf: {  	s7 =	sadd.s32 s7, s9;
	s9 =	sadd.s32 $0xA4200, s10;
	s10 =	smax.u32 s12, $0x1  }
0x10: {  	s12 =	simm.s32 $0x2800;
	s6 =	sadd.s32 $0x51800, s11;
	s8 =	sadd.s32 $0x7C200, s14  }
0x11: {  	s11 =	simm.s32 $0x4;
	s14 =	sshrl.u32 s15, $0x3;
	s15 =	simm.s32 $0x7D  }
.LBB2_1:
0x12: {  	[tilespmem:s3], [sflag:$0x4] =	stream.linear.gather [hbm4b:s6+s3], $0x2800, $0x38;
	[tilespmem:$0x1DC00] =	vst v63  }
0x13: {  	_ =	swait.ge [sflag:s11], $0x2800  }
0x14: {  	[sflag:s11] =	ssyncset.done $0x0  }
0x15: {  	[sflag:s11] =	ssyncadd.s32 $0xFFFFD800  }
0x16: {  	[tilespmem:s12], [sflag:$0x4] =	stream.linear.gather [hbm4b:s7+s3], $0x2800, $0x38;
	[tilespmem:$0x1DC00] =	vst v63  }
0x17: {  	_ =	swait.ge [sflag:s11], $0x2800  }
0x18: {  	[sflag:s11] =	ssyncset.done $0x0  }
0x19: {  	p1 =	por $0x1, $0x1;
	s28 =	simm.s32 $0x0;
	[sflag:s11] =	ssyncadd.s32 $0xFFFFD800  }
.LBB2_2:
0x1a: {  	s30 =	simm.s32 $0x0  }
0x1b: {  	v1 =	vld [tilespmem:s30+$0x2860]  }
0x1c: {  	v5 =	vld [tilespmem:s30+$0x286D]  }
0x1d: {  	s29 =	smul.u32 $0x1400, s28;
	v6 =	vld [tilespmem:s30+$0x2800]  }
0x1e: {  	v7 =	vld [tilespmem:s30+$0x2810]  }
0x1f: {  	v4 =	vld [tilespmem:s30+$0x2820];
	v0 =	vmov s29  }
0x20: {  	v3 =	vld [tilespmem:s30+$0x2830];
	v2 =	vsub.s32 v1, v0  }
0x21: {  	v1 =	vld [tilespmem:s30+$0x2840];
	v5 =	vsub.s32 v5, v0;
	v8 =	vmin.u32 v2, $0x1400  }
0x22: {  	s29 =	simm.s32 $0x80;
	v6 =	vsub.s32 v6, v0;
	v2 =	vld [tilespmem:s30+$0x2850];
	[tilespmem:s30+$0x5060] =	vst v8;
	v8 =	vmin.u32 v5, $0x1400  }
0x23: {  	p0 =	por p1, p1;
	s31 =	simm.s32 $0x400;
	v7 =	vsub.s32 v7, v0;
	v6 =	vmin.u32 v6, $0x1400;
	v5 =	vld [tilespmem:s29+$0x2860];
	[tilespmem:s30+$0x506D] =	vst v8  }
.LBB2_3:
0x24: {  	p1 =	sne.s32 s31, $0x9E00;
	v8 =	vld [tilespmem:s29+$0x286D];
	[tilespmem:s30+$0x5000] =	vst v6;
	v6 =	vmin.u32 v7, $0x1400;
	v4 =	vsub.s32 v4, v0  }
0x25: {  	v7 =	vld [tilespmem:s29+$0x2800];
	[tilespmem:s30+$0x5010] =	vst v6;
	v4 =	vmin.u32 v4, $0x1400;
	v3 =	vsub.s32 v3, v0  }
0x26: {  	v9 =	vld [tilespmem:s29+$0x2810];
	[tilespmem:s30+$0x5020] =	vst v4;
	v3 =	vmin.u32 v3, $0x1400;
	v1 =	vsub.s32 v1, v0  }
.Ltmp0:
0x27: {  	v4 =	vld [tilespmem:s29+$0x2820];
	[tilespmem:s30+$0x5030] =	vst v3;
	v1 =	vmin.u32 v1, $0x1400;
	v2 =	vsub.s32 v2, v0;
	(pc) =	sbr.rel @p1 .LBB2_3-.Ltmp0, $4  }
0x28: {  	v3 =	vld [tilespmem:s29+$0x2830];
	v5 =	vsub.s32 v5, v0;
	[tilespmem:s30+$0x5040] =	vst v1;
	v2 =	vmin.u32 v2, $0x1400  }
0x29: {  	v1 =	vld [tilespmem:s29+$0x2840];
	v5 =	vmin.u32 v5, $0x1400;
	v6 =	vsub.s32 v8, v0;
	[tilespmem:s30+$0x5050] =	vst v2;
	s30 =	smov.u32 s29  }
0x2a: {  	s29 =	sshra.s32 s31, $0x2;
	v7 =	vsub.s32 v7, v0;
	v2 =	vld [tilespmem:s30+$0x2850];
	[tilespmem:s30+$0x5060] =	vst v5;
	v8 =	vmin.u32 v6, $0x1400  }
0x2b: {  	s31 =	sadd.s32 $0x200, s31;
	v5 =	vld [tilespmem:s29+$0x2860];
	v6 =	vmin.u32 v7, $0x1400;
	v7 =	vsub.s32 v9, v0;
	[tilespmem:s30+$0x506D] =	vst v8  }
0x2c: {  	v8 =	vld [tilespmem:s29+$0x286D];
	[tilespmem:s30+$0x5000] =	vst v6;
	v50 =	vmin.u32 v7, $0x1400;
	v4 =	vsub.s32 v4, v0  }
0x2d: {  	v51 =	vld [tilespmem:s29+$0x2800];
	[tilespmem:s30+$0x5010] =	vst v50;
	v4 =	vmin.u32 v4, $0x1400;
	v3 =	vsub.s32 v3, v0  }
0x2e: {  	v6 =	vld [tilespmem:s29+$0x2810];
	[tilespmem:s30+$0x5020] =	vst v4;
	v3 =	vmin.u32 v3, $0x1400;
	v1 =	vsub.s32 v1, v0  }
0x2f: {  	v4 =	vld [tilespmem:s29+$0x2820];
	[tilespmem:s30+$0x5030] =	vst v3;
	v1 =	vmin.u32 v1, $0x1400;
	v2 =	vsub.s32 v2, v0  }
0x30: {  	v3 =	vld [tilespmem:s29+$0x2830];
	[tilespmem:s30+$0x5040] =	vst v1;
	v52 =	vmin.u32 v2, $0x1400;
	v5 =	vsub.s32 v5, v0  }
0x31: {  	v53 =	vld [tilespmem:s29+$0x2840];
	[tilespmem:s30+$0x5050] =	vst v52;
	v54 =	vmin.u32 v5, $0x1400;
	v55 =	vsub.s32 v8, v0  }
0x32: {  	v56 =	vld [tilespmem:s29+$0x2850];
	v7 =	vsub.s32 v51, v0;
	[tilespmem:s29+$0x5060] =	vst v54;
	v57 =	vmin.u32 v55, $0x1400  }
0x33: {  	v58 =	vmin.u32 v7, $0x1400;
	v6 =	vsub.s32 v6, v0;
	[tilespmem:s29+$0x506D] =	vst v57  }
0x34: {  	[tilespmem:s29+$0x5000] =	vst v58;
	v59 =	vmin.u32 v6, $0x1400;
	v4 =	vsub.s32 v4, v0  }
0x35: {  	[tilespmem:s29+$0x5010] =	vst v59;
	v60 =	vmin.u32 v4, $0x1400;
	v3 =	vsub.s32 v3, v0  }
0x36: {  	[tilespmem:s29+$0x5020] =	vst v60;
	v61 =	vmin.u32 v3, $0x1400;
	v2 =	vsub.s32 v53, v0  }
0x37: {  	[tilespmem:s29+$0x5030] =	vst v61;
	v62 =	vmin.u32 v2, $0x1400;
	v63 =	vsub.s32 v56, v0  }
0x38: {  	[tilespmem:s29+$0x5040] =	vst v62;
	v0 =	vmin.u32 v63, $0x1400  }
0x39: {  	[tilespmem:s29+$0x5050] =	vst v0  }
0x3a: {  	[spmem:s14], [sflag:s13] =	dma.local [hbm:s8], $0x1480  }
0x3b: {  	_ =	swait.ge [sflag:s11], $0x1480  }
0x3c: {  	[sflag:s11] =	ssyncset.done $0x0  }
0x3d: {  	[sflag:s11] =	ssyncadd.s32 $0xFFFFEB80  }
0x3e: {  	s29 =	simm.s32 $0x0;
	[bflag:$0x0] =	sbarrier.arrive $0xFFFF  }
0x3f: {  	[tilespmem:s16], [sflag:$0x1] =	stream.indirect.gather [hbm4b:s5+s15], $0x80, s29, s15, $0xb8;
	[tilespmem:$0x1DC00] =	vst v63  }
0x40: {  	_ = 	snop  }
0x41: {  	[tilespmem:s18], [sflag:$0x2] =	stream.indirect.gather [hbm4b:s5+s15], $0x80, s17, s15, $0xb8;
	[tilespmem:$0x1DC00] =	vst v63  }
0x42: {  	_ = 	snop  }
0x43: {  	[tilespmem:s20], [sflag:$0x3] =	stream.indirect.gather [hbm4b:s5+s15], $0x80, s19, s15, $0xb8;
	[tilespmem:$0x1DC00] =	vst v63  }
0x44: {  	_ =	swait.ge [sflag:s21], $0x3E80  }
0x45: {  	[sflag:s21] =	ssyncset.done $0x0  }
0x46: {  	s29 =	simm.s32 $0x5000;
	[sflag:s21] =	ssyncadd.s32 $0xFFFFC180  }
0x47: {  	[spmem:s2] =	stream.indirect.scatter.add.f32 [tilespmem:s16], [sflag:$0x4], $0x80, s29, s15, $0xb8;
	[tilespmem:$0x1DC00] =	vst v63  }
0x48: {  	_ =	swait.ge [sflag:s11], $0x3E80  }
0x49: {  	[sflag:s11] =	ssyncset.done $0x0  }
0x4a: {  	s29 =	simm.s32 $0x180;
	[sflag:s11] =	ssyncadd.s32 $0xFFFFC180  }
0x4b: {  	[tilespmem:s16], [sflag:$0x1] =	stream.indirect.gather [hbm4b:s5+s15], $0x80, s29, s15, $0xb8;
	[tilespmem:$0x1DC00] =	vst v63  }
0x4c: {  	_ =	swait.ge [sflag:s22], $0x3E80  }
0x4d: {  	[sflag:s22] =	ssyncset.done $0x0  }
0x4e: {  	s29 =	simm.s32 $0x5080;
	[sflag:s22] =	ssyncadd.s32 $0xFFFFC180  }
0x4f: {  	[spmem:s2] =	stream.indirect.scatter.add.f32 [tilespmem:s18], [sflag:$0x4], $0x80, s29, s15, $0xb8;
	[tilespmem:$0x1DC00] =	vst v63  }
0x50: {  	_ =	swait.ge [sflag:s11], $0x3E80  }
0x51: {  	[sflag:s11] =	ssyncset.done $0x0  }
0x52: {  	s29 =	simm.s32 $0x200;
	[sflag:s11] =	ssyncadd.s32 $0xFFFFC180  }
0x53: {  	[tilespmem:s18], [sflag:$0x2] =	stream.indirect.gather [hbm4b:s5+s15], $0x80, s29, s15, $0xb8;
	[tilespmem:$0x1DC00] =	vst v63  }
0x54: {  	_ =	swait.ge [sflag:s23], $0x3E80  }
0x55: {  	[sflag:s23] =	ssyncset.done $0x0  }
0x56: {  	s29 =	simm.s32 $0x5100;
	[sflag:s23] =	ssyncadd.s32 $0xFFFFC180  }
0x57: {  	[spmem:s2] =	stream.indirect.scatter.add.f32 [tilespmem:s20], [sflag:$0x4], $0x80, s29, s15, $0xb8;
	[tilespmem:$0x1DC00] =	vst v63  }
0x58: {  	_ =	swait.ge [sflag:s11], $0x3E80  }
0x59: {  	[sflag:s11] =	ssyncset.done $0x0  }
0x5a: {  	s30 =	simm.s32 $0x280;
	s29 =	simm.s32 $0x600;
	[sflag:s11] =	ssyncadd.s32 $0xFFFFC180  }
.LBB2_5:
0x5b: {  	[tilespmem:s20], [sflag:$0x3] =	stream.indirect.gather [hbm4b:s5+s15], $0x80, s30, s15, $0xb8;
	[tilespmem:$0x1DC00] =	vst v63  }
0x5c: {  	s30 =	smov.u32 s29;
	s29 =	sadd.s32 $0x600, s29;
	_ =	swait.ge [sflag:s21], $0x3E80  }
0x5d: {  	s30 =	sshra.s32 s30, $0x2;
	p1 =	sne.s32 s29, $0x9600;
	[sflag:s21] =	ssyncset.done $0x0  }
0x5e: {  	s31 =	sadd.s32 $0x5000, s30;
	[sflag:s21] =	ssyncadd.s32 $0xFFFFC180  }
0x5f: {  	[spmem:s2] =	stream.indirect.scatter.add.f32 [tilespmem:s16], [sflag:$0x4], $0x80, s31, s15, $0xb8;
	[tilespmem:$0x1DC00] =	vst v63  }
0x60: {  	_ =	swait.ge [sflag:s11], $0x3E80  }
0x61: {  	[sflag:s11] =	ssyncset.done $0x0  }
0x62: {  	s31 =	sadd.s32 $0x180, s30;
	[sflag:s11] =	ssyncadd.s32 $0xFFFFC180  }
0x63: {  	[tilespmem:s16], [sflag:$0x1] =	stream.indirect.gather [hbm4b:s5+s15], $0x80, s31, s15, $0xb8;
	[tilespmem:$0x1DC00] =	vst v63  }
0x64: {  	_ =	swait.ge [sflag:s22], $0x3E80  }
0x65: {  	[sflag:s22] =	ssyncset.done $0x0  }
0x66: {  	s31 =	sadd.s32 $0x5080, s30;
	[sflag:s22] =	ssyncadd.s32 $0xFFFFC180  }
0x67: {  	[spmem:s2] =	stream.indirect.scatter.add.f32 [tilespmem:s18], [sflag:$0x4], $0x80, s31, s15, $0xb8;
	[tilespmem:$0x1DC00] =	vst v63  }
0x68: {  	_ =	swait.ge [sflag:s11], $0x3E80  }
0x69: {  	[sflag:s11] =	ssyncset.done $0x0  }
0x6a: {  	s31 =	sadd.s32 $0x200, s30;
	[sflag:s11] =	ssyncadd.s32 $0xFFFFC180  }
0x6b: {  	[tilespmem:s18], [sflag:$0x2] =	stream.indirect.gather [hbm4b:s5+s15], $0x80, s31, s15, $0xb8;
	[tilespmem:$0x1DC00] =	vst v63  }
0x6c: {  	_ =	swait.ge [sflag:s23], $0x3E80  }
0x6d: {  	[sflag:s23] =	ssyncset.done $0x0  }
.Ltmp1:
0x6e: {  	s31 =	sadd.s32 $0x5100, s30;
	[sflag:s23] =	ssyncadd.s32 $0xFFFFC180;
	(pc) =	sbr.rel @p1 .LBB2_5-.Ltmp1, $4  }
0x6f: {  	[spmem:s2] =	stream.indirect.scatter.add.f32 [tilespmem:s20], [sflag:$0x4], $0x80, s31, s15, $0xb8;
	[tilespmem:$0x1DC00] =	vst v63  }
0x70: {  	_ =	swait.ge [sflag:s11], $0x3E80  }
0x71: {  	[sflag:s11] =	ssyncset.done $0x0  }
0x72: {  	s30 =	sadd.s32 $0x280, s30;
	[sflag:s11] =	ssyncadd.s32 $0xFFFFC180  }
0x73: {  	[tilespmem:s20], [sflag:$0x3] =	stream.indirect.gather [hbm4b:s5+s15], $0x80, s30, s15, $0xb8;
	[tilespmem:$0x1DC00] =	vst v63  }
0x74: {  	s30 =	simm.s32 $0x1  }
0x75: {  	_ =	swait.ge [sflag:s30], $0x3E80  }
0x76: {  	s29 =	sshra.s32 s29, $0x2;
	[sflag:s30] =	ssyncset.done $0x0  }
0x77: {  	s31 =	sadd.s32 $0x5000, s29;
	[sflag:s30] =	ssyncadd.s32 $0xFFFFC180  }
0x78: {  	[spmem:s2] =	stream.indirect.scatter.add.f32 [tilespmem:s16], [sflag:$0x4], $0x80, s31, s15, $0xb8;
	[tilespmem:$0x1DC00] =	vst v63  }
0x79: {  	_ =	swait.ge [sflag:s11], $0x3E80  }
0x7a: {  	[sflag:s11] =	ssyncset.done $0x0  }
0x7b: {  	s31 =	sadd.s32 $0x180, s29;
	[sflag:s11] =	ssyncadd.s32 $0xFFFFC180  }
0x7c: {  	[tilespmem:s16], [sflag:$0x1] =	stream.indirect.gather [hbm4b:s5+s15], $0x80, s31, s15, $0xb8;
	[tilespmem:$0x1DC00] =	vst v63  }
0x7d: {  	_ =	swait.ge [sflag:s22], $0x3E80  }
0x7e: {  	[sflag:s22] =	ssyncset.done $0x0  }
0x7f: {  	s31 =	sadd.s32 $0x5080, s29;
	[sflag:s22] =	ssyncadd.s32 $0xFFFFC180  }
0x80: {  	[spmem:s2] =	stream.indirect.scatter.add.f32 [tilespmem:s18], [sflag:$0x4], $0x80, s31, s15, $0xb8;
	[tilespmem:$0x1DC00] =	vst v63  }
0x81: {  	_ =	swait.ge [sflag:s11], $0x3E80  }
0x82: {  	[sflag:s11] =	ssyncset.done $0x0  }
0x83: {  	s31 =	sadd.s32 $0x200, s29;
	[sflag:s11] =	ssyncadd.s32 $0xFFFFC180  }
0x84: {  	[tilespmem:s18], [sflag:$0x2] =	stream.indirect.gather [hbm4b:s5+s15], $0x80, s31, s15, $0xb8;
	[tilespmem:$0x1DC00] =	vst v63  }
0x85: {  	_ =	swait.ge [sflag:s23], $0x3E80  }
0x86: {  	[sflag:s23] =	ssyncset.done $0x0  }
0x87: {  	s29 =	sadd.s32 $0x5100, s29;
	[sflag:s23] =	ssyncadd.s32 $0xFFFFC180  }
0x88: {  	[spmem:s2] =	stream.indirect.scatter.add.f32 [tilespmem:s20], [sflag:$0x4], $0x80, s29, s15, $0xb8;
	[tilespmem:$0x1DC00] =	vst v63  }
0x89: {  	_ =	swait.ge [sflag:s11], $0x3E80  }
0x8a: {  	[sflag:s11] =	ssyncset.done $0x0  }
0x8b: {  	[sflag:s11] =	ssyncadd.s32 $0xFFFFC180  }
0x8c: {  	_ =	swait.ge [sflag:s30], $0x3E80  }
0x8d: {  	[sflag:s30] =	ssyncset.done $0x0  }
0x8e: {  	[sflag:s30] =	ssyncadd.s32 $0xFFFFC180  }
0x8f: {  	[spmem:s2] =	stream.indirect.scatter.add.f32 [tilespmem:s16], [sflag:$0x4], $0x80, s24, s15, $0xb8;
	[tilespmem:$0x1DC00] =	vst v63  }
0x90: {  	_ =	swait.ge [sflag:s11], $0x3E80  }
0x91: {  	[sflag:s11] =	ssyncset.done $0x0  }
0x92: {  	[sflag:s11] =	ssyncadd.s32 $0xFFFFC180  }
0x93: {  	_ =	swait.ge [sflag:s22], $0x3E80  }
0x94: {  	[sflag:s22] =	ssyncset.done $0x0  }
0x95: {  	[sflag:s22] =	ssyncadd.s32 $0xFFFFC180  }
0x96: {  	[spmem:s2] =	stream.indirect.scatter.add.f32 [tilespmem:s18], [sflag:$0x4], $0x80, s25, s15, $0xb8;
	[tilespmem:$0x1DC00] =	vst v63  }
0x97: {  	s28 =	smul.u32 $0x14800, s28;
	_ =	swait.ge [sflag:s11], $0x3E80  }
0x98: {  	[sflag:s11] =	ssyncset.done $0x0  }
0x99: {  	s28 =	sadd.s32 s28, s9;
	[sflag:s11] =	ssyncadd.s32 $0xFFFFC180  }
.Ltmp2:
0x9a: {  	s28 =	sadd.s32 s4, s28;
	[bflag:$0x0] =	sbarrier.arrive $0xFFFF;
	(pc) =	sbr.rel @p0 .LBB2_2-.Ltmp2, $4  }
0x9b: {  	[hbm:s28], [sflag:s13] =	dma.local [spmem:s14], $0x1480  }
0x9c: {  	_ =	swait.ge [sflag:s11], $0x1480  }
0x9d: {  	[sflag:s11] =	ssyncset.done $0x0  }
0x9e: {  	p1 =	por $0x0, $0x0;
	s28 =	simm.s32 $0x1;
	[sflag:s11] =	ssyncadd.s32 $0xFFFFEB80  }
0x9f: {  	s26 =	sadd.s32 $0x1, s26  }
0xa0: {  	p0 =	sne.s32 s26, s10  }
.Ltmp3:
0xa1: {  	_ = 	snop;
	(pc) =	sbr.rel @p0 .LBB2_1-.Ltmp3, $1  }
0xa2: {  	_ =	sdelay $0x3  }
0xa3: {  	_ =	sfence.sel $0x180000  }
0xa4: {  	[bflag:$0x0] =	sbarrier.arrive $0xFFFF  }
0xa5: {  	p0 =	sne.s32 s0, $0x0;
	_ =	strace $0x9000004A  }
0xa6: {  	s0 =	sadd.s32 @!p0 $0x100000, s1;
	[bflag:$0x2] =	sbarrier.arrive $0xFFFF  }
0xa7: {  	[sflag:s0] =	ssyncadd.tile.s32 @!p0 $0x1;
	_ =	shalt  }
.Lfunc_end2:
_tile_overlayer_lowered:
.L_overlay_start_2:
0xa8: {  	(tag) =	ssettag $0x2  }
0xa9: {  	s0 =	rddreg [dreg:$0x0];
	s2 =	stileid.u32  }
0xaa: {  	s1 =	rddreg [dreg:$0x1];
	p0 =	sne.s32 s2, $0x0  }
0xab: {  	s3 =	rddreg [dreg:$0x2];
	[bflag:$0x3] =	sbarrier.arrive $0xFFFF;
	s2 =	simm.s32 @!p0 $0x1C04  }
0xac: {  	[timem:s3], [sflag:s2] =	dma.local @!p0 [hbm:s0], s1  }
0xad: {  	s0 =	simm.s32 @!p0 $0x4  }
0xae: {  	_ =	swait.ge @!p0 [sflag:s0], s1  }
0xaf: {  	s1 =	ssub.s32 @!p0 $0x0, s1;
	[sflag:s0] =	ssyncset.done @!p0 $0x0  }
0xb0: {  	[sflag:s0] =	ssyncadd.s32 @!p0 s1  }
0xb1: {  	[bflag:$0x3] =	sbarrier.arrive $0xFFFF  }
0xb2: {  	_ =	shalt  }

// kernel: kernel.4.cloned.1.call-start
scs
__scs_entry_jumppad:
0x0: {  	(pc) =	sbr.rel $0x88, $3  }
0x1: {  	(tag) =	ssettag $0x0;
	lr =	simm.s32 $0x1  }
0x2: {  	[smem:$0x3F9F] =	sst lr;
	_ =	strace $0xD0000000  }
0x3: {  	_ = 	snop  }
0x4: {  	_ = 	snop  }
0x5: {  	_ = 	snop  }
0x6: {  	_ = 	snop  }
0x7: {  	_ = 	snop  }
__scs_overlays_trampoline_lowered:
0x8: {  	[smem:$0x3FAE] =	sst s0  }
0x9: {  	[smem:$0x3FAF] =	sst s1  }
0xa: {  	[smem:$0x3FB0] =	sst s2  }
0xb: {  	[smem:$0x3FB1] =	sst s3  }
0xc: {  	[smem:$0x3FB2] =	sst s4  }
0xd: {  	[smem:$0x3FB3] =	sst s5  }
0xe: {  	[smem:$0x3FB4] =	sst s6  }
0xf: {  	[smem:$0x3FB5] =	sst s7  }
0x10: {  	[smem:$0x3FB6] =	sst s8  }
0x11: {  	[smem:$0x3FB7] =	sst s9;
	s0 =	simm.s32 @!p0 $0x0  }
0x12: {  	s1 =	sld [smem:$0x3F9D];
	s0 =	simm.s32 @p0 $0x1  }
0x13: {  	[smem:$0x3FB8] =	sst s0;
	s0 =	simm.s32 @!p1 $0x0  }
0x14: {  	s2 =	sld [smem:$0x3F9C];
	s0 =	simm.s32 @p1 $0x1  }
0x15: {  	[smem:$0x3FB9] =	sst s0;
	s0 =	simm.s32 @!p2 $0x0  }
0x16: {  	s3 =	sld [smem:$0x3FDB];
	s0 =	simm.s32 @p2 $0x1  }
0x17: {  	s4 =	simm.s32 $0x1BF5;
	[smem:$0x3FBB] =	sst s0  }
0x18: {  	s0 =	sld [smem:$0x3F9E];
	_ =	swait.ge [sflag:s4], $0x0  }
0x19: {  	s7 =	sld [smem:$0x3F9F]  }
0x1a: {  	s8 =	sadd.s32 $0xFFFFE003, lr  }
0x1b: {  	s9 =	sadd.s32 $0xFFFFFEF7, lr;
	s5 =	simm.s32 $0xFFFFFFFF;
	p2 =	slt.u32 s8, $0xFFFFF086  }
0x1c: {  	p1 =	slt.u32 s9, $0xF7A;
	s5 =	simm.s32 @!p2 $0x0  }
0x1d: {  	s5 =	simm.s32 @p1 $0x1;
	p0 =	seq.s32 s7, s2  }
0x1e: {  	s7 =	smul.u32 @!p0 $0xF7A, s2;
	p2 =	seq.s32 @!p0 s5, $0x0  }
0x1f: {  	s9 =	smul.u32 $0xF7A, s1;
	s8 =	simm.s32 @!p0 $0x1BF5;
	p2 =	por !p2, p0  }
0x20: {  	[sflag:s8] =	ssyncset.s32 @!p0 $0xFFFFF086;
	s6 =	sadd.s32 @!p0 s3, s7;
	s7 =	simm.s32 @!p0 $0x108  }
0x21: {  	s3 =	sadd.s32 s3, s9;
	s6 =	sadd.s32 @!p0 $0x88, s6;
	s7 =	simm.s32 @p2 $0x1082  }
0x22: {  	[simem:s7], [sflag:s8] =	dma.local @!p0 [hbm:s6], $0xF7A  }
0x23: {  	s9 =	sor.u32 $0xD0000000, s2;
	s6 =	simm.s32 $0x108;
	_ =	swait.ge @!p0 [sflag:s8], $0x0  }
0x24: {  	s3 =	sadd.s32 $0x88, s3;
	s6 =	simm.s32 @!p1 $0x1082;
	[sflag:s4] =	ssyncset.s32 $0xFFFFF086  }
0x25: {  	[simem:s6], [sflag:s4] =	dma.local [hbm:s3], $0xF7A  }
0x26: {  	[smem:$0x3F9F] =	sst s1;
	(tag) =	ssettag s2;
	_ =	strace s9  }
0x27: {  	s1 =	sld [smem:$0x3FAF]  }
0x28: {  	s2 =	sld [smem:$0x3FB0]  }
0x29: {  	s4 =	sld [smem:$0x3FB2]  }
0x2a: {  	p0 =	seq.s32 s5, $0x0;
	s5 =	sld [smem:$0x3FB3]  }
0x2b: {  	s6 =	sld [smem:$0x3FB4]  }
0x2c: {  	s7 =	sld [smem:$0x3FB5]  }
0x2d: {  	s3 =	simm.s32 $0x108;
	s8 =	sld [smem:$0x3FB6]  }
0x2e: {  	s3 =	simm.s32 @!p0 $0x1082;
	s9 =	sld [smem:$0x3FB7]  }
0x2f: {  	lr =	sadd.s32 s0, s3;
	s0 =	sld [smem:$0x3FAE]  }
0x30: {  	s3 =	sld [smem:$0x3FB1]  }
0x31: {  	[smem:$0x3FBA] =	sst s10  }
0x32: {  	s10 =	sld [smem:$0x3FB8];
	_ =	sdelay $0x3  }
0x33: {  	p0 =	seq.s32 s10, $0x1;
	s10 =	sld [smem:$0x3FBA];
	_ =	sdelay $0x3  }
0x34: {  	[smem:$0x3FBA] =	sst s10  }
0x35: {  	s10 =	sld [smem:$0x3FB9];
	_ =	sdelay $0x3  }
0x36: {  	p1 =	seq.s32 s10, $0x1;
	s10 =	sld [smem:$0x3FBA];
	_ =	sdelay $0x3  }
0x37: {  	[smem:$0x3FBA] =	sst s10  }
0x38: {  	s10 =	sld [smem:$0x3FBB]  }
0x39: {  	_ = 	snop;
	(pc) =	sbr.ind lr, $3  }
0x3a: {  	_ = 	snop  }
0x3b: {  	_ = 	snop  }
0x3c: {  	p2 =	seq.s32 s10, $0x1;
	s10 =	sld [smem:$0x3FBA]  }
0x3d: {  	_ =	shalt  }
0x3e: {  	_ =	shalt  }
0x3f: {  	_ =	shalt  }
0x40: {  	_ =	shalt  }
0x41: {  	_ =	shalt  }
0x42: {  	_ =	shalt  }
0x43: {  	_ =	shalt  }
0x44: {  	_ =	shalt  }
0x45: {  	_ =	shalt  }
0x46: {  	_ =	shalt  }
0x47: {  	_ =	shalt  }
0x48: {  	_ =	shalt  }
0x49: {  	_ =	shalt  }
0x4a: {  	_ =	shalt  }
0x4b: {  	_ =	shalt  }
0x4c: {  	_ =	shalt  }
0x4d: {  	_ =	shalt  }
0x4e: {  	_ =	shalt  }
0x4f: {  	_ =	shalt  }
0x50: {  	_ =	shalt  }
0x51: {  	_ =	shalt  }
0x52: {  	_ =	shalt  }
0x53: {  	_ =	shalt  }
0x54: {  	_ =	shalt  }
0x55: {  	_ =	shalt  }
0x56: {  	_ =	shalt  }
0x57: {  	_ =	shalt  }
0x58: {  	_ =	shalt  }
0x59: {  	_ =	shalt  }
0x5a: {  	_ =	shalt  }
0x5b: {  	_ =	shalt  }
0x5c: {  	_ =	shalt  }
0x5d: {  	_ =	shalt  }
0x5e: {  	_ =	shalt  }
0x5f: {  	_ =	shalt  }
0x60: {  	_ =	shalt  }
0x61: {  	_ =	shalt  }
0x62: {  	_ =	shalt  }
0x63: {  	_ =	shalt  }
0x64: {  	_ =	shalt  }
0x65: {  	_ =	shalt  }
0x66: {  	_ =	shalt  }
0x67: {  	_ =	shalt  }
0x68: {  	_ =	shalt  }
0x69: {  	_ =	shalt  }
0x6a: {  	_ =	shalt  }
0x6b: {  	_ =	shalt  }
0x6c: {  	_ =	shalt  }
0x6d: {  	_ =	shalt  }
0x6e: {  	_ =	shalt  }
0x6f: {  	_ =	shalt  }
0x70: {  	_ =	shalt  }
0x71: {  	_ =	shalt  }
0x72: {  	_ =	shalt  }
0x73: {  	_ =	shalt  }
0x74: {  	_ =	shalt  }
0x75: {  	_ =	shalt  }
0x76: {  	_ =	shalt  }
0x77: {  	_ =	shalt  }
0x78: {  	_ =	shalt  }
0x79: {  	_ =	shalt  }
0x7a: {  	_ =	shalt  }
0x7b: {  	_ =	shalt  }
0x7c: {  	_ =	shalt  }
0x7d: {  	_ =	shalt  }
0x7e: {  	_ =	shalt  }
0x7f: {  	_ =	shalt  }
0x80: {  	_ =	shalt  }
0x81: {  	_ =	shalt  }
0x82: {  	_ =	shalt  }
0x83: {  	_ =	shalt  }
0x84: {  	_ =	shalt  }
0x85: {  	_ =	shalt  }
0x86: {  	_ =	shalt  }
0x87: {  	_ =	shalt  }
.Lfunc_end0:
.L_simem_size_0:
called_computation.1_lowered:
.L_overlay_start_0:
0x88: {  	s2 =	sld [smem:$0x3FD9]  }
0x89: {  	s3 =	sld [smem:$0x3FFE];
	_ =	sdelay $0x1  }
0x8a: {  	s1 =	srdreg.scid  }
0x8b: {  	s0 =	sand.u32 $0x1, s1  }
0x8c: {  	s17 =	sshll.u32 s0, $0xA;
	s2 =	sadd.s32 s3, s2  }
0x8d: {  	s2 =	sadd.s32 s2, s17  }
0x8e: {  	[smem:$0x3FC6] =	sst s2  }
0x8f: {  	_ = 	snop  }
0x90: {  	s2 =	sld [smem:$0x3FD0];
	(tm) =	ssettm $0x1  }
0x91: {  	s18 =	sld [smem:$0x3FFB];
	_ =	sdelay $0x3  }
0x92: {  	_ =	strace s18  }
0x93: {  	s3 =	sld [smem:$0x3FFC];
	_ =	sdelay $0x3  }
0x94: {  	_ =	strace s3  }
0x95: {  	s3 =	sld [smem:$0x3FFD];
	_ =	sdelay $0x3  }
0x96: {  	_ =	strace s3  }
0x97: {  	_ =	strace $0x8FFFFFFF  }
0x98: {  	s19 =	sld [smem:$0x3FDB];
	_ =	sdelay $0x1  }
0x99: {  	s4 =	simm.s32 $_scs_section_size  }
0x9a: {  	s5 =	simm.s32 $_size__tile_overlayer_lowered;
	s6 =	simm.s32 $_tile_overlayer_lowered  }
0x9b: {  	s22 =	simm.s32 $0x1BFF;
	s21 =	sshll.u32 s6, $0x1;
	s3 =	sadd.s32 s4, s19  }
0x9c: {  	s7 =	simm.s32 $0x0;
	s20 =	sshll.u32 s5, $0x1;
	s5 =	sadd.s32 s21, s3  }
0x9d: {  	[timem:s7], [sflag:s22] =	dma.local [hbm:s5], s20  }
0x9e: {  	_ =	swait.ge [sflag:s22], s20  }
0x9f: {  	s4 =	ssub.s32 $0x0, s20;
	[sflag:s22] =	ssyncset.done $0x0  }
0xa0: {  	[sflag:s22] =	ssyncadd.s32 s4;
	_ =	sdelay $0x1  }
0xa1: {  	s23 =	simm.s32 $0x1B8B  }
0xa2: {  	_ =	swait.ge [sflag:s23], $0x1  }
0xa3: {  	[sflag:s23] =	ssyncset.done $0x0  }
0xa4: {  	s25 =	simm.s32 $0x1B8E;
	s24 =	sld [smem:$0x3FFE];
	[sflag:s23] =	ssyncadd.s32 $0xFFFFFFFF  }
0xa5: {  	s26 =	simm.s32 $execute0_lowered;
	[smem:$0x3FD2] =	sst s25  }
0xa6: {  	s5 =	sshll.u32 s26, $0x1;
	_ =	strace $0x80000046;
	[dreg:$0x1] =	wrdreg $0xFFFFFFFF  }
0xa7: {  	s28 =	simm.s32 $_size_execute0_lowered;
	s3 =	sadd.s32 s3, s5;
	[dreg:$0x0] =	wrdreg $0x0  }
0xa8: {  	s5 =	sshll.u32 s28, $0x1;
	[dreg:$0x2] =	wrdreg s3  }
0xa9: {  	[dreg:$0x3] =	wrdreg s5  }
0xaa: {  	[dreg:$0x4] =	wrdreg $0xC0  }
0xab: {  	_ =	task [dreg:s7], $0x5FFFF  }
0xac: {  	[dreg:$0x1] =	wrdreg $0xFFFFFFFF  }
0xad: {  	[dreg:$0x0] =	wrdreg $0x60  }
0xae: {  	[dreg:$0x2] =	wrdreg s2  }
0xaf: {  	[dreg:$0x3] =	wrdreg s24  }
0xb0: {  	[dreg:$0x4] =	wrdreg $0xB8000  }
0xb1: {  	[dreg:$0x5] =	wrdreg $0x9  }
0xb2: {  	_ =	task.clear_ibuf [dreg:s7], $0x6FFFF;
	_ =	strace $0x90000046  }
0xb3: {  	s29 =	simm.s32 $0x9;
	_ =	strace $0x80000048  }
0xb4: {  	_ =	swait.ge [sflag:s29], $0x1  }
0xb5: {  	[sflag:s29] =	ssyncadd.s32 $0xFFFFFFFF  }
0xb6: {  	_ =	strace $0x90000048  }
0xb7: {  	_ =	sfence  }
0xb8: {  	s30 =	sld [smem:$0x0];
	_ =	sdelay $0x2  }
0xb9: {  	s31 =	sshll.u32 s1, $0xD;
	s1 =	sshrl.u32 s1, $0x2  }
0xba: {  	s3 =	sand.u32 $0x4000, s31;
	s1 =	sadd.s32 s1, s30  }
0xbb: {  	s0 =	sor.u32 s3, s0;
	s1 =	sshll.u32 s1, $0x11  }
0xbc: {  	s0 =	sor.u32 s1, s0  }
0xbd: {  	s0 =	sadd.s32 $0x8F2B, s0  }
0xbe: {  	[sflag:s0] =	ssyncadd.remote.s32 $0x1  }
0xbf: {  	_ =	sfence.sel $0xFFFF  }
0xc0: {  	[dreg:$0x0] =	wrdreg $0xFFFFFFFF;
	(pc) =	sbr.abs _section_cstart, $3  }
0xc1: {  	[dreg:$0x1] =	wrdreg $0xFFFFFFFF  }
0xc2: {  	_ =	task.clear_ibuf [dreg:s7], $0x2FFFF;
	_ =	strace $0x9FFFFFFF  }
0xc3: {  	(tm) =	ssettm $0x7FFFFFFF  }
tec
execute0_lowered:
.L_overlay_start_1:
0x0: {  	(tag) =	ssettag $0x1  }
0x1: {  	s5 =	rddreg [dreg:$0x0]  }
0x2: {  	s6 =	rddreg [dreg:$0x1]  }
0x3: {  	s2 =	rddreg [dreg:$0x2]  }
0x4: {  	s0 =	rddreg [dreg:$0x3];
	s3 =	simm.s32 $0x0;
	s1 =	stileid.u32  }
0x5: {  	s4 =	srdreg.scid;
	s12 =	simm.s32 $0x7D;
	s13 =	simm.s32 $0x2800  }
0x6: {  	s14 =	simm.s32 $0x2880;
	s15 =	simm.s32 $0x2900;
	s16 =	simm.s32 $0x2980  }
0x7: {  	s17 =	simm.s32 $0x1;
	s18 =	simm.s32 $0x2;
	s19 =	simm.s32 $0x3  }
0x8: {  	s20 =	simm.s32 $0x4;
	s23 =	simm.s32 $0x5080;
	s24 =	simm.s32 $0x5100  }
0x9: {  	s25 =	simm.s32 $0x5180;
	s26 =	simm.s32 $0x0;
	s21 =	smul.u32 $0x1480, s1  }
0xa: {  	s4 =	sand.u32 $0x1, s4;
	s7 =	sshll.u32 s1, $0x1;
	s11 =	smul.u32 $0x29000, s1  }
0xb: {  	[smem:$0x7FF] =	sst s3;
	s31 =	sshll.u32 s1, $0x6;
	s8 =	smul.u32 $0x29000, s4  }
0xc: {  	s7 =	sor.u32 s4, s7;
	_ =	strace $0x80000047;
	s10 =	ssub.s32 $0x2, s4  }
0xd: {  	s4 =	sadd.s32 $0x1800, s6;
	s7 =	smul.u32 $0x500, s7;
	s9 =	sadd.s32 s21, s6  }
0xe: {  	s29 =	sshrl.u32 s10, $0x1;
	s30 =	sshrl.u32 s11, $0x2;
	s8 =	sadd.s32 s8, s6  }
0xf: {  	s10 =	ssub.s32 s10, s29;
	s11 =	sadd.s32 s30, s2;
	s6 =	sadd.s32 $0x2000, s9  }
0x10: {  	s9 =	simm.s32 $0x7800;
	s5 =	sadd.s32 s5, s7;
	s22 =	sadd.s32 $0x2A000, s8  }
0x11: {  	s7 =	smax.u32 s10, $0x1;
	s8 =	simm.s32 $0x5;
	s10 =	sor.u32 $0x1C05, s31  }
0x12: {  	s11 =	sshrl.u32 s11, $0x3;
	s21 =	sadd.s32 s21, s22;
	s22 =	simm.s32 $0x5000  }
.LBB2_1:
0x13: {  	[tilespmem:s3], [sflag:$0x5] =	stream.linear.gather [hbm4b:s5+s3], $0x2800, $0x38;
	[tilespmem:$0x15C00] =	vst v63  }
0x14: {  	_ =	swait.ge [sflag:s8], $0x2800  }
0x15: {  	[sflag:s8] =	ssyncset.done $0x0  }
0x16: {  	[sflag:s8] =	ssyncadd.s32 $0xFFFFD800  }
0x17: {  	[tilespmem:s9], [sflag:$0x5] =	stream.linear.gather [hbm4b:s4+s3], $0x3E80, $0x38;
	[tilespmem:$0x15C00] =	vst v63  }
0x18: {  	_ =	swait.ge [sflag:s8], $0x3E80  }
0x19: {  	[sflag:s8] =	ssyncset.done $0x0  }
0x1a: {  	s28 =	simm.s32 $0x0;
	[sflag:s8] =	ssyncadd.s32 $0xFFFFC180  }
0x1b: {  	v0 =	vld [tilespmem:s28+$0x60]  }
0x1c: {  	v1 =	vld [tilespmem:s28+$0x6D]  }
0x1d: {  	v2 =	vld [tilespmem:s28+$0x60]  }
0x1e: {  	v3 =	vld [tilespmem:s28+$0x6D]  }
0x1f: {  	v4 =	vld [tilespmem:s28+$0x0]  }
0x20: {  	v5 =	vld [tilespmem:s28+$0x10];
	v0 =	vmin.u32 v0, $0x1400  }
0x21: {  	v6 =	vld [tilespmem:s28+$0x20];
	[tilespmem:s28+$0x2860] =	vst v0;
	v0 =	vmin.u32 v1, $0x1400  }
0x22: {  	v1 =	vld [tilespmem:s28+$0x30];
	[tilespmem:s28+$0x286D] =	vst v0;
	v0 =	vadd.s32 $0xFFFFEC00, v2  }
0x23: {  	v3 =	vadd.s32 $0xFFFFEC00, v3;
	v2 =	vld [tilespmem:s28+$0x40];
	v0 =	vmin.u32 v0, $0x1400  }
0x24: {  	v7 =	vld [tilespmem:s28+$0x50];
	[tilespmem:s28+$0x5060] =	vst v0;
	v0 =	vmin.u32 v3, $0x1400;
	v3 =	vadd.s32 $0xFFFFEC00, v4  }
0x25: {  	[tilespmem:s28+$0x506D] =	vst v0;
	v0 =	vmin.u32 v3, $0x1400;
	v3 =	vadd.s32 $0xFFFFEC00, v5  }
0x26: {  	v8 =	vld [tilespmem:s28+$0x30];
	[tilespmem:s28+$0x5000] =	vst v0;
	v0 =	vmin.u32 v3, $0x1400;
	v3 =	vadd.s32 $0xFFFFEC00, v6  }
0x27: {  	v10 =	vld [tilespmem:s28+$0x50];
	v1 =	vadd.s32 $0xFFFFEC00, v1;
	[tilespmem:s28+$0x5010] =	vst v0;
	v0 =	vmin.u32 v3, $0x1400  }
0x28: {  	v9 =	vld [tilespmem:s28+$0x40];
	[tilespmem:s28+$0x5020] =	vst v0;
	v0 =	vmin.u32 v1, $0x1400;
	v1 =	vadd.s32 $0xFFFFEC00, v2  }
0x29: {  	[tilespmem:s28+$0x5030] =	vst v0;
	v0 =	vmin.u32 v1, $0x1400;
	v1 =	vadd.s32 $0xFFFFEC00, v7  }
0x2a: {  	s29 =	simm.s32 $0x80;
	[tilespmem:s28+$0x5040] =	vst v0;
	v0 =	vmin.u32 v1, $0x1400  }
0x2b: {  	v2 =	vld [tilespmem:s29+$0x60];
	[tilespmem:s28+$0x5050] =	vst v0;
	v0 =	vmin.u32 v4, $0x1400  }
0x2c: {  	v7 =	vmin.u32 v5, $0x1400;
	v5 =	vmin.u32 v10, $0x1400;
	v1 =	vld [tilespmem:s29+$0x6D];
	[tilespmem:s28+$0x2800] =	vst v0  }
0x2d: {  	s30 =	simm.s32 $0x400;
	v4 =	vmin.u32 v8, $0x1400;
	v0 =	vmin.u32 v6, $0x1400;
	v6 =	vmin.u32 v9, $0x1400;
	v3 =	vld [tilespmem:s29+$0x60];
	[tilespmem:s28+$0x2810] =	vst v7  }
.LBB2_2:
0x2e: {  	p0 =	sne.s32 s30, $0x9E00;
	v7 =	vld [tilespmem:s29+$0x6D];
	[tilespmem:s28+$0x2820] =	vst v0  }
0x2f: {  	v0 =	vld [tilespmem:s29+$0x0];
	[tilespmem:s28+$0x2830] =	vst v4  }
0x30: {  	v4 =	vld [tilespmem:s29+$0x10];
	[tilespmem:s28+$0x2840] =	vst v6  }
0x31: {  	v2 =	vmin.u32 v2, $0x1400;
	v6 =	vld [tilespmem:s29+$0x20];
	[tilespmem:s28+$0x2850] =	vst v5;
	s28 =	smov.u32 s29  }
0x32: {  	v1 =	vmin.u32 v1, $0x1400;
	[tilespmem:s28+$0x2860] =	vst v2;
	v2 =	vld [tilespmem:s28+$0x30];
	v3 =	vadd.s32 $0xFFFFEC00, v3  }
0x33: {  	[tilespmem:s28+$0x286D] =	vst v1;
	v1 =	vld [tilespmem:s28+$0x40];
	v3 =	vmin.u32 v3, $0x1400;
	v5 =	vadd.s32 $0xFFFFEC00, v7  }
0x34: {  	v7 =	vmin.u32 v0, $0x1400;
	v0 =	vadd.s32 $0xFFFFEC00, v0;
	v8 =	vld [tilespmem:s28+$0x50];
	[tilespmem:s28+$0x5060] =	vst v3;
	v3 =	vmin.u32 v5, $0x1400  }
0x35: {  	v9 =	vmin.u32 v4, $0x1400;
	v5 =	vld [tilespmem:s28+$0x30];
	v10 =	vmin.u32 v0, $0x1400;
	v4 =	vadd.s32 $0xFFFFEC00, v4;
	[tilespmem:s28+$0x506D] =	vst v3  }
0x36: {  	v0 =	vmin.u32 v6, $0x1400;
	v3 =	vld [tilespmem:s28+$0x40];
	[tilespmem:s28+$0x5000] =	vst v10;
	v4 =	vmin.u32 v4, $0x1400;
	v6 =	vadd.s32 $0xFFFFEC00, v6  }
0x37: {  	v10 =	vld [tilespmem:s28+$0x50];
	[tilespmem:s28+$0x5010] =	vst v4;
	v4 =	vmin.u32 v6, $0x1400;
	v2 =	vadd.s32 $0xFFFFEC00, v2  }
0x38: {  	[tilespmem:s28+$0x5020] =	vst v4;
	v2 =	vmin.u32 v2, $0x1400;
	v1 =	vadd.s32 $0xFFFFEC00, v1  }
.Ltmp0:
0x39: {  	[tilespmem:s28+$0x5030] =	vst v2;
	v1 =	vmin.u32 v1, $0x1400;
	v2 =	vadd.s32 $0xFFFFEC00, v8;
	(pc) =	sbr.rel @p0 .LBB2_2-.Ltmp0, $4  }
0x3a: {  	s29 =	sshra.s32 s30, $0x2;
	v4 =	vmin.u32 v5, $0x1400;
	[tilespmem:s28+$0x5040] =	vst v1;
	v1 =	vmin.u32 v2, $0x1400  }
0x3b: {  	v2 =	vld [tilespmem:s29+$0x60];
	v6 =	vmin.u32 v3, $0x1400;
	[tilespmem:s28+$0x5050] =	vst v1  }
0x3c: {  	v1 =	vld [tilespmem:s29+$0x6D];
	[tilespmem:s28+$0x2800] =	vst v7;
	v5 =	vmin.u32 v10, $0x1400  }
0x3d: {  	s30 =	sadd.s32 $0x200, s30;
	v3 =	vld [tilespmem:s29+$0x60];
	[tilespmem:s28+$0x2810] =	vst v9  }
0x3e: {  	v7 =	vld [tilespmem:s29+$0x6D];
	[tilespmem:s28+$0x2820] =	vst v0  }
0x3f: {  	v0 =	vld [tilespmem:s29+$0x0];
	[tilespmem:s28+$0x2830] =	vst v4  }
0x40: {  	v4 =	vld [tilespmem:s29+$0x10];
	[tilespmem:s28+$0x2840] =	vst v6  }
0x41: {  	v2 =	vmin.u32 v2, $0x1400;
	v6 =	vld [tilespmem:s29+$0x20];
	[tilespmem:s28+$0x2850] =	vst v5  }
0x42: {  	v1 =	vmin.u32 v1, $0x1400;
	[tilespmem:s29+$0x2860] =	vst v2;
	v45 =	vadd.s32 $0xFFFFEC00, v3  }
0x43: {  	[tilespmem:s29+$0x286D] =	vst v1;
	v1 =	vmin.u32 v45, $0x1400;
	v7 =	vadd.s32 $0xFFFFEC00, v7  }
0x44: {  	[tilespmem:s29+$0x5060] =	vst v1;
	v47 =	vmin.u32 v7, $0x1400  }
0x45: {  	v44 =	vld [tilespmem:s29+$0x30];
	v8 =	vadd.s32 $0xFFFFEC00, v0;
	v0 =	vmin.u32 v0, $0x1400;
	[tilespmem:s29+$0x506D] =	vst v47  }
0x46: {  	v48 =	vld [tilespmem:s29+$0x30];
	v49 =	vmin.u32 v8, $0x1400;
	[tilespmem:s29+$0x2800] =	vst v0  }
0x47: {  	v50 =	vld [tilespmem:s29+$0x40];
	v9 =	vadd.s32 $0xFFFFEC00, v4;
	v59 =	vmin.u32 v4, $0x1400;
	[tilespmem:s29+$0x5000] =	vst v49  }
0x48: {  	v10 =	vld [tilespmem:s29+$0x50];
	v51 =	vmin.u32 v9, $0x1400;
	[tilespmem:s29+$0x2810] =	vst v59  }
0x49: {  	v46 =	vld [tilespmem:s29+$0x40];
	v52 =	vadd.s32 $0xFFFFEC00, v6;
	v60 =	vmin.u32 v6, $0x1400;
	[tilespmem:s29+$0x5010] =	vst v51  }
0x4a: {  	v5 =	vld [tilespmem:s29+$0x50];
	v53 =	vmin.u32 v52, $0x1400;
	[tilespmem:s29+$0x2820] =	vst v60  }
0x4b: {  	v61 =	vmin.u32 v48, $0x1400;
	[tilespmem:s29+$0x5020] =	vst v53  }
0x4c: {  	v62 =	vmin.u32 v50, $0x1400;
	[tilespmem:s29+$0x2830] =	vst v61  }
0x4d: {  	v2 =	vadd.s32 $0xFFFFEC00, v44;
	v63 =	vmin.u32 v10, $0x1400;
	[tilespmem:s29+$0x2840] =	vst v62  }
0x4e: {  	v55 =	vadd.s32 $0xFFFFEC00, v46;
	v54 =	vmin.u32 v2, $0x1400;
	[tilespmem:s29+$0x2850] =	vst v63  }
0x4f: {  	v57 =	vadd.s32 $0xFFFFEC00, v5;
	v56 =	vmin.u32 v55, $0x1400;
	[tilespmem:s29+$0x5030] =	vst v54  }
0x50: {  	v58 =	vmin.u32 v57, $0x1400;
	[tilespmem:s29+$0x5040] =	vst v56  }
0x51: {  	[tilespmem:s29+$0x5050] =	vst v58  }
0x52: {  	[spmem:s11], [sflag:s10] =	dma.local [hbm:s6], $0x1480  }
0x53: {  	_ =	swait.ge [sflag:s8], $0x1480  }
0x54: {  	[sflag:s8] =	ssyncset.done $0x0  }
0x55: {  	[sflag:s8] =	ssyncadd.s32 $0xFFFFEB80  }
0x56: {  	[bflag:$0x0] =	sbarrier.arrive $0xFFFF  }
0x57: {  	[spmem:s2] =	stream.indirect.scatter.add.f32 [tilespmem:s9], [sflag:$0x1], $0x80, s13, s12, $0xb8;
	[tilespmem:$0x15C00] =	vst v63  }
0x58: {  	_ = 	snop  }
0x59: {  	[spmem:s2] =	stream.indirect.scatter.add.f32 [tilespmem:s9], [sflag:$0x2], $0x80, s14, s12, $0xb8;
	[tilespmem:$0x15C00] =	vst v63  }
0x5a: {  	_ = 	snop  }
0x5b: {  	[spmem:s2] =	stream.indirect.scatter.add.f32 [tilespmem:s9], [sflag:$0x3], $0x80, s15, s12, $0xb8;
	[tilespmem:$0x15C00] =	vst v63  }
0x5c: {  	_ = 	snop  }
0x5d: {  	[spmem:s2] =	stream.indirect.scatter.add.f32 [tilespmem:s9], [sflag:$0x4], $0x80, s16, s12, $0xb8;
	[tilespmem:$0x15C00] =	vst v63  }
0x5e: {  	_ =	swait.ge [sflag:s17], $0x3E80  }
0x5f: {  	[sflag:s17] =	ssyncset.done $0x0  }
0x60: {  	s28 =	simm.s32 $0x2A00;
	[sflag:s17] =	ssyncadd.s32 $0xFFFFC180  }
0x61: {  	[spmem:s2] =	stream.indirect.scatter.add.f32 [tilespmem:s9], [sflag:$0x1], $0x80, s28, s12, $0xb8;
	[tilespmem:$0x15C00] =	vst v63  }
0x62: {  	_ =	swait.ge [sflag:s18], $0x3E80  }
0x63: {  	[sflag:s18] =	ssyncset.done $0x0  }
0x64: {  	s28 =	simm.s32 $0x2A80;
	[sflag:s18] =	ssyncadd.s32 $0xFFFFC180  }
0x65: {  	[spmem:s2] =	stream.indirect.scatter.add.f32 [tilespmem:s9], [sflag:$0x2], $0x80, s28, s12, $0xb8;
	[tilespmem:$0x15C00] =	vst v63  }
0x66: {  	_ =	swait.ge [sflag:s19], $0x3E80  }
0x67: {  	[sflag:s19] =	ssyncset.done $0x0  }
0x68: {  	s28 =	simm.s32 $0x2B00;
	[sflag:s19] =	ssyncadd.s32 $0xFFFFC180  }
0x69: {  	[spmem:s2] =	stream.indirect.scatter.add.f32 [tilespmem:s9], [sflag:$0x3], $0x80, s28, s12, $0xb8;
	[tilespmem:$0x15C00] =	vst v63  }
0x6a: {  	_ =	swait.ge [sflag:s20], $0x3E80  }
0x6b: {  	[sflag:s20] =	ssyncset.done $0x0  }
0x6c: {  	s29 =	simm.s32 $0x2B80;
	s28 =	simm.s32 $0xFFFF7000;
	[sflag:s20] =	ssyncadd.s32 $0xFFFFC180  }
.LBB2_4:
0x6d: {  	[spmem:s2] =	stream.indirect.scatter.add.f32 [tilespmem:s9], [sflag:$0x4], $0x80, s29, s12, $0xb8;
	[tilespmem:$0x15C00] =	vst v63  }
0x6e: {  	s29 =	smov.u32 s28  }
0x6f: {  	p0 =	sne.s32 s28, $0xFFFFF800;
	s28 =	sadd.s32 $0x800, s28;
	_ =	swait.ge [sflag:s17], $0x3E80  }
0x70: {  	s29 =	sshra.s32 s29, $0x2;
	[sflag:s17] =	ssyncset.done $0x0  }
0x71: {  	s30 =	sadd.s32 $0x5000, s29;
	[sflag:s17] =	ssyncadd.s32 $0xFFFFC180  }
0x72: {  	[spmem:s2] =	stream.indirect.scatter.add.f32 [tilespmem:s9], [sflag:$0x1], $0x80, s30, s12, $0xb8;
	[tilespmem:$0x15C00] =	vst v63  }
0x73: {  	_ =	swait.ge [sflag:s18], $0x3E80  }
0x74: {  	[sflag:s18] =	ssyncset.done $0x0  }
0x75: {  	s30 =	sadd.s32 $0x5080, s29;
	[sflag:s18] =	ssyncadd.s32 $0xFFFFC180  }
0x76: {  	[spmem:s2] =	stream.indirect.scatter.add.f32 [tilespmem:s9], [sflag:$0x2], $0x80, s30, s12, $0xb8;
	[tilespmem:$0x15C00] =	vst v63  }
0x77: {  	_ =	swait.ge [sflag:s19], $0x3E80  }
0x78: {  	[sflag:s19] =	ssyncset.done $0x0  }
.Ltmp1:
0x79: {  	s30 =	sadd.s32 $0x5100, s29;
	[sflag:s19] =	ssyncadd.s32 $0xFFFFC180;
	(pc) =	sbr.rel @p0 .LBB2_4-.Ltmp1, $4  }
0x7a: {  	[spmem:s2] =	stream.indirect.scatter.add.f32 [tilespmem:s9], [sflag:$0x3], $0x80, s30, s12, $0xb8;
	[tilespmem:$0x15C00] =	vst v63  }
0x7b: {  	_ =	swait.ge [sflag:s20], $0x3E80  }
0x7c: {  	[sflag:s20] =	ssyncset.done $0x0  }
0x7d: {  	s29 =	sadd.s32 $0x5180, s29;
	[sflag:s20] =	ssyncadd.s32 $0xFFFFC180  }
0x7e: {  	[spmem:s2] =	stream.indirect.scatter.add.f32 [tilespmem:s9], [sflag:$0x4], $0x80, s29, s12, $0xb8;
	[tilespmem:$0x15C00] =	vst v63  }
0x7f: {  	_ =	swait.ge [sflag:s17], $0x3E80  }
0x80: {  	[sflag:s17] =	ssyncset.done $0x0  }
0x81: {  	[sflag:s17] =	ssyncadd.s32 $0xFFFFC180  }
0x82: {  	_ =	swait.ge [sflag:s18], $0x3E80  }
0x83: {  	[sflag:s18] =	ssyncset.done $0x0  }
0x84: {  	[sflag:s18] =	ssyncadd.s32 $0xFFFFC180  }
0x85: {  	_ =	swait.ge [sflag:s19], $0x3E80  }
0x86: {  	[sflag:s19] =	ssyncset.done $0x0  }
0x87: {  	[sflag:s19] =	ssyncadd.s32 $0xFFFFC180  }
0x88: {  	_ =	swait.ge [sflag:s20], $0x3E80  }
0x89: {  	[sflag:s20] =	ssyncset.done $0x0  }
0x8a: {  	[sflag:s20] =	ssyncadd.s32 $0xFFFFC180  }
0x8b: {  	[bflag:$0x0] =	sbarrier.arrive $0xFFFF  }
0x8c: {  	[hbm:s21], [sflag:s10] =	dma.local [spmem:s11], $0x1480  }
0x8d: {  	_ =	swait.ge [sflag:s8], $0x1480  }
0x8e: {  	[sflag:s8] =	ssyncset.done $0x0  }
0x8f: {  	[sflag:s8] =	ssyncadd.s32 $0xFFFFEB80  }
0x90: {  	[spmem:s11], [sflag:s10] =	dma.local [hbm:s6], $0x1480  }
0x91: {  	_ =	swait.ge [sflag:s8], $0x1480  }
0x92: {  	[sflag:s8] =	ssyncset.done $0x0  }
0x93: {  	[sflag:s8] =	ssyncadd.s32 $0xFFFFEB80  }
0x94: {  	[bflag:$0x0] =	sbarrier.arrive $0xFFFF  }
0x95: {  	[spmem:s2] =	stream.indirect.scatter.add.f32 [tilespmem:s9], [sflag:$0x1], $0x80, s22, s12, $0xb8;
	[tilespmem:$0x15C00] =	vst v63  }
0x96: {  	_ = 	snop  }
0x97: {  	[spmem:s2] =	stream.indirect.scatter.add.f32 [tilespmem:s9], [sflag:$0x2], $0x80, s23, s12, $0xb8;
	[tilespmem:$0x15C00] =	vst v63  }
0x98: {  	_ = 	snop  }
0x99: {  	[spmem:s2] =	stream.indirect.scatter.add.f32 [tilespmem:s9], [sflag:$0x3], $0x80, s24, s12, $0xb8;
	[tilespmem:$0x15C00] =	vst v63  }
0x9a: {  	_ = 	snop  }
0x9b: {  	[spmem:s2] =	stream.indirect.scatter.add.f32 [tilespmem:s9], [sflag:$0x4], $0x80, s25, s12, $0xb8;
	[tilespmem:$0x15C00] =	vst v63  }
0x9c: {  	_ =	swait.ge [sflag:s17], $0x3E80  }
0x9d: {  	[sflag:s17] =	ssyncset.done $0x0  }
0x9e: {  	s28 =	simm.s32 $0x5200;
	[sflag:s17] =	ssyncadd.s32 $0xFFFFC180  }
0x9f: {  	[spmem:s2] =	stream.indirect.scatter.add.f32 [tilespmem:s9], [sflag:$0x1], $0x80, s28, s12, $0xb8;
	[tilespmem:$0x15C00] =	vst v63  }
0xa0: {  	_ =	swait.ge [sflag:s18], $0x3E80  }
0xa1: {  	[sflag:s18] =	ssyncset.done $0x0  }
0xa2: {  	s28 =	simm.s32 $0x5280;
	[sflag:s18] =	ssyncadd.s32 $0xFFFFC180  }
0xa3: {  	[spmem:s2] =	stream.indirect.scatter.add.f32 [tilespmem:s9], [sflag:$0x2], $0x80, s28, s12, $0xb8;
	[tilespmem:$0x15C00] =	vst v63  }
0xa4: {  	_ =	swait.ge [sflag:s19], $0x3E80  }
0xa5: {  	[sflag:s19] =	ssyncset.done $0x0  }
0xa6: {  	s28 =	simm.s32 $0x5300;
	[sflag:s19] =	ssyncadd.s32 $0xFFFFC180  }
0xa7: {  	[spmem:s2] =	stream.indirect.scatter.add.f32 [tilespmem:s9], [sflag:$0x3], $0x80, s28, s12, $0xb8;
	[tilespmem:$0x15C00] =	vst v63  }
0xa8: {  	_ =	swait.ge [sflag:s20], $0x3E80  }
0xa9: {  	[sflag:s20] =	ssyncset.done $0x0  }
0xaa: {  	s29 =	simm.s32 $0x5380;
	s28 =	simm.s32 $0xFFFF7000;
	[sflag:s20] =	ssyncadd.s32 $0xFFFFC180  }
.LBB2_6:
0xab: {  	[spmem:s2] =	stream.indirect.scatter.add.f32 [tilespmem:s9], [sflag:$0x4], $0x80, s29, s12, $0xb8;
	[tilespmem:$0x15C00] =	vst v63  }
0xac: {  	s29 =	smov.u32 s28  }
0xad: {  	p0 =	sne.s32 s28, $0xFFFFF800;
	s28 =	sadd.s32 $0x800, s28;
	_ =	swait.ge [sflag:s17], $0x3E80  }
0xae: {  	s29 =	sshra.s32 s29, $0x2;
	[sflag:s17] =	ssyncset.done $0x0  }
0xaf: {  	s30 =	sadd.s32 $0x7800, s29;
	[sflag:s17] =	ssyncadd.s32 $0xFFFFC180  }
0xb0: {  	[spmem:s2] =	stream.indirect.scatter.add.f32 [tilespmem:s9], [sflag:$0x1], $0x80, s30, s12, $0xb8;
	[tilespmem:$0x15C00] =	vst v63  }
0xb1: {  	_ =	swait.ge [sflag:s18], $0x3E80  }
0xb2: {  	[sflag:s18] =	ssyncset.done $0x0  }
0xb3: {  	s30 =	sadd.s32 $0x7880, s29;
	[sflag:s18] =	ssyncadd.s32 $0xFFFFC180  }
0xb4: {  	[spmem:s2] =	stream.indirect.scatter.add.f32 [tilespmem:s9], [sflag:$0x2], $0x80, s30, s12, $0xb8;
	[tilespmem:$0x15C00] =	vst v63  }
0xb5: {  	_ =	swait.ge [sflag:s19], $0x3E80  }
0xb6: {  	[sflag:s19] =	ssyncset.done $0x0  }
.Ltmp2:
0xb7: {  	s30 =	sadd.s32 $0x7900, s29;
	[sflag:s19] =	ssyncadd.s32 $0xFFFFC180;
	(pc) =	sbr.rel @p0 .LBB2_6-.Ltmp2, $4  }
0xb8: {  	[spmem:s2] =	stream.indirect.scatter.add.f32 [tilespmem:s9], [sflag:$0x3], $0x80, s30, s12, $0xb8;
	[tilespmem:$0x15C00] =	vst v63  }
0xb9: {  	_ =	swait.ge [sflag:s20], $0x3E80  }
0xba: {  	[sflag:s20] =	ssyncset.done $0x0  }
0xbb: {  	s29 =	sadd.s32 $0x7980, s29;
	[sflag:s20] =	ssyncadd.s32 $0xFFFFC180  }
0xbc: {  	[spmem:s2] =	stream.indirect.scatter.add.f32 [tilespmem:s9], [sflag:$0x4], $0x80, s29, s12, $0xb8;
	[tilespmem:$0x15C00] =	vst v63  }
0xbd: {  	_ =	swait.ge [sflag:s17], $0x3E80  }
0xbe: {  	[sflag:s17] =	ssyncset.done $0x0  }
0xbf: {  	[sflag:s17] =	ssyncadd.s32 $0xFFFFC180  }
0xc0: {  	_ =	swait.ge [sflag:s18], $0x3E80  }
0xc1: {  	[sflag:s18] =	ssyncset.done $0x0  }
0xc2: {  	[sflag:s18] =	ssyncadd.s32 $0xFFFFC180  }
0xc3: {  	_ =	swait.ge [sflag:s19], $0x3E80  }
0xc4: {  	[sflag:s19] =	ssyncset.done $0x0  }
0xc5: {  	[sflag:s19] =	ssyncadd.s32 $0xFFFFC180  }
0xc6: {  	_ =	swait.ge [sflag:s20], $0x3E80  }
0xc7: {  	s26 =	sadd.s32 $0x1, s26;
	[sflag:s20] =	ssyncset.done $0x0  }
0xc8: {  	p0 =	sne.s32 s26, s7;
	[sflag:s20] =	ssyncadd.s32 $0xFFFFC180  }
.Ltmp3:
0xc9: {  	s28 =	sadd.s32 $0x14800, s21;
	[bflag:$0x0] =	sbarrier.arrive $0xFFFF;
	(pc) =	sbr.rel @p0 .LBB2_1-.Ltmp3, $4  }
0xca: {  	[hbm:s28], [sflag:s10] =	dma.local [spmem:s11], $0x1480  }
0xcb: {  	_ =	swait.ge [sflag:s8], $0x1480  }
0xcc: {  	[sflag:s8] =	ssyncset.done $0x0  }
0xcd: {  	[sflag:s8] =	ssyncadd.s32 $0xFFFFEB80  }
0xce: {  	_ =	sfence.sel $0x180000  }
0xcf: {  	[bflag:$0x0] =	sbarrier.arrive $0xFFFF  }
0xd0: {  	p0 =	sne.s32 s1, $0x0;
	_ =	strace $0x90000047  }
0xd1: {  	s0 =	sadd.s32 @!p0 $0x100000, s0;
	[bflag:$0x2] =	sbarrier.arrive $0xFFFF  }
0xd2: {  	[sflag:s0] =	ssyncadd.tile.s32 @!p0 $0x1;
	_ =	shalt  }
.Lfunc_end2:
_tile_overlayer_lowered:
.L_overlay_start_2:
0xd3: {  	(tag) =	ssettag $0x2  }
0xd4: {  	s0 =	rddreg [dreg:$0x0];
	s2 =	stileid.u32  }
0xd5: {  	s1 =	rddreg [dreg:$0x1];
	p0 =	sne.s32 s2, $0x0  }
0xd6: {  	s3 =	rddreg [dreg:$0x2];
	[bflag:$0x3] =	sbarrier.arrive $0xFFFF;
	s2 =	simm.s32 @!p0 $0x1C05  }
0xd7: {  	[timem:s3], [sflag:s2] =	dma.local @!p0 [hbm:s0], s1  }
0xd8: {  	s0 =	simm.s32 @!p0 $0x5  }
0xd9: {  	_ =	swait.ge @!p0 [sflag:s0], s1  }
0xda: {  	s1 =	ssub.s32 @!p0 $0x0, s1;
	[sflag:s0] =	ssyncset.done @!p0 $0x0  }
0xdb: {  	[sflag:s0] =	ssyncadd.s32 @!p0 s1  }
0xdc: {  	[bflag:$0x3] =	sbarrier.arrive $0xFFFF  }
0xdd: {  	_ =	shalt  }

</sc_bundles>
